<compile_context>
chip_gen: v7x
topology: tpu7x:2x2x1
jax: 0.10.2.dev20260603
libtpu: 0.0.44.dev20260713+nightly
codegen_flags: <defaults>
</compile_context>

<pallas_src>
import functools

import jax
import jax.numpy as jnp
from jax import lax
from jax.experimental import pallas as pl
from jax.experimental.pallas import tpu as pltpu
from jax.experimental.pallas import tpu_sc as plsc

_N = 8192
_B = 16
_XD = 128
_H = 256
_OUT = 10
_K = 32
_E = _N * _K
_RT = 256
_CT = 512
_TW = _H
_CB = 128
_NW = 32
_EPW = _E // _NW
_CH = 128


def _prep_body(x_ref, p16_ref, win_ref, wa_ref, wb_ref,
               tab_ref, hb_ref, h_ref, sq_ref):
    h = jnp.maximum(jnp.dot(x_ref[...], win_ref[...],
                            preferred_element_type=jnp.float32), 0.0)
    h_ref[...] = h
    tab_ref[...] = jnp.dot(h, wa_ref[...], preferred_element_type=jnp.float32)
    hb_ref[...] = jnp.dot(h, wb_ref[...], preferred_element_type=jnp.float32)
    p16 = p16_ref[...]
    sq_ref[...] = jnp.sum(p16 * p16, axis=1, keepdims=True)


def _prep(x, pos16, W_in, Wa, Wb):
    blk = 512
    return pl.pallas_call(
        _prep_body,
        grid=(_N // blk,),
        in_specs=[
            pl.BlockSpec((blk, _XD), lambda i: (i, 0)),
            pl.BlockSpec((blk, 16), lambda i: (i, 0)),
            pl.BlockSpec((_XD, _H), lambda i: (0, 0)),
            pl.BlockSpec((_H, _H), lambda i: (0, 0)),
            pl.BlockSpec((_H, _H), lambda i: (0, 0)),
        ],
        out_specs=[
            pl.BlockSpec((blk, _TW), lambda i: (i, 0)),
            pl.BlockSpec((blk, _H), lambda i: (i, 0)),
            pl.BlockSpec((blk, _H), lambda i: (i, 0)),
            pl.BlockSpec((blk, 1), lambda i: (i, 0)),
        ],
        out_shape=[
            jax.ShapeDtypeStruct((_N, _TW), jnp.float32),
            jax.ShapeDtypeStruct((_N, _H), jnp.float32),
            jax.ShapeDtypeStruct((_N, _H), jnp.float32),
            jax.ShapeDtypeStruct((_N, 1), jnp.float32),
        ],
    )(x, pos16, W_in, Wa, Wb)


def _knn_body(sinfo_ref, posr_ref, posc_ref, sqr_ref, sqc_ref, br_ref, bc_ref,
              bi_ref):
    t = pl.program_id(0)
    t_lo = sinfo_ref[0, t]
    n_t = sinfo_ref[1, t]
    pr = posr_ref[...]
    sqr = sqr_ref[...]
    br = br_ref[...]
    lane = lax.broadcasted_iota(jnp.int32, (_RT, _K), 1)

    def col_tile(i, carry):
        bd, bi = carry
        pc = posc_ref[pl.ds(i * _CT, _CT), :]
        dot = lax.dot_general(pr, pc, (((1,), (1,)), ((), ())),
                              preferred_element_type=jnp.float32)
        d = sqr + sqc_ref[i, :][None, :] - 2.0 * dot
        d = jnp.where(bc_ref[i, :][None, :] != br, jnp.inf, d)
        ids = lax.broadcasted_iota(jnp.int32, (_RT, _CT), 1) + i * _CT
        D = jnp.concatenate([d, bd], axis=1)
        I = jnp.concatenate([ids, bi], axis=1)
        nbd, nbi = bd, bi
        for p in range(_K):
            mv = jnp.min(D, axis=1, keepdims=True)
            cand = jnp.where(D == mv, I, jnp.int32(2**31 - 1))
            mi = jnp.min(cand, axis=1, keepdims=True)
            nbd = jnp.where(lane == p, mv, nbd)
            nbi = jnp.where(lane == p, mi, nbi)
            D = jnp.where((D == mv) & (I == mi), jnp.inf, D)
        return nbd, nbi

    bd0 = jnp.full((_RT, _K), jnp.inf, jnp.float32)
    bi0 = jnp.zeros((_RT, _K), jnp.int32)
    _, bi = lax.fori_loop(t_lo, t_lo + n_t, col_tile, (bd0, bi0))
    bi_ref[...] = bi


def _knn(sinfo, pos16, sqr, sqc2, br, bc2):
    grid_spec = pltpu.PrefetchScalarGridSpec(
        num_scalar_prefetch=1,
        grid=(_N // _RT,),
        in_specs=[
            pl.BlockSpec((_RT, 16), lambda t, s: (t, 0)),
            pl.BlockSpec((_N, 16), lambda t, s: (0, 0)),
            pl.BlockSpec((_RT, 1), lambda t, s: (t, 0)),
            pl.BlockSpec((_N // _CT, _CT), lambda t, s: (0, 0)),
            pl.BlockSpec((_RT, 1), lambda t, s: (t, 0)),
            pl.BlockSpec((_N // _CT, _CT), lambda t, s: (0, 0)),
        ],
        out_specs=pl.BlockSpec((_RT, _K), lambda t, s: (t, 0)),
    )
    return pl.pallas_call(
        _knn_body,
        grid_spec=grid_spec,
        out_shape=jax.ShapeDtypeStruct((_N, _K), jnp.int32),
    )(sinfo, pos16, pos16, sqr, sqc2, br, bc2)


def _sc_edges(tab, idx, posx, posy, posz):
    mesh = plsc.VectorSubcoreMesh(core_axis_name="c", subcore_axis_name="s")

    @functools.partial(
        pl.kernel,
        mesh=mesh,
        out_type=(jax.ShapeDtypeStruct((_E, _TW), jnp.float32),
                  jax.ShapeDtypeStruct((_E,), jnp.float32),
                  jax.ShapeDtypeStruct((_E,), jnp.float32),
                  jax.ShapeDtypeStruct((_E,), jnp.float32)),
        scratch_types=[
            pltpu.VMEM((_CH,), jnp.int32),
            pltpu.VMEM((_CH, _TW), jnp.float32),
            pltpu.VMEM((_CH,), jnp.float32),
            pltpu.VMEM((_CH,), jnp.float32),
            pltpu.VMEM((_CH,), jnp.float32),
            pltpu.SemaphoreType.DMA,
            pltpu.SemaphoreType.DMA,
            pltpu.SemaphoreType.DMA,
            pltpu.SemaphoreType.DMA,
        ],
    )
    def k(tab_hbm, idx_hbm, px_hbm, py_hbm, pz_hbm,
          out_hbm, ox_hbm, oy_hbm, oz_hbm,
          idx_v, rows_v, pxg_v, pyg_v, pzg_v, sem, semx, semy, semz):
        wid = lax.axis_index("s") * 2 + lax.axis_index("c")
        base = wid * _EPW

        def body(i, carry):
            off = base + i * _CH
            pltpu.sync_copy(idx_hbm.at[pl.ds(off, _CH)], idx_v)
            cp = pltpu.async_copy(tab_hbm.at[idx_v], rows_v, sem)
            cx = pltpu.async_copy(px_hbm.at[idx_v], pxg_v, semx)
            cy = pltpu.async_copy(py_hbm.at[idx_v], pyg_v, semy)
            cz = pltpu.async_copy(pz_hbm.at[idx_v], pzg_v, semz)
            cx.wait()
            pltpu.sync_copy(pxg_v, ox_hbm.at[pl.ds(off, _CH)])
            cy.wait()
            pltpu.sync_copy(pyg_v, oy_hbm.at[pl.ds(off, _CH)])
            cz.wait()
            pltpu.sync_copy(pzg_v, oz_hbm.at[pl.ds(off, _CH)])
            cp.wait()
            pltpu.sync_copy(rows_v, out_hbm.at[pl.ds(off, _CH)])
            return carry

        lax.fori_loop(0, _EPW // _CH, body, 0)

    return k(tab, idx, posx, posy, posz)


def _msg_body(g_ref, nx_ref, ny_ref, nz_ref, hb_ref, h_ref, pc_ref, we_ref,
              emb_ref):
    lane8 = lax.broadcasted_iota(jnp.int32, (_CB * _K, 8), 1)
    zero = jnp.zeros((_CB * _K, 8), jnp.float32)
    gp = jnp.where(lane8 == 1, nx_ref[...], zero)
    gp = jnp.where(lane8 == 2, ny_ref[...], gp)
    gp = jnp.where(lane8 == 3, nz_ref[...], gp)
    cp = jnp.broadcast_to(pc_ref[...][:, None, :],
                          (_CB, _K, 8)).reshape(_CB * _K, 8)
    diff = gp - cp
    d2e = jnp.sum(diff * diff, axis=1, keepdims=True)
    rd = jnp.sqrt(d2e + 1e-12)
    edir = diff / (rd + 1e-6)
    ea = jnp.where(lane8 == 0, rd, edir)
    ew = jnp.dot(ea, we_ref[...], preferred_element_type=jnp.float32)
    hbr = jnp.broadcast_to(hb_ref[...][:, None, :],
                           (_CB, _K, _H)).reshape(_CB * _K, _H)
    m = jnp.maximum(g_ref[...] + hbr + ew, 0.0)
    agg = jnp.sum(m.reshape(_CB, _K, _H), axis=1)
    emb_ref[...] = jnp.maximum(h_ref[...] + agg, 0.0)


def _msg(g, nx, ny, nz, hb, h, pos8, We8):
    return pl.pallas_call(
        _msg_body,
        grid=(_N // _CB,),
        in_specs=[
            pl.BlockSpec((_CB * _K, _TW), lambda i: (i, 0)),
            pl.BlockSpec((_CB * _K, 1), lambda i: (i, 0)),
            pl.BlockSpec((_CB * _K, 1), lambda i: (i, 0)),
            pl.BlockSpec((_CB * _K, 1), lambda i: (i, 0)),
            pl.BlockSpec((_CB, _H), lambda i: (i, 0)),
            pl.BlockSpec((_CB, _H), lambda i: (i, 0)),
            pl.BlockSpec((_CB, 8), lambda i: (i, 0)),
            pl.BlockSpec((8, _H), lambda i: (0, 0)),
        ],
        out_specs=pl.BlockSpec((_CB, _H), lambda i: (i, 0)),
        out_shape=jax.ShapeDtypeStruct((_N, _H), jnp.float32),
    )(g, nx, ny, nz, hb, h, pos8, We8)


def _head_body(emb_ref, bc_ref, w1_ref, b1_ref, w2_ref, b2_ref, w3_ref,
               b3_ref, out_ref):
    emb = emb_ref[...]
    gi = lax.broadcasted_iota(jnp.int32, (_B, _N), 0)
    P = jnp.where(gi == bc_ref[...], 1.0, 0.0)
    sums = jnp.dot(P, emb, preferred_element_type=jnp.float32)
    cnts = jnp.sum(P, axis=1, keepdims=True)
    pool = sums / jnp.maximum(cnts, 1.0)
    z = jnp.maximum(jnp.dot(pool, w1_ref[...],
                            preferred_element_type=jnp.float32) + b1_ref[...],
                    0.0)
    z = jnp.maximum(jnp.dot(z, w2_ref[...],
                            preferred_element_type=jnp.float32) + b2_ref[...],
                    0.0)
    out_ref[...] = jnp.dot(z, w3_ref[...],
                           preferred_element_type=jnp.float32) + b3_ref[...]


def _head(emb, bc, W1, b1, W2, b2, W3, b3):
    return pl.pallas_call(
        _head_body,
        out_shape=jax.ShapeDtypeStruct((_B, _OUT), jnp.float32),
    )(emb, bc, W1, b1, W2, b2, W3, b3)


def kernel(x, pos, batch, W_in, W_msg, W1, b1, W2, b2, W3, b3):
    b32 = batch.astype(jnp.int32)
    pos16 = jnp.pad(pos, ((0, 0), (1, 12)))
    Wa = W_msg[:_H]
    Wb = W_msg[_H:2 * _H]
    We8 = jnp.zeros((8, _H), W_msg.dtype).at[0:4].set(W_msg[2 * _H:])

    tab, hb, h, sq = _prep(x, pos16, W_in, Wa, Wb)

    rf = b32[::_RT]
    rl = b32[_RT - 1::_RT]
    lo = jnp.searchsorted(b32, rf, side="left").astype(jnp.int32)
    hi = jnp.searchsorted(b32, rl, side="right").astype(jnp.int32)
    t_lo = lo // _CT
    n_t = (hi + _CT - 1) // _CT - t_lo
    sinfo = jnp.stack([t_lo, n_t]).astype(jnp.int32)

    bi = _knn(sinfo, pos16, sq, sq.reshape(_N // _CT, _CT),
              b32.reshape(_N, 1), b32.reshape(_N // _CT, _CT))
    idx = bi.reshape(-1)

    g, nx, ny, nz = _sc_edges(tab, idx, pos[:, 0], pos[:, 1], pos[:, 2])
    emb = _msg(g, nx.reshape(_E, 1), ny.reshape(_E, 1), nz.reshape(_E, 1),
               hb, h, pos16[:, :8], We8)
    out = _head(emb, b32.reshape(1, _N), W1, b1.reshape(1, -1),
                W2, b2.reshape(1, -1), W3, b3.reshape(1, -1))
    return out

# --- scband reference (transcript-rebuilt; emitter-appended) ---
"""Pipeline reference for scband-base-model-28441273434138 (READ-ONLY COPY).

The authoritative reference and input builder live on the scoring server;
editing this copy changes nothing except your own understanding.
"""

import jax, jax.numpy as jnp
import numpy as np

N = 8192
B = 16
XD = 128
H = 256
OUT = 10
KR = 32


def setup_inputs(seed: int = 0) -> dict:
    key = jax.random.key(seed)
    ks = jax.random.split(key, 12)
    x = jax.random.normal(ks[0], (N, XD), dtype=jnp.float32)
    pos = jax.random.normal(ks[1], (N, 3), dtype=jnp.float32)
    batch = jnp.sort(jax.random.randint(ks[2], (N,), 0, B)).astype(jnp.int64)
    W_in = jax.random.normal(ks[3], (XD, H), dtype=jnp.float32) * 0.05
    W_msg = jax.random.normal(ks[4], (2 * H + 4, H), dtype=jnp.float32) * 0.05
    W1 = jax.random.normal(ks[5], (H, 2 * H), dtype=jnp.float32) * 0.05
    b1 = jnp.zeros((2 * H,), dtype=jnp.float32)
    W2 = jax.random.normal(ks[6], (2 * H, H), dtype=jnp.float32) * 0.05
    b2 = jnp.zeros((H,), dtype=jnp.float32)
    W3 = jax.random.normal(ks[7], (H, OUT), dtype=jnp.float32) * 0.05
    b3 = jnp.zeros((OUT,), dtype=jnp.float32)
    return {"x": x, "pos": pos, "batch": batch, "W_in": W_in, "W_msg": W_msg,
            "W1": W1, "b1": b1, "W2": W2, "b2": b2, "W3": W3, "b3": b3}


def knn_graph(pos, batch, k):
    # brute-force kNN with loop=True (self included), masked across graphs in the batch
    sq = jnp.sum(pos * pos, axis=1)
    d2 = sq[:, None] + sq[None, :] - 2.0 * (pos @ pos.T)  # [N, N]
    mask = batch[:, None] != batch[None, :]
    d2 = jnp.where(mask, jnp.inf, d2)
    _, idx = jax.lax.top_k(-d2, k)  # [N, k] nearest neighbors of each center node
    row = idx.reshape(-1)                      # neighbor (source)
    col = jnp.repeat(jnp.arange(N), k)         # center   (target)
    return jnp.stack([row, col], axis=0)


def calc_edge_attr(pos, edge_index):
    row, col = edge_index[0], edge_index[1]
    coord_diff = pos[row] - pos[col]
    rel_dist = jnp.sqrt(jnp.sum(coord_diff * coord_diff, axis=1, keepdims=True) + 1e-12)
    edge_dir = coord_diff / (rel_dist + 1e-06)
    return jnp.concatenate([rel_dist, edge_dir], axis=1)  # [E, 4]


def reference(x, pos, batch, W_in, W_msg, W1, b1, W2, b2, W3, b3):
    # calc_geo_feat: knn graph from coords (CoorsNorm is Identity for non-Track data)
    edge_index = knn_graph(pos, batch, KR)
    edge_attr = calc_edge_attr(pos, edge_index)
    row, col = edge_index[0], edge_index[1]
    # GDLencoder: one message-passing layer over the kNN graph
    h = jax.nn.relu(x @ W_in)
    msg_in = jnp.concatenate([h[row], h[col], edge_attr], axis=1)
    m = jax.nn.relu(msg_in @ W_msg)
    agg = jax.ops.segment_sum(m, col, num_segments=N)
    emb = jax.nn.relu(h + agg)
    # global_mean_pool per graph
    sums = jax.ops.segment_sum(emb, batch, num_segments=B)
    cnts = jax.ops.segment_sum(jnp.ones((N, 1), dtype=emb.dtype), batch, num_segments=B)
    pool_out = sums / jnp.maximum(cnts, 1.0)
    # classifier MLP [H, 2H, H, OUT], eval mode (dropout_p=0)
    z = jax.nn.relu(pool_out @ W1 + b1)
    z = jax.nn.relu(z @ W2 + b2)
    out = z @ W3 + b3
    return out

if __name__ == "__main__":
    import jax
    _d = setup_inputs()
    print(jax.jit(kernel)(*tuple(_d.values())))

</pallas_src>

<mosaic_0001>
#map = affine_map<(d0, d1) -> (0, 0)>
#map1 = affine_map<(d0, d1) -> (0)>
module attributes {stable_mosaic.version = 14 : i64} {
  func.func @k(%arg0: i32, %arg1: i32, %arg2: memref<8192x256xf32, #tpu.memory_space<hbm>>, %arg3: memref<262144xi32, #tpu.memory_space<hbm>>, %arg4: memref<8192xf32, #tpu.memory_space<hbm>>, %arg5: memref<8192xf32, #tpu.memory_space<hbm>>, %arg6: memref<8192xf32, #tpu.memory_space<hbm>>, %arg7: memref<262144x256xf32, #tpu.memory_space<hbm>>, %arg8: memref<262144xf32, #tpu.memory_space<hbm>>, %arg9: memref<262144xf32, #tpu.memory_space<hbm>>, %arg10: memref<262144xf32, #tpu.memory_space<hbm>>, %arg11: memref<128xi32, #tpu.memory_space<vmem>>, %arg12: memref<128x256xf32, #tpu.memory_space<vmem>>, %arg13: memref<128xf32, #tpu.memory_space<vmem>>, %arg14: memref<128xf32, #tpu.memory_space<vmem>>, %arg15: memref<128xf32, #tpu.memory_space<vmem>>, %arg16: memref<!tpu.dma_semaphore, #tpu.memory_space<semaphore_mem>>, %arg17: memref<!tpu.dma_semaphore, #tpu.memory_space<semaphore_mem>>, %arg18: memref<!tpu.dma_semaphore, #tpu.memory_space<semaphore_mem>>, %arg19: memref<!tpu.dma_semaphore, #tpu.memory_space<semaphore_mem>>) attributes {dimension_semantics = [#tpu.dimension_semantics<core_parallel>, #tpu.dimension_semantics<subcore_parallel>], iteration_bounds = array<i64: 2, 16>, scalar_prefetch = 0 : i64, scratch_operands = 9 : i64, tpu.core_type = #tpu.core_type<sc_vector_subcore>, window_params = [{transform_indices = #map}, {transform_indices = #map1}, {transform_indices = #map1}, {transform_indices = #map1}, {transform_indices = #map1}, {transform_indices = #map}, {transform_indices = #map1}, {transform_indices = #map1}, {transform_indices = #map1}]} {
    %mul3A = arith.constant 2 : i32
    %mul3A_0 = arith.muli %arg1, %mul3A : i32
    %add3A = arith.addi %mul3A_0, %arg0 : i32
    %mul3A_1 = arith.constant 8192 : i32
    %mul3A_2 = arith.muli %add3A, %mul3A_1 : i32
    %scan3A = arith.constant 0 : i32
    %scan3A_3 = arith.constant 0 : i32
    %scan3A_4 = arith.constant 64 : i32
    %scan3A_5 = arith.addi %scan3A_3, %scan3A_4 : i32
    %scan3A_6 = arith.constant 1 : i32
    scf.for %scan3A_8 = %scan3A_3 to %scan3A_5 step %scan3A_6  : i32 {
      %mul3A_9 = arith.constant 128 : i32
      %mul3A_10 = arith.muli %scan3A_8, %mul3A_9 : i32
      %add3A_11 = arith.addi %mul3A_2, %mul3A_10 : i32
      "tpu.region"() ({
        %run_scoped3A = tpu.sem_alloc : memref<!tpu.dma_semaphore, #tpu.memory_space<semaphore_mem>>
        %dma_start3A_28 = tpu.memref_slice %arg3[%add3A_11] : memref<262144xi32, #tpu.memory_space<hbm>> -> memref<128xi32, #tpu.memory_space<hbm>>
        %dma_start3A_29 = tpu.memref_slice %arg3[%add3A_11] : memref<262144xi32, #tpu.memory_space<hbm>> -> memref<128xi32, #tpu.memory_space<hbm>>
        tpu.enqueue_dma source(%dma_start3A_29 : memref<128xi32, #tpu.memory_space<hbm>>) target(%arg11 : memref<128xi32, #tpu.memory_space<vmem>>) target_semaphore(%run_scoped3A : memref<!tpu.dma_semaphore, #tpu.memory_space<semaphore_mem>>)
        %dma_wait3A_30 = tpu.memref_slice %arg3[%add3A_11] : memref<262144xi32, #tpu.memory_space<hbm>> -> memref<128xi32, #tpu.memory_space<hbm>>
        %dma_wait3A_31 = tpu.memref_slice %arg3[%add3A_11] : memref<262144xi32, #tpu.memory_space<hbm>> -> memref<128xi32, #tpu.memory_space<hbm>>
        tpu.wait_dma2 semaphore(%run_scoped3A : memref<!tpu.dma_semaphore, #tpu.memory_space<semaphore_mem>>) src(%dma_wait3A_31 : memref<128xi32, #tpu.memory_space<hbm>>) dst(%arg11 : memref<128xi32, #tpu.memory_space<vmem>>)
        tpu.yield
      }) : () -> ()
      %dma_start3A = arith.constant 0 : i32
      %dma_start3A_12 = arith.constant 0 : i32
      %dma_start3A_13 = tpu.memref_slice %arg2[%dma_start3A, %dma_start3A_12] : memref<8192x256xf32, #tpu.memory_space<hbm>> -> memref<8192x256xf32, #tpu.memory_space<hbm>>
      tpu.enqueue_indirect_dma source(%dma_start3A_13 : memref<8192x256xf32, #tpu.memory_space<hbm>>) target(%arg12 : memref<128x256xf32, #tpu.memory_space<vmem>>) offsets(%arg11 : memref<128xi32, #tpu.memory_space<vmem>>) semaphore(%arg16 : memref<!tpu.dma_semaphore, #tpu.memory_space<semaphore_mem>>)
      %dma_start3A_14 = arith.constant 0 : i32
      %dma_start3A_15 = tpu.memref_slice %arg4[%dma_start3A_14] : memref<8192xf32, #tpu.memory_space<hbm>> -> memref<8192xf32, #tpu.memory_space<hbm>>
      tpu.enqueue_indirect_dma source(%dma_start3A_15 : memref<8192xf32, #tpu.memory_space<hbm>>) target(%arg13 : memref<128xf32, #tpu.memory_space<vmem>>) offsets(%arg11 : memref<128xi32, #tpu.memory_space<vmem>>) semaphore(%arg17 : memref<!tpu.dma_semaphore, #tpu.memory_space<semaphore_mem>>)
      %dma_start3A_16 = arith.constant 0 : i32
      %dma_start3A_17 = tpu.memref_slice %arg5[%dma_start3A_16] : memref<8192xf32, #tpu.memory_space<hbm>> -> memref<8192xf32, #tpu.memory_space<hbm>>
      tpu.enqueue_indirect_dma source(%dma_start3A_17 : memref<8192xf32, #tpu.memory_space<hbm>>) target(%arg14 : memref<128xf32, #tpu.memory_space<vmem>>) offsets(%arg11 : memref<128xi32, #tpu.memory_space<vmem>>) semaphore(%arg18 : memref<!tpu.dma_semaphore, #tpu.memory_space<semaphore_mem>>)
      %dma_start3A_18 = arith.constant 0 : i32
      %dma_start3A_19 = tpu.memref_slice %arg6[%dma_start3A_18] : memref<8192xf32, #tpu.memory_space<hbm>> -> memref<8192xf32, #tpu.memory_space<hbm>>
      tpu.enqueue_indirect_dma source(%dma_start3A_19 : memref<8192xf32, #tpu.memory_space<hbm>>) target(%arg15 : memref<128xf32, #tpu.memory_space<vmem>>) offsets(%arg11 : memref<128xi32, #tpu.memory_space<vmem>>) semaphore(%arg19 : memref<!tpu.dma_semaphore, #tpu.memory_space<semaphore_mem>>)
      %dma_wait3A = arith.constant 0 : i32
      %dma_wait3A_20 = tpu.memref_slice %arg4[%dma_wait3A] : memref<8192xf32, #tpu.memory_space<hbm>> -> memref<8192xf32, #tpu.memory_space<hbm>>
      tpu.wait_indirect_dma semaphore(%arg17 : memref<!tpu.dma_semaphore, #tpu.memory_space<semaphore_mem>>) src(%dma_wait3A_20 : memref<8192xf32, #tpu.memory_space<hbm>>) dst(%arg13 : memref<128xf32, #tpu.memory_space<vmem>>)
      "tpu.region"() ({
        %run_scoped3A = tpu.sem_alloc : memref<!tpu.dma_semaphore, #tpu.memory_space<semaphore_mem>>
        %dma_start3A_28 = tpu.memref_slice %arg8[%add3A_11] : memref<262144xf32, #tpu.memory_space<hbm>> -> memref<128xf32, #tpu.memory_space<hbm>>
        %dma_start3A_29 = tpu.memref_slice %arg8[%add3A_11] : memref<262144xf32, #tpu.memory_space<hbm>> -> memref<128xf32, #tpu.memory_space<hbm>>
        tpu.enqueue_dma source(%arg13 : memref<128xf32, #tpu.memory_space<vmem>>) target(%dma_start3A_29 : memref<128xf32, #tpu.memory_space<hbm>>) target_semaphore(%run_scoped3A : memref<!tpu.dma_semaphore, #tpu.memory_space<semaphore_mem>>)
        %dma_wait3A_30 = tpu.memref_slice %arg8[%add3A_11] : memref<262144xf32, #tpu.memory_space<hbm>> -> memref<128xf32, #tpu.memory_space<hbm>>
        %dma_wait3A_31 = tpu.memref_slice %arg8[%add3A_11] : memref<262144xf32, #tpu.memory_space<hbm>> -> memref<128xf32, #tpu.memory_space<hbm>>
        tpu.wait_dma2 semaphore(%run_scoped3A : memref<!tpu.dma_semaphore, #tpu.memory_space<semaphore_mem>>) src(%arg13 : memref<128xf32, #tpu.memory_space<vmem>>) dst(%dma_wait3A_31 : memref<128xf32, #tpu.memory_space<hbm>>)
        tpu.yield
      }) : () -> ()
      %dma_wait3A_21 = arith.constant 0 : i32
      %dma_wait3A_22 = tpu.memref_slice %arg5[%dma_wait3A_21] : memref<8192xf32, #tpu.memory_space<hbm>> -> memref<8192xf32, #tpu.memory_space<hbm>>
      tpu.wait_indirect_dma semaphore(%arg18 : memref<!tpu.dma_semaphore, #tpu.memory_space<semaphore_mem>>) src(%dma_wait3A_22 : memref<8192xf32, #tpu.memory_space<hbm>>) dst(%arg14 : memref<128xf32, #tpu.memory_space<vmem>>)
      "tpu.region"() ({
        %run_scoped3A = tpu.sem_alloc : memref<!tpu.dma_semaphore, #tpu.memory_space<semaphore_mem>>
        %dma_start3A_28 = tpu.memref_slice %arg9[%add3A_11] : memref<262144xf32, #tpu.memory_space<hbm>> -> memref<128xf32, #tpu.memory_space<hbm>>
        %dma_start3A_29 = tpu.memref_slice %arg9[%add3A_11] : memref<262144xf32, #tpu.memory_space<hbm>> -> memref<128xf32, #tpu.memory_space<hbm>>
        tpu.enqueue_dma source(%arg14 : memref<128xf32, #tpu.memory_space<vmem>>) target(%dma_start3A_29 : memref<128xf32, #tpu.memory_space<hbm>>) target_semaphore(%run_scoped3A : memref<!tpu.dma_semaphore, #tpu.memory_space<semaphore_mem>>)
        %dma_wait3A_30 = tpu.memref_slice %arg9[%add3A_11] : memref<262144xf32, #tpu.memory_space<hbm>> -> memref<128xf32, #tpu.memory_space<hbm>>
        %dma_wait3A_31 = tpu.memref_slice %arg9[%add3A_11] : memref<262144xf32, #tpu.memory_space<hbm>> -> memref<128xf32, #tpu.memory_space<hbm>>
        tpu.wait_dma2 semaphore(%run_scoped3A : memref<!tpu.dma_semaphore, #tpu.memory_space<semaphore_mem>>) src(%arg14 : memref<128xf32, #tpu.memory_space<vmem>>) dst(%dma_wait3A_31 : memref<128xf32, #tpu.memory_space<hbm>>)
        tpu.yield
      }) : () -> ()
      %dma_wait3A_23 = arith.constant 0 : i32
      %dma_wait3A_24 = tpu.memref_slice %arg6[%dma_wait3A_23] : memref<8192xf32, #tpu.memory_space<hbm>> -> memref<8192xf32, #tpu.memory_space<hbm>>
      tpu.wait_indirect_dma semaphore(%arg19 : memref<!tpu.dma_semaphore, #tpu.memory_space<semaphore_mem>>) src(%dma_wait3A_24 : memref<8192xf32, #tpu.memory_space<hbm>>) dst(%arg15 : memref<128xf32, #tpu.memory_space<vmem>>)
      "tpu.region"() ({
        %run_scoped3A = tpu.sem_alloc : memref<!tpu.dma_semaphore, #tpu.memory_space<semaphore_mem>>
        %dma_start3A_28 = tpu.memref_slice %arg10[%add3A_11] : memref<262144xf32, #tpu.memory_space<hbm>> -> memref<128xf32, #tpu.memory_space<hbm>>
        %dma_start3A_29 = tpu.memref_slice %arg10[%add3A_11] : memref<262144xf32, #tpu.memory_space<hbm>> -> memref<128xf32, #tpu.memory_space<hbm>>
        tpu.enqueue_dma source(%arg15 : memref<128xf32, #tpu.memory_space<vmem>>) target(%dma_start3A_29 : memref<128xf32, #tpu.memory_space<hbm>>) target_semaphore(%run_scoped3A : memref<!tpu.dma_semaphore, #tpu.memory_space<semaphore_mem>>)
        %dma_wait3A_30 = tpu.memref_slice %arg10[%add3A_11] : memref<262144xf32, #tpu.memory_space<hbm>> -> memref<128xf32, #tpu.memory_space<hbm>>
        %dma_wait3A_31 = tpu.memref_slice %arg10[%add3A_11] : memref<262144xf32, #tpu.memory_space<hbm>> -> memref<128xf32, #tpu.memory_space<hbm>>
        tpu.wait_dma2 semaphore(%run_scoped3A : memref<!tpu.dma_semaphore, #tpu.memory_space<semaphore_mem>>) src(%arg15 : memref<128xf32, #tpu.memory_space<vmem>>) dst(%dma_wait3A_31 : memref<128xf32, #tpu.memory_space<hbm>>)
        tpu.yield
      }) : () -> ()
      %dma_wait3A_25 = arith.constant 0 : i32
      %dma_wait3A_26 = arith.constant 0 : i32
      %dma_wait3A_27 = tpu.memref_slice %arg2[%dma_wait3A_25, %dma_wait3A_26] : memref<8192x256xf32, #tpu.memory_space<hbm>> -> memref<8192x256xf32, #tpu.memory_space<hbm>>
      tpu.wait_indirect_dma semaphore(%arg16 : memref<!tpu.dma_semaphore, #tpu.memory_space<semaphore_mem>>) src(%dma_wait3A_27 : memref<8192x256xf32, #tpu.memory_space<hbm>>) dst(%arg12 : memref<128x256xf32, #tpu.memory_space<vmem>>)
      "tpu.region"() ({
        %run_scoped3A = tpu.sem_alloc : memref<!tpu.dma_semaphore, #tpu.memory_space<semaphore_mem>>
        %dma_start3A_28 = arith.constant 0 : i32
        %dma_start3A_29 = tpu.memref_slice %arg7[%add3A_11, %dma_start3A_28] : memref<262144x256xf32, #tpu.memory_space<hbm>> -> memref<128x256xf32, #tpu.memory_space<hbm>>
        %dma_start3A_30 = arith.constant 0 : i32
        %dma_start3A_31 = tpu.memref_slice %arg7[%add3A_11, %dma_start3A_30] : memref<262144x256xf32, #tpu.memory_space<hbm>> -> memref<128x256xf32, #tpu.memory_space<hbm>>
        tpu.enqueue_dma source(%arg12 : memref<128x256xf32, #tpu.memory_space<vmem>>) target(%dma_start3A_31 : memref<128x256xf32, #tpu.memory_space<hbm>>) target_semaphore(%run_scoped3A : memref<!tpu.dma_semaphore, #tpu.memory_space<semaphore_mem>>)
        %dma_wait3A_32 = arith.constant 0 : i32
        %dma_wait3A_33 = tpu.memref_slice %arg7[%add3A_11, %dma_wait3A_32] : memref<262144x256xf32, #tpu.memory_space<hbm>> -> memref<128x256xf32, #tpu.memory_space<hbm>>
        %dma_wait3A_34 = arith.constant 0 : i32
        %dma_wait3A_35 = tpu.memref_slice %arg7[%add3A_11, %dma_wait3A_34] : memref<262144x256xf32, #tpu.memory_space<hbm>> -> memref<128x256xf32, #tpu.memory_space<hbm>>
        tpu.wait_dma2 semaphore(%run_scoped3A : memref<!tpu.dma_semaphore, #tpu.memory_space<semaphore_mem>>) src(%arg12 : memref<128x256xf32, #tpu.memory_space<vmem>>) dst(%dma_wait3A_35 : memref<128x256xf32, #tpu.memory_space<hbm>>)
        tpu.yield
      }) : () -> ()
    }
    %scan3A_7 = arith.constant 64 : i32
    return
  }
}

module attributes {stable_mosaic.version = 14 : i64} {
  func.func @_prep_body(%arg0: i32, %arg1: memref<512x128xf32, #tpu.memory_space<vmem>>, %arg2: memref<512x16xf32, #tpu.memory_space<vmem>>, %arg3: memref<128x256xf32, #tpu.memory_space<vmem>>, %arg4: memref<256x256xf32, #tpu.memory_space<vmem>>, %arg5: memref<256x256xf32, #tpu.memory_space<vmem>>, %arg6: memref<512x256xf32, #tpu.memory_space<vmem>>, %arg7: memref<512x256xf32, #tpu.memory_space<vmem>>, %arg8: memref<512x256xf32, #tpu.memory_space<vmem>>, %arg9: memref<512x1xf32, #tpu.memory_space<vmem>>) attributes {dimension_semantics = [#tpu.dimension_semantics<arbitrary>], iteration_bounds = array<i64: 16>, scalar_prefetch = 0 : i64, scratch_operands = 0 : i64, tpu.core_type = #tpu.core_type<tc>, window_params = [{transform_indices = @transform_0, window_bounds = array<i64: 512, 128>}, {transform_indices = @transform_1, window_bounds = array<i64: 512, 16>}, {pipeline_mode = #tpu.pipeline_mode<synchronous>, transform_indices = @transform_2, window_bounds = array<i64: 128, 256>}, {pipeline_mode = #tpu.pipeline_mode<synchronous>, transform_indices = @transform_3, window_bounds = array<i64: 256, 256>}, {pipeline_mode = #tpu.pipeline_mode<synchronous>, transform_indices = @transform_4, window_bounds = array<i64: 256, 256>}, {transform_indices = @transform_5, window_bounds = array<i64: 512, 256>}, {transform_indices = @transform_6, window_bounds = array<i64: 512, 256>}, {transform_indices = @transform_7, window_bounds = array<i64: 512, 256>}, {transform_indices = @transform_8, window_bounds = array<i64: 512, 1>}]} {
    %get3A = arith.constant 0 : index
    %get3A_0 = arith.constant 0 : index
    %get3A_1 = vector.load %arg1[%get3A, %get3A_0] : memref<512x128xf32, #tpu.memory_space<vmem>>, vector<512x128xf32>
    %get3A_2 = arith.constant 0 : index
    %get3A_3 = arith.constant 0 : index
    %get3A_4 = vector.load %arg3[%get3A_2, %get3A_3] : memref<128x256xf32, #tpu.memory_space<vmem>>, vector<128x256xf32>
    %dot_general3A = arith.constant dense<0.000000e+00> : vector<512x256xf32>
    %dot_general3A_5 = tpu.matmul %get3A_1, %get3A_4, %dot_general3A {dimension_numbers = #tpu.dot_dimension_numbers<[1], [0], [0], [1], [0, 0, 1, 1], [], []>, transpose_lhs_hint = false} : vector<512x128xf32>, vector<128x256xf32>, vector<512x256xf32> -> vector<512x256xf32>
    %max3A = arith.constant 0.000000e+00 : f32
    %max3A_6 = vector.broadcast %max3A : f32 to vector<512x256xf32>
    %max3A_7 = arith.maximumf %dot_general3A_5, %max3A_6 : vector<512x256xf32>
    %swap3A = arith.constant 0 : index
    %swap3A_8 = arith.constant 0 : index
    %swap3A_9 = vector.load %arg8[%swap3A, %swap3A_8] : memref<512x256xf32, #tpu.memory_space<vmem>>, vector<512x256xf32>
    tpu.vector_store %arg8[%swap3A, %swap3A_8], %max3A_7 {strides = array<i32>} : memref<512x256xf32, #tpu.memory_space<vmem>>, vector<512x256xf32>,
    %get3A_10 = arith.constant 0 : index
    %get3A_11 = arith.constant 0 : index
    %get3A_12 = vector.load %arg4[%get3A_10, %get3A_11] : memref<256x256xf32, #tpu.memory_space<vmem>>, vector<256x256xf32>
    %dot_general3A_13 = arith.constant dense<0.000000e+00> : vector<512x256xf32>
    %dot_general3A_14 = tpu.matmul %max3A_7, %get3A_12, %dot_general3A_13 {dimension_numbers = #tpu.dot_dimension_numbers<[1], [0], [0], [1], [0, 0, 1, 1], [], []>, transpose_lhs_hint = false} : vector<512x256xf32>, vector<256x256xf32>, vector<512x256xf32> -> vector<512x256xf32>
    %swap3A_15 = arith.constant 0 : index
    %swap3A_16 = arith.constant 0 : index
    %swap3A_17 = vector.load %arg6[%swap3A_15, %swap3A_16] : memref<512x256xf32, #tpu.memory_space<vmem>>, vector<512x256xf32>
    tpu.vector_store %arg6[%swap3A_15, %swap3A_16], %dot_general3A_14 {strides = array<i32>} : memref<512x256xf32, #tpu.memory_space<vmem>>, vector<512x256xf32>,
    %get3A_18 = arith.constant 0 : index
    %get3A_19 = arith.constant 0 : index
    %get3A_20 = vector.load %arg5[%get3A_18, %get3A_19] : memref<256x256xf32, #tpu.memory_space<vmem>>, vector<256x256xf32>
    %dot_general3A_21 = arith.constant dense<0.000000e+00> : vector<512x256xf32>
    %dot_general3A_22 = tpu.matmul %max3A_7, %get3A_20, %dot_general3A_21 {dimension_numbers = #tpu.dot_dimension_numbers<[1], [0], [0], [1], [0, 0, 1, 1], [], []>, transpose_lhs_hint = false} : vector<512x256xf32>, vector<256x256xf32>, vector<512x256xf32> -> vector<512x256xf32>
    %swap3A_23 = arith.constant 0 : index
    %swap3A_24 = arith.constant 0 : index
    %swap3A_25 = vector.load %arg7[%swap3A_23, %swap3A_24] : memref<512x256xf32, #tpu.memory_space<vmem>>, vector<512x256xf32>
    tpu.vector_store %arg7[%swap3A_23, %swap3A_24], %dot_general3A_22 {strides = array<i32>} : memref<512x256xf32, #tpu.memory_space<vmem>>, vector<512x256xf32>,
    %get3A_26 = arith.constant 0 : index
    %get3A_27 = arith.constant 0 : index
    %get3A_28 = vector.load %arg2[%get3A_26, %get3A_27] : memref<512x16xf32, #tpu.memory_space<vmem>>, vector<512x16xf32>
    %mul3A = arith.mulf %get3A_28, %get3A_28 : vector<512x16xf32>
    %reduce_sum3A = arith.constant dense<0.000000e+00> : vector<512xf32>
    %reduce_sum3A_29 = vector.multi_reduction <add>, %mul3A, %reduce_sum3A [1] : vector<512x16xf32> to vector<512xf32>
    %broadcast_in_dim3A = vector.shape_cast %reduce_sum3A_29 : vector<512xf32> to vector<512x1xf32>
    %swap3A_30 = arith.constant 0 : index
    %swap3A_31 = arith.constant 0 : index
    %swap3A_32 = vector.load %arg9[%swap3A_30, %swap3A_31] : memref<512x1xf32, #tpu.memory_space<vmem>>, vector<512x1xf32>
    tpu.vector_store %arg9[%swap3A_30, %swap3A_31], %broadcast_in_dim3A {strides = array<i32>} : memref<512x1xf32, #tpu.memory_space<vmem>>, vector<512x1xf32>,
    return
  }
  func.func @transform_0(%arg0: i32) -> (i32, i32) {
    %c0_i32 = arith.constant 0 : i32
    %c0_i32_0 = arith.constant 0 : i32
    return %arg0, %c0_i32 : i32, i32
  }
  func.func @transform_1(%arg0: i32) -> (i32, i32) {
    %c0_i32 = arith.constant 0 : i32
    %c0_i32_0 = arith.constant 0 : i32
    return %arg0, %c0_i32 : i32, i32
  }
  func.func @transform_2(%arg0: i32) -> (i32, i32) {
    %c0_i32 = arith.constant 0 : i32
    %c0_i32_0 = arith.constant 0 : i32
    %c0_i32_1 = arith.constant 0 : i32
    return %c0_i32, %c0_i32_0 : i32, i32
  }
  func.func @transform_3(%arg0: i32) -> (i32, i32) {
    %c0_i32 = arith.constant 0 : i32
    %c0_i32_0 = arith.constant 0 : i32
    %c0_i32_1 = arith.constant 0 : i32
    return %c0_i32, %c0_i32_0 : i32, i32
  }
  func.func @transform_4(%arg0: i32) -> (i32, i32) {
    %c0_i32 = arith.constant 0 : i32
    %c0_i32_0 = arith.constant 0 : i32
    %c0_i32_1 = arith.constant 0 : i32
    return %c0_i32, %c0_i32_0 : i32, i32
  }
  func.func @transform_5(%arg0: i32) -> (i32, i32) {
    %c0_i32 = arith.constant 0 : i32
    %c0_i32_0 = arith.constant 0 : i32
    return %arg0, %c0_i32 : i32, i32
  }
  func.func @transform_6(%arg0: i32) -> (i32, i32) {
    %c0_i32 = arith.constant 0 : i32
    %c0_i32_0 = arith.constant 0 : i32
    return %arg0, %c0_i32 : i32, i32
  }
  func.func @transform_7(%arg0: i32) -> (i32, i32) {
    %c0_i32 = arith.constant 0 : i32
    %c0_i32_0 = arith.constant 0 : i32
    return %arg0, %c0_i32 : i32, i32
  }
  func.func @transform_8(%arg0: i32) -> (i32, i32) {
    %c0_i32 = arith.constant 0 : i32
    %c0_i32_0 = arith.constant 0 : i32
    return %arg0, %c0_i32 : i32, i32
  }
}

module attributes {stable_mosaic.version = 14 : i64} {
  func.func @_knn_body(%arg0: i32, %arg1: memref<2x32xi32, #tpu.memory_space<smem>>, %arg2: memref<256x16xf32, #tpu.memory_space<vmem>>, %arg3: memref<8192x16xf32, #tpu.memory_space<vmem>>, %arg4: memref<256x1xf32, #tpu.memory_space<vmem>>, %arg5: memref<16x512xf32, #tpu.memory_space<vmem>>, %arg6: memref<256x1xi32, #tpu.memory_space<vmem>>, %arg7: memref<16x512xi32, #tpu.memory_space<vmem>>, %arg8: memref<256x32xi32, #tpu.memory_space<vmem>>) attributes {dimension_semantics = [#tpu.dimension_semantics<arbitrary>], iteration_bounds = array<i64: 32>, scalar_prefetch = 1 : i64, scratch_operands = 0 : i64, tpu.core_type = #tpu.core_type<tc>, window_params = [{transform_indices = @transform_0, window_bounds = array<i64: 256, 16>}, {pipeline_mode = #tpu.pipeline_mode<synchronous>, transform_indices = @transform_1, window_bounds = array<i64: 8192, 16>}, {transform_indices = @transform_2, window_bounds = array<i64: 256, 1>}, {pipeline_mode = #tpu.pipeline_mode<synchronous>, transform_indices = @transform_3, window_bounds = array<i64: 16, 512>}, {transform_indices = @transform_4, window_bounds = array<i64: 256, 1>}, {pipeline_mode = #tpu.pipeline_mode<synchronous>, transform_indices = @transform_5, window_bounds = array<i64: 16, 512>}, {transform_indices = @transform_6, window_bounds = array<i64: 256, 32>}]} {
    %get3A = arith.constant 0 : index
    %get3A_0 = arith.index_cast %arg0 : i32 to index
    %get3A_1 = memref.load %arg1[%get3A, %get3A_0] : memref<2x32xi32, #tpu.memory_space<smem>>
    %get3A_2 = arith.constant 1 : index
    %get3A_3 = arith.index_cast %arg0 : i32 to index
    %get3A_4 = memref.load %arg1[%get3A_2, %get3A_3] : memref<2x32xi32, #tpu.memory_space<smem>>
    %get3A_5 = arith.constant 0 : index
    %get3A_6 = arith.constant 0 : index
    %get3A_7 = vector.load %arg2[%get3A_5, %get3A_6] : memref<256x16xf32, #tpu.memory_space<vmem>>, vector<256x16xf32>
    %get3A_8 = arith.constant 0 : index
    %get3A_9 = arith.constant 0 : index
    %get3A_10 = vector.load %arg4[%get3A_8, %get3A_9] : memref<256x1xf32, #tpu.memory_space<vmem>>, vector<256x1xf32>
    %get3A_11 = arith.constant 0 : index
    %get3A_12 = arith.constant 0 : index
    %get3A_13 = vector.load %arg6[%get3A_11, %get3A_12] : memref<256x1xi32, #tpu.memory_space<vmem>>, vector<256x1xi32>
    %iota3A = tpu.iota {dimensions = array<i32: 1>} : vector<256x32xi32>
    %broadcast_in_dim3A = arith.constant 0x7F800000 : f32
    %broadcast_in_dim3A_14 = vector.broadcast %broadcast_in_dim3A : f32 to vector<256x32xf32>
    %broadcast_in_dim3A_15 = arith.constant 0 : i32
    %broadcast_in_dim3A_16 = vector.broadcast %broadcast_in_dim3A_15 : i32 to vector<256x32xi32>
    %add3A = arith.addi %get3A_1, %get3A_4 : i32
    %while3A = arith.subi %add3A, %get3A_1 : i32
    %while3A_17 = arith.addi %get3A_1, %while3A : i32
    %while3A_18 = arith.constant 1 : i32
    %while3A_19 = arith.divsi %while3A, %while3A_18 : i32
    %while3A_20 = arith.muli %while3A_19, %while3A_18 : i32
    %while3A_21 = arith.addi %get3A_1, %while3A_20 : i32
    %while3A_22 = arith.constant 1 : i32
    %while3A_23:2 = scf.for %while3A_28 = %get3A_1 to %while3A_21 step %while3A_22 iter_args(%while3A_29 = %broadcast_in_dim3A_14, %while3A_30 = %broadcast_in_dim3A_16) -> (vector<256x32xf32>, vector<256x32xi32>)  : i32 {
      %mul3A = arith.constant 512 : i32
      %mul3A_31 = arith.muli %while3A_28, %mul3A : i32
      %get3A_32 = arith.index_cast %mul3A_31 : i32 to index
      %get3A_33 = arith.constant 0 : index
      %get3A_34 = vector.load %arg3[%get3A_32, %get3A_33] : memref<8192x16xf32, #tpu.memory_space<vmem>>, vector<512x16xf32>
      %dot_general3A = arith.constant dense<0.000000e+00> : vector<256x512xf32>
      %dot_general3A_35 = tpu.matmul %get3A_7, %get3A_34, %dot_general3A {dimension_numbers = #tpu.dot_dimension_numbers<[1], [1], [0], [0], [0, 0, 1, 0], [], []>, transpose_lhs_hint = false} : vector<256x16xf32>, vector<512x16xf32>, vector<256x512xf32> -> vector<256x512xf32>
      %get3A_36 = arith.index_cast %while3A_28 : i32 to index
      %get3A_37 = arith.constant 0 : index
      %get3A_38 = vector.load %arg5[%get3A_36, %get3A_37] : memref<16x512xf32, #tpu.memory_space<vmem>>, vector<1x512xf32>
      %get3A_39 = vector.shape_cast %get3A_38 : vector<1x512xf32> to vector<512xf32>
      %broadcast_in_dim3A_40 = vector.shape_cast %get3A_39 : vector<512xf32> to vector<1x512xf32>
      %add3A_41 = vector.broadcast %get3A_10 : vector<256x1xf32> to vector<256x512xf32>
      %add3A_42 = vector.broadcast %broadcast_in_dim3A_40 : vector<1x512xf32> to vector<256x512xf32>
      %add3A_43 = arith.addf %add3A_41, %add3A_42 : vector<256x512xf32>
      %mul3A_44 = arith.constant 2.000000e+00 : f32
      %mul3A_45 = vector.broadcast %mul3A_44 : f32 to vector<256x512xf32>
      %mul3A_46 = arith.mulf %mul3A_45, %dot_general3A_35 : vector<256x512xf32>
      %sub3A = arith.subf %add3A_43, %mul3A_46 : vector<256x512xf32>
      %get3A_47 = arith.index_cast %while3A_28 : i32 to index
      %get3A_48 = arith.constant 0 : index
      %get3A_49 = vector.load %arg7[%get3A_47, %get3A_48] : memref<16x512xi32, #tpu.memory_space<vmem>>, vector<1x512xi32>
      %get3A_50 = vector.shape_cast %get3A_49 : vector<1x512xi32> to vector<512xi32>
      %broadcast_in_dim3A_51 = vector.shape_cast %get3A_50 : vector<512xi32> to vector<1x512xi32>
      %ne3A = vector.broadcast %broadcast_in_dim3A_51 : vector<1x512xi32> to vector<256x512xi32>
      %ne3A_52 = vector.broadcast %get3A_13 : vector<256x1xi32> to vector<256x512xi32>
      %ne3A_53 = arith.cmpi ne, %ne3A, %ne3A_52 : vector<256x512xi32>
      %jit3A = arith.constant 0x7F800000 : f32
      %broadcast_in_dim3A_54 = vector.broadcast %jit3A : f32 to vector<256x512xf32>
      %select_n3A = arith.select %ne3A_53, %broadcast_in_dim3A_54, %sub3A : vector<256x512xi1>, vector<256x512xf32>
      %iota3A_55 = tpu.iota {dimensions = array<i32: 1>} : vector<256x512xi32>
      %mul3A_56 = arith.constant 512 : i32
      %mul3A_57 = arith.muli %while3A_28, %mul3A_56 : i32
      %add3A_58 = vector.broadcast %mul3A_57 : i32 to vector<256x512xi32>
      %add3A_59 = arith.addi %iota3A_55, %add3A_58 : vector<256x512xi32>
      %concatenate3A = tpu.concatenate %select_n3A, %while3A_29 in 1 : vector<256x512xf32>, vector<256x32xf32> -> vector<256x544xf32>
      %concatenate3A_60 = tpu.concatenate %add3A_59, %while3A_30 in 1 : vector<256x512xi32>, vector<256x32xi32> -> vector<256x544xi32>
      %reduce_min3A = arith.constant dense<0x7F800000> : vector<256xf32>
      %reduce_min3A_61 = vector.multi_reduction <minimumf>, %concatenate3A, %reduce_min3A [1] : vector<256x544xf32> to vector<256xf32>
      %broadcast_in_dim3A_62 = vector.shape_cast %reduce_min3A_61 : vector<256xf32> to vector<256x1xf32>
      %eq3A = vector.broadcast %broadcast_in_dim3A_62 : vector<256x1xf32> to vector<256x544xf32>
      %eq3A_63 = arith.cmpf oeq, %concatenate3A, %eq3A : vector<256x544xf32>
      %jit3A_64 = arith.constant 2147483647 : i32
      %broadcast_in_dim3A_65 = vector.broadcast %jit3A_64 : i32 to vector<256x544xi32>
      %select_n3A_66 = arith.select %eq3A_63, %concatenate3A_60, %broadcast_in_dim3A_65 : vector<256x544xi1>, vector<256x544xi32>
      %reduce_min3A_67 = arith.constant dense<2147483647> : vector<256xi32>
      %reduce_min3A_68 = vector.multi_reduction <minsi>, %select_n3A_66, %reduce_min3A_67 [1] : vector<256x544xi32> to vector<256xi32>
      %broadcast_in_dim3A_69 = vector.shape_cast %reduce_min3A_68 : vector<256xi32> to vector<256x1xi32>
      %eq3A_70 = arith.constant 0 : i32
      %eq3A_71 = vector.broadcast %eq3A_70 : i32 to vector<256x32xi32>
      %eq3A_72 = arith.cmpi eq, %iota3A, %eq3A_71 : vector<256x32xi32>
      %broadcast_in_dim3A_73 = vector.shape_cast %broadcast_in_dim3A_62 : vector<256x1xf32> to vector<256x1xf32>
      %broadcast_in_dim3A_74 = vector.broadcast %broadcast_in_dim3A_73 : vector<256x1xf32> to vector<256x32xf32>
      %select_n3A_75 = arith.select %eq3A_72, %broadcast_in_dim3A_74, %while3A_29 : vector<256x32xi1>, vector<256x32xf32>
      %eq3A_76 = arith.constant 0 : i32
      %eq3A_77 = vector.broadcast %eq3A_76 : i32 to vector<256x32xi32>
      %eq3A_78 = arith.cmpi eq, %iota3A, %eq3A_77 : vector<256x32xi32>
      %broadcast_in_dim3A_79 = vector.shape_cast %broadcast_in_dim3A_69 : vector<256x1xi32> to vector<256x1xi32>
      %broadcast_in_dim3A_80 = vector.broadcast %broadcast_in_dim3A_79 : vector<256x1xi32> to vector<256x32xi32>
      %select_n3A_81 = arith.select %eq3A_78, %broadcast_in_dim3A_80, %while3A_30 : vector<256x32xi1>, vector<256x32xi32>
      %eq3A_82 = vector.broadcast %broadcast_in_dim3A_62 : vector<256x1xf32> to vector<256x544xf32>
      %eq3A_83 = arith.cmpf oeq, %concatenate3A, %eq3A_82 : vector<256x544xf32>
      %eq3A_84 = vector.broadcast %broadcast_in_dim3A_69 : vector<256x1xi32> to vector<256x544xi32>
      %eq3A_85 = arith.cmpi eq, %concatenate3A_60, %eq3A_84 : vector<256x544xi32>
      %and3A = arith.andi %eq3A_83, %eq3A_85 : vector<256x544xi1>
      %jit3A_86 = arith.constant 0x7F800000 : f32
      %broadcast_in_dim3A_87 = vector.broadcast %jit3A_86 : f32 to vector<256x544xf32>
      %select_n3A_88 = arith.select %and3A, %broadcast_in_dim3A_87, %concatenate3A : vector<256x544xi1>, vector<256x544xf32>
      %reduce_min3A_89 = arith.constant dense<0x7F800000> : vector<256xf32>
      %reduce_min3A_90 = vector.multi_reduction <minimumf>, %select_n3A_88, %reduce_min3A_89 [1] : vector<256x544xf32> to vector<256xf32>
      %broadcast_in_dim3A_91 = vector.shape_cast %reduce_min3A_90 : vector<256xf32> to vector<256x1xf32>
      %eq3A_92 = vector.broadcast %broadcast_in_dim3A_91 : vector<256x1xf32> to vector<256x544xf32>
      %eq3A_93 = arith.cmpf oeq, %select_n3A_88, %eq3A_92 : vector<256x544xf32>
      %jit3A_94 = arith.constant 2147483647 : i32
      %broadcast_in_dim3A_95 = vector.broadcast %jit3A_94 : i32 to vector<256x544xi32>
      %select_n3A_96 = arith.select %eq3A_93, %concatenate3A_60, %broadcast_in_dim3A_95 : vector<256x544xi1>, vector<256x544xi32>
      %reduce_min3A_97 = arith.constant dense<2147483647> : vector<256xi32>
      %reduce_min3A_98 = vector.multi_reduction <minsi>, %select_n3A_96, %reduce_min3A_97 [1] : vector<256x544xi32> to vector<256xi32>
      %broadcast_in_dim3A_99 = vector.shape_cast %reduce_min3A_98 : vector<256xi32> to vector<256x1xi32>
      %eq3A_100 = arith.constant 1 : i32
      %eq3A_101 = vector.broadcast %eq3A_100 : i32 to vector<256x32xi32>
      %eq3A_102 = arith.cmpi eq, %iota3A, %eq3A_101 : vector<256x32xi32>
      %broadcast_in_dim3A_103 = vector.shape_cast %broadcast_in_dim3A_91 : vector<256x1xf32> to vector<256x1xf32>
      %broadcast_in_dim3A_104 = vector.broadcast %broadcast_in_dim3A_103 : vector<256x1xf32> to vector<256x32xf32>
      %select_n3A_105 = arith.select %eq3A_102, %broadcast_in_dim3A_104, %select_n3A_75 : vector<256x32xi1>, vector<256x32xf32>
      %eq3A_106 = arith.constant 1 : i32
      %eq3A_107 = vector.broadcast %eq3A_106 : i32 to vector<256x32xi32>
      %eq3A_108 = arith.cmpi eq, %iota3A, %eq3A_107 : vector<256x32xi32>
      %broadcast_in_dim3A_109 = vector.shape_cast %broadcast_in_dim3A_99 : vector<256x1xi32> to vector<256x1xi32>
      %broadcast_in_dim3A_110 = vector.broadcast %broadcast_in_dim3A_109 : vector<256x1xi32> to vector<256x32xi32>
      %select_n3A_111 = arith.select %eq3A_108, %broadcast_in_dim3A_110, %select_n3A_81 : vector<256x32xi1>, vector<256x32xi32>
      %eq3A_112 = vector.broadcast %broadcast_in_dim3A_91 : vector<256x1xf32> to vector<256x544xf32>
      %eq3A_113 = arith.cmpf oeq, %select_n3A_88, %eq3A_112 : vector<256x544xf32>
      %eq3A_114 = vector.broadcast %broadcast_in_dim3A_99 : vector<256x1xi32> to vector<256x544xi32>
      %eq3A_115 = arith.cmpi eq, %concatenate3A_60, %eq3A_114 : vector<256x544xi32>
      %and3A_116 = arith.andi %eq3A_113, %eq3A_115 : vector<256x544xi1>
      %jit3A_117 = arith.constant 0x7F800000 : f32
      %broadcast_in_dim3A_118 = vector.broadcast %jit3A_117 : f32 to vector<256x544xf32>
      %select_n3A_119 = arith.select %and3A_116, %broadcast_in_dim3A_118, %select_n3A_88 : vector<256x544xi1>, vector<256x544xf32>
      %reduce_min3A_120 = arith.constant dense<0x7F800000> : vector<256xf32>
      %reduce_min3A_121 = vector.multi_reduction <minimumf>, %select_n3A_119, %reduce_min3A_120 [1] : vector<256x544xf32> to vector<256xf32>
      %broadcast_in_dim3A_122 = vector.shape_cast %reduce_min3A_121 : vector<256xf32> to vector<256x1xf32>
      %eq3A_123 = vector.broadcast %broadcast_in_dim3A_122 : vector<256x1xf32> to vector<256x544xf32>
      %eq3A_124 = arith.cmpf oeq, %select_n3A_119, %eq3A_123 : vector<256x544xf32>
      %jit3A_125 = arith.constant 2147483647 : i32
      %broadcast_in_dim3A_126 = vector.broadcast %jit3A_125 : i32 to vector<256x544xi32>
      %select_n3A_127 = arith.select %eq3A_124, %concatenate3A_60, %broadcast_in_dim3A_126 : vector<256x544xi1>, vector<256x544xi32>
      %reduce_min3A_128 = arith.constant dense<2147483647> : vector<256xi32>
      %reduce_min3A_129 = vector.multi_reduction <minsi>, %select_n3A_127, %reduce_min3A_128 [1] : vector<256x544xi32> to vector<256xi32>
      %broadcast_in_dim3A_130 = vector.shape_cast %reduce_min3A_129 : vector<256xi32> to vector<256x1xi32>
      %eq3A_131 = arith.constant 2 : i32
      %eq3A_132 = vector.broadcast %eq3A_131 : i32 to vector<256x32xi32>
      %eq3A_133 = arith.cmpi eq, %iota3A, %eq3A_132 : vector<256x32xi32>
      %broadcast_in_dim3A_134 = vector.shape_cast %broadcast_in_dim3A_122 : vector<256x1xf32> to vector<256x1xf32>
      %broadcast_in_dim3A_135 = vector.broadcast %broadcast_in_dim3A_134 : vector<256x1xf32> to vector<256x32xf32>
      %select_n3A_136 = arith.select %eq3A_133, %broadcast_in_dim3A_135, %select_n3A_105 : vector<256x32xi1>, vector<256x32xf32>
      %eq3A_137 = arith.constant 2 : i32
      %eq3A_138 = vector.broadcast %eq3A_137 : i32 to vector<256x32xi32>
      %eq3A_139 = arith.cmpi eq, %iota3A, %eq3A_138 : vector<256x32xi32>
      %broadcast_in_dim3A_140 = vector.shape_cast %broadcast_in_dim3A_130 : vector<256x1xi32> to vector<256x1xi32>
      %broadcast_in_dim3A_141 = vector.broadcast %broadcast_in_dim3A_140 : vector<256x1xi32> to vector<256x32xi32>
      %select_n3A_142 = arith.select %eq3A_139, %broadcast_in_dim3A_141, %select_n3A_111 : vector<256x32xi1>, vector<256x32xi32>
      %eq3A_143 = vector.broadcast %broadcast_in_dim3A_122 : vector<256x1xf32> to vector<256x544xf32>
      %eq3A_144 = arith.cmpf oeq, %select_n3A_119, %eq3A_143 : vector<256x544xf32>
      %eq3A_145 = vector.broadcast %broadcast_in_dim3A_130 : vector<256x1xi32> to vector<256x544xi32>
      %eq3A_146 = arith.cmpi eq, %concatenate3A_60, %eq3A_145 : vector<256x544xi32>
      %and3A_147 = arith.andi %eq3A_144, %eq3A_146 : vector<256x544xi1>
      %jit3A_148 = arith.constant 0x7F800000 : f32
      %broadcast_in_dim3A_149 = vector.broadcast %jit3A_148 : f32 to vector<256x544xf32>
      %select_n3A_150 = arith.select %and3A_147, %broadcast_in_dim3A_149, %select_n3A_119 : vector<256x544xi1>, vector<256x544xf32>
      %reduce_min3A_151 = arith.constant dense<0x7F800000> : vector<256xf32>
      %reduce_min3A_152 = vector.multi_reduction <minimumf>, %select_n3A_150, %reduce_min3A_151 [1] : vector<256x544xf32> to vector<256xf32>
      %broadcast_in_dim3A_153 = vector.shape_cast %reduce_min3A_152 : vector<256xf32> to vector<256x1xf32>
      %eq3A_154 = vector.broadcast %broadcast_in_dim3A_153 : vector<256x1xf32> to vector<256x544xf32>
      %eq3A_155 = arith.cmpf oeq, %select_n3A_150, %eq3A_154 : vector<256x544xf32>
      %jit3A_156 = arith.constant 2147483647 : i32
      %broadcast_in_dim3A_157 = vector.broadcast %jit3A_156 : i32 to vector<256x544xi32>
      %select_n3A_158 = arith.select %eq3A_155, %concatenate3A_60, %broadcast_in_dim3A_157 : vector<256x544xi1>, vector<256x544xi32>
      %reduce_min3A_159 = arith.constant dense<2147483647> : vector<256xi32>
      %reduce_min3A_160 = vector.multi_reduction <minsi>, %select_n3A_158, %reduce_min3A_159 [1] : vector<256x544xi32> to vector<256xi32>
      %broadcast_in_dim3A_161 = vector.shape_cast %reduce_min3A_160 : vector<256xi32> to vector<256x1xi32>
      %eq3A_162 = arith.constant 3 : i32
      %eq3A_163 = vector.broadcast %eq3A_162 : i32 to vector<256x32xi32>
      %eq3A_164 = arith.cmpi eq, %iota3A, %eq3A_163 : vector<256x32xi32>
      %broadcast_in_dim3A_165 = vector.shape_cast %broadcast_in_dim3A_153 : vector<256x1xf32> to vector<256x1xf32>
      %broadcast_in_dim3A_166 = vector.broadcast %broadcast_in_dim3A_165 : vector<256x1xf32> to vector<256x32xf32>
      %select_n3A_167 = arith.select %eq3A_164, %broadcast_in_dim3A_166, %select_n3A_136 : vector<256x32xi1>, vector<256x32xf32>
      %eq3A_168 = arith.constant 3 : i32
      %eq3A_169 = vector.broadcast %eq3A_168 : i32 to vector<256x32xi32>
      %eq3A_170 = arith.cmpi eq, %iota3A, %eq3A_169 : vector<256x32xi32>
      %broadcast_in_dim3A_171 = vector.shape_cast %broadcast_in_dim3A_161 : vector<256x1xi32> to vector<256x1xi32>
      %broadcast_in_dim3A_172 = vector.broadcast %broadcast_in_dim3A_171 : vector<256x1xi32> to vector<256x32xi32>
      %select_n3A_173 = arith.select %eq3A_170, %broadcast_in_dim3A_172, %select_n3A_142 : vector<256x32xi1>, vector<256x32xi32>
      %eq3A_174 = vector.broadcast %broadcast_in_dim3A_153 : vector<256x1xf32> to vector<256x544xf32>
      %eq3A_175 = arith.cmpf oeq, %select_n3A_150, %eq3A_174 : vector<256x544xf32>
      %eq3A_176 = vector.broadcast %broadcast_in_dim3A_161 : vector<256x1xi32> to vector<256x544xi32>
      %eq3A_177 = arith.cmpi eq, %concatenate3A_60, %eq3A_176 : vector<256x544xi32>
      %and3A_178 = arith.andi %eq3A_175, %eq3A_177 : vector<256x544xi1>
      %jit3A_179 = arith.constant 0x7F800000 : f32
      %broadcast_in_dim3A_180 = vector.broadcast %jit3A_179 : f32 to vector<256x544xf32>
      %select_n3A_181 = arith.select %and3A_178, %broadcast_in_dim3A_180, %select_n3A_150 : vector<256x544xi1>, vector<256x544xf32>
      %reduce_min3A_182 = arith.constant dense<0x7F800000> : vector<256xf32>
      %reduce_min3A_183 = vector.multi_reduction <minimumf>, %select_n3A_181, %reduce_min3A_182 [1] : vector<256x544xf32> to vector<256xf32>
      %broadcast_in_dim3A_184 = vector.shape_cast %reduce_min3A_183 : vector<256xf32> to vector<256x1xf32>
      %eq3A_185 = vector.broadcast %broadcast_in_dim3A_184 : vector<256x1xf32> to vector<256x544xf32>
      %eq3A_186 = arith.cmpf oeq, %select_n3A_181, %eq3A_185 : vector<256x544xf32>
      %jit3A_187 = arith.constant 2147483647 : i32
      %broadcast_in_dim3A_188 = vector.broadcast %jit3A_187 : i32 to vector<256x544xi32>
      %select_n3A_189 = arith.select %eq3A_186, %concatenate3A_60, %broadcast_in_dim3A_188 : vector<256x544xi1>, vector<256x544xi32>
      %reduce_min3A_190 = arith.constant dense<2147483647> : vector<256xi32>
      %reduce_min3A_191 = vector.multi_reduction <minsi>, %select_n3A_189, %reduce_min3A_190 [1] : vector<256x544xi32> to vector<256xi32>
      %broadcast_in_dim3A_192 = vector.shape_cast %reduce_min3A_191 : vector<256xi32> to vector<256x1xi32>
      %eq3A_193 = arith.constant 4 : i32
      %eq3A_194 = vector.broadcast %eq3A_193 : i32 to vector<256x32xi32>
      %eq3A_195 = arith.cmpi eq, %iota3A, %eq3A_194 : vector<256x32xi32>
      %broadcast_in_dim3A_196 = vector.shape_cast %broadcast_in_dim3A_184 : vector<256x1xf32> to vector<256x1xf32>
      %broadcast_in_dim3A_197 = vector.broadcast %broadcast_in_dim3A_196 : vector<256x1xf32> to vector<256x32xf32>
      %select_n3A_198 = arith.select %eq3A_195, %broadcast_in_dim3A_197, %select_n3A_167 : vector<256x32xi1>, vector<256x32xf32>
      %eq3A_199 = arith.constant 4 : i32
      %eq3A_200 = vector.broadcast %eq3A_199 : i32 to vector<256x32xi32>
      %eq3A_201 = arith.cmpi eq, %iota3A, %eq3A_200 : vector<256x32xi32>
      %broadcast_in_dim3A_202 = vector.shape_cast %broadcast_in_dim3A_192 : vector<256x1xi32> to vector<256x1xi32>
      %broadcast_in_dim3A_203 = vector.broadcast %broadcast_in_dim3A_202 : vector<256x1xi32> to vector<256x32xi32>
      %select_n3A_204 = arith.select %eq3A_201, %broadcast_in_dim3A_203, %select_n3A_173 : vector<256x32xi1>, vector<256x32xi32>
      %eq3A_205 = vector.broadcast %broadcast_in_dim3A_184 : vector<256x1xf32> to vector<256x544xf32>
      %eq3A_206 = arith.cmpf oeq, %select_n3A_181, %eq3A_205 : vector<256x544xf32>
      %eq3A_207 = vector.broadcast %broadcast_in_dim3A_192 : vector<256x1xi32> to vector<256x544xi32>
      %eq3A_208 = arith.cmpi eq, %concatenate3A_60, %eq3A_207 : vector<256x544xi32>
      %and3A_209 = arith.andi %eq3A_206, %eq3A_208 : vector<256x544xi1>
      %jit3A_210 = arith.constant 0x7F800000 : f32
      %broadcast_in_dim3A_211 = vector.broadcast %jit3A_210 : f32 to vector<256x544xf32>
      %select_n3A_212 = arith.select %and3A_209, %broadcast_in_dim3A_211, %select_n3A_181 : vector<256x544xi1>, vector<256x544xf32>
      %reduce_min3A_213 = arith.constant dense<0x7F800000> : vector<256xf32>
      %reduce_min3A_214 = vector.multi_reduction <minimumf>, %select_n3A_212, %reduce_min3A_213 [1] : vector<256x544xf32> to vector<256xf32>
      %broadcast_in_dim3A_215 = vector.shape_cast %reduce_min3A_214 : vector<256xf32> to vector<256x1xf32>
      %eq3A_216 = vector.broadcast %broadcast_in_dim3A_215 : vector<256x1xf32> to vector<256x544xf32>
      %eq3A_217 = arith.cmpf oeq, %select_n3A_212, %eq3A_216 : vector<256x544xf32>
      %jit3A_218 = arith.constant 2147483647 : i32
      %broadcast_in_dim3A_219 = vector.broadcast %jit3A_218 : i32 to vector<256x544xi32>
      %select_n3A_220 = arith.select %eq3A_217, %concatenate3A_60, %broadcast_in_dim3A_219 : vector<256x544xi1>, vector<256x544xi32>
      %reduce_min3A_221 = arith.constant dense<2147483647> : vector<256xi32>
      %reduce_min3A_222 = vector.multi_reduction <minsi>, %select_n3A_220, %reduce_min3A_221 [1] : vector<256x544xi32> to vector<256xi32>
      %broadcast_in_dim3A_223 = vector.shape_cast %reduce_min3A_222 : vector<256xi32> to vector<256x1xi32>
      %eq3A_224 = arith.constant 5 : i32
      %eq3A_225 = vector.broadcast %eq3A_224 : i32 to vector<256x32xi32>
      %eq3A_226 = arith.cmpi eq, %iota3A, %eq3A_225 : vector<256x32xi32>
      %broadcast_in_dim3A_227 = vector.shape_cast %broadcast_in_dim3A_215 : vector<256x1xf32> to vector<256x1xf32>
      %broadcast_in_dim3A_228 = vector.broadcast %broadcast_in_dim3A_227 : vector<256x1xf32> to vector<256x32xf32>
      %select_n3A_229 = arith.select %eq3A_226, %broadcast_in_dim3A_228, %select_n3A_198 : vector<256x32xi1>, vector<256x32xf32>
      %eq3A_230 = arith.constant 5 : i32
      %eq3A_231 = vector.broadcast %eq3A_230 : i32 to vector<256x32xi32>
      %eq3A_232 = arith.cmpi eq, %iota3A, %eq3A_231 : vector<256x32xi32>
      %broadcast_in_dim3A_233 = vector.shape_cast %broadcast_in_dim3A_223 : vector<256x1xi32> to vector<256x1xi32>
      %broadcast_in_dim3A_234 = vector.broadcast %broadcast_in_dim3A_233 : vector<256x1xi32> to vector<256x32xi32>
      %select_n3A_235 = arith.select %eq3A_232, %broadcast_in_dim3A_234, %select_n3A_204 : vector<256x32xi1>, vector<256x32xi32>
      %eq3A_236 = vector.broadcast %broadcast_in_dim3A_215 : vector<256x1xf32> to vector<256x544xf32>
      %eq3A_237 = arith.cmpf oeq, %select_n3A_212, %eq3A_236 : vector<256x544xf32>
      %eq3A_238 = vector.broadcast %broadcast_in_dim3A_223 : vector<256x1xi32> to vector<256x544xi32>
      %eq3A_239 = arith.cmpi eq, %concatenate3A_60, %eq3A_238 : vector<256x544xi32>
      %and3A_240 = arith.andi %eq3A_237, %eq3A_239 : vector<256x544xi1>
      %jit3A_241 = arith.constant 0x7F800000 : f32
      %broadcast_in_dim3A_242 = vector.broadcast %jit3A_241 : f32 to vector<256x544xf32>
      %select_n3A_243 = arith.select %and3A_240, %broadcast_in_dim3A_242, %select_n3A_212 : vector<256x544xi1>, vector<256x544xf32>
      %reduce_min3A_244 = arith.constant dense<0x7F800000> : vector<256xf32>
      %reduce_min3A_245 = vector.multi_reduction <minimumf>, %select_n3A_243, %reduce_min3A_244 [1] : vector<256x544xf32> to vector<256xf32>
      %broadcast_in_dim3A_246 = vector.shape_cast %reduce_min3A_245 : vector<256xf32> to vector<256x1xf32>
      %eq3A_247 = vector.broadcast %broadcast_in_dim3A_246 : vector<256x1xf32> to vector<256x544xf32>
      %eq3A_248 = arith.cmpf oeq, %select_n3A_243, %eq3A_247 : vector<256x544xf32>
      %jit3A_249 = arith.constant 2147483647 : i32
      %broadcast_in_dim3A_250 = vector.broadcast %jit3A_249 : i32 to vector<256x544xi32>
      %select_n3A_251 = arith.select %eq3A_248, %concatenate3A_60, %broadcast_in_dim3A_250 : vector<256x544xi1>, vector<256x544xi32>
      %reduce_min3A_252 = arith.constant dense<2147483647> : vector<256xi32>
      %reduce_min3A_253 = vector.multi_reduction <minsi>, %select_n3A_251, %reduce_min3A_252 [1] : vector<256x544xi32> to vector<256xi32>
      %broadcast_in_dim3A_254 = vector.shape_cast %reduce_min3A_253 : vector<256xi32> to vector<256x1xi32>
      %eq3A_255 = arith.constant 6 : i32
      %eq3A_256 = vector.broadcast %eq3A_255 : i32 to vector<256x32xi32>
      %eq3A_257 = arith.cmpi eq, %iota3A, %eq3A_256 : vector<256x32xi32>
      %broadcast_in_dim3A_258 = vector.shape_cast %broadcast_in_dim3A_246 : vector<256x1xf32> to vector<256x1xf32>
      %broadcast_in_dim3A_259 = vector.broadcast %broadcast_in_dim3A_258 : vector<256x1xf32> to vector<256x32xf32>
      %select_n3A_260 = arith.select %eq3A_257, %broadcast_in_dim3A_259, %select_n3A_229 : vector<256x32xi1>, vector<256x32xf32>
      %eq3A_261 = arith.constant 6 : i32
      %eq3A_262 = vector.broadcast %eq3A_261 : i32 to vector<256x32xi32>
      %eq3A_263 = arith.cmpi eq, %iota3A, %eq3A_262 : vector<256x32xi32>
      %broadcast_in_dim3A_264 = vector.shape_cast %broadcast_in_dim3A_254 : vector<256x1xi32> to vector<256x1xi32>
      %broadcast_in_dim3A_265 = vector.broadcast %broadcast_in_dim3A_264 : vector<256x1xi32> to vector<256x32xi32>
      %select_n3A_266 = arith.select %eq3A_263, %broadcast_in_dim3A_265, %select_n3A_235 : vector<256x32xi1>, vector<256x32xi32>
      %eq3A_267 = vector.broadcast %broadcast_in_dim3A_246 : vector<256x1xf32> to vector<256x544xf32>
      %eq3A_268 = arith.cmpf oeq, %select_n3A_243, %eq3A_267 : vector<256x544xf32>
      %eq3A_269 = vector.broadcast %broadcast_in_dim3A_254 : vector<256x1xi32> to vector<256x544xi32>
      %eq3A_270 = arith.cmpi eq, %concatenate3A_60, %eq3A_269 : vector<256x544xi32>
      %and3A_271 = arith.andi %eq3A_268, %eq3A_270 : vector<256x544xi1>
      %jit3A_272 = arith.constant 0x7F800000 : f32
      %broadcast_in_dim3A_273 = vector.broadcast %jit3A_272 : f32 to vector<256x544xf32>
      %select_n3A_274 = arith.select %and3A_271, %broadcast_in_dim3A_273, %select_n3A_243 : vector<256x544xi1>, vector<256x544xf32>
      %reduce_min3A_275 = arith.constant dense<0x7F800000> : vector<256xf32>
      %reduce_min3A_276 = vector.multi_reduction <minimumf>, %select_n3A_274, %reduce_min3A_275 [1] : vector<256x544xf32> to vector<256xf32>
      %broadcast_in_dim3A_277 = vector.shape_cast %reduce_min3A_276 : vector<256xf32> to vector<256x1xf32>
      %eq3A_278 = vector.broadcast %broadcast_in_dim3A_277 : vector<256x1xf32> to vector<256x544xf32>
      %eq3A_279 = arith.cmpf oeq, %select_n3A_274, %eq3A_278 : vector<256x544xf32>
      %jit3A_280 = arith.constant 2147483647 : i32
      %broadcast_in_dim3A_281 = vector.broadcast %jit3A_280 : i32 to vector<256x544xi32>
      %select_n3A_282 = arith.select %eq3A_279, %concatenate3A_60, %broadcast_in_dim3A_281 : vector<256x544xi1>, vector<256x544xi32>
      %reduce_min3A_283 = arith.constant dense<2147483647> : vector<256xi32>
      %reduce_min3A_284 = vector.multi_reduction <minsi>, %select_n3A_282, %reduce_min3A_283 [1] : vector<256x544xi32> to vector<256xi32>
      %broadcast_in_dim3A_285 = vector.shape_cast %reduce_min3A_284 : vector<256xi32> to vector<256x1xi32>
      %eq3A_286 = arith.constant 7 : i32
      %eq3A_287 = vector.broadcast %eq3A_286 : i32 to vector<256x32xi32>
      %eq3A_288 = arith.cmpi eq, %iota3A, %eq3A_287 : vector<256x32xi32>
      %broadcast_in_dim3A_289 = vector.shape_cast %broadcast_in_dim3A_277 : vector<256x1xf32> to vector<256x1xf32>
      %broadcast_in_dim3A_290 = vector.broadcast %broadcast_in_dim3A_289 : vector<256x1xf32> to vector<256x32xf32>
      %select_n3A_291 = arith.select %eq3A_288, %broadcast_in_dim3A_290, %select_n3A_260 : vector<256x32xi1>, vector<256x32xf32>
      %eq3A_292 = arith.constant 7 : i32
      %eq3A_293 = vector.broadcast %eq3A_292 : i32 to vector<256x32xi32>
      %eq3A_294 = arith.cmpi eq, %iota3A, %eq3A_293 : vector<256x32xi32>
      %broadcast_in_dim3A_295 = vector.shape_cast %broadcast_in_dim3A_285 : vector<256x1xi32> to vector<256x1xi32>
      %broadcast_in_dim3A_296 = vector.broadcast %broadcast_in_dim3A_295 : vector<256x1xi32> to vector<256x32xi32>
      %select_n3A_297 = arith.select %eq3A_294, %broadcast_in_dim3A_296, %select_n3A_266 : vector<256x32xi1>, vector<256x32xi32>
      %eq3A_298 = vector.broadcast %broadcast_in_dim3A_277 : vector<256x1xf32> to vector<256x544xf32>
      %eq3A_299 = arith.cmpf oeq, %select_n3A_274, %eq3A_298 : vector<256x544xf32>
      %eq3A_300 = vector.broadcast %broadcast_in_dim3A_285 : vector<256x1xi32> to vector<256x544xi32>
      %eq3A_301 = arith.cmpi eq, %concatenate3A_60, %eq3A_300 : vector<256x544xi32>
      %and3A_302 = arith.andi %eq3A_299, %eq3A_301 : vector<256x544xi1>
      %jit3A_303 = arith.constant 0x7F800000 : f32
      %broadcast_in_dim3A_304 = vector.broadcast %jit3A_303 : f32 to vector<256x544xf32>
      %select_n3A_305 = arith.select %and3A_302, %broadcast_in_dim3A_304, %select_n3A_274 : vector<256x544xi1>, vector<256x544xf32>
      %reduce_min3A_306 = arith.constant dense<0x7F800000> : vector<256xf32>
      %reduce_min3A_307 = vector.multi_reduction <minimumf>, %select_n3A_305, %reduce_min3A_306 [1] : vector<256x544xf32> to vector<256xf32>
      %broadcast_in_dim3A_308 = vector.shape_cast %reduce_min3A_307 : vector<256xf32> to vector<256x1xf32>
      %eq3A_309 = vector.broadcast %broadcast_in_dim3A_308 : vector<256x1xf32> to vector<256x544xf32>
      %eq3A_310 = arith.cmpf oeq, %select_n3A_305, %eq3A_309 : vector<256x544xf32>
      %jit3A_311 = arith.constant 2147483647 : i32
      %broadcast_in_dim3A_312 = vector.broadcast %jit3A_311 : i32 to vector<256x544xi32>
      %select_n3A_313 = arith.select %eq3A_310, %concatenate3A_60, %broadcast_in_dim3A_312 : vector<256x544xi1>, vector<256x544xi32>
      %reduce_min3A_314 = arith.constant dense<2147483647> : vector<256xi32>
      %reduce_min3A_315 = vector.multi_reduction <minsi>, %select_n3A_313, %reduce_min3A_314 [1] : vector<256x544xi32> to vector<256xi32>
      %broadcast_in_dim3A_316 = vector.shape_cast %reduce_min3A_315 : vector<256xi32> to vector<256x1xi32>
      %eq3A_317 = arith.constant 8 : i32
      %eq3A_318 = vector.broadcast %eq3A_317 : i32 to vector<256x32xi32>
      %eq3A_319 = arith.cmpi eq, %iota3A, %eq3A_318 : vector<256x32xi32>
      %broadcast_in_dim3A_320 = vector.shape_cast %broadcast_in_dim3A_308 : vector<256x1xf32> to vector<256x1xf32>
      %broadcast_in_dim3A_321 = vector.broadcast %broadcast_in_dim3A_320 : vector<256x1xf32> to vector<256x32xf32>
      %select_n3A_322 = arith.select %eq3A_319, %broadcast_in_dim3A_321, %select_n3A_291 : vector<256x32xi1>, vector<256x32xf32>
      %eq3A_323 = arith.constant 8 : i32
      %eq3A_324 = vector.broadcast %eq3A_323 : i32 to vector<256x32xi32>
      %eq3A_325 = arith.cmpi eq, %iota3A, %eq3A_324 : vector<256x32xi32>
      %broadcast_in_dim3A_326 = vector.shape_cast %broadcast_in_dim3A_316 : vector<256x1xi32> to vector<256x1xi32>
      %broadcast_in_dim3A_327 = vector.broadcast %broadcast_in_dim3A_326 : vector<256x1xi32> to vector<256x32xi32>
      %select_n3A_328 = arith.select %eq3A_325, %broadcast_in_dim3A_327, %select_n3A_297 : vector<256x32xi1>, vector<256x32xi32>
      %eq3A_329 = vector.broadcast %broadcast_in_dim3A_308 : vector<256x1xf32> to vector<256x544xf32>
      %eq3A_330 = arith.cmpf oeq, %select_n3A_305, %eq3A_329 : vector<256x544xf32>
      %eq3A_331 = vector.broadcast %broadcast_in_dim3A_316 : vector<256x1xi32> to vector<256x544xi32>
      %eq3A_332 = arith.cmpi eq, %concatenate3A_60, %eq3A_331 : vector<256x544xi32>
      %and3A_333 = arith.andi %eq3A_330, %eq3A_332 : vector<256x544xi1>
      %jit3A_334 = arith.constant 0x7F800000 : f32
      %broadcast_in_dim3A_335 = vector.broadcast %jit3A_334 : f32 to vector<256x544xf32>
      %select_n3A_336 = arith.select %and3A_333, %broadcast_in_dim3A_335, %select_n3A_305 : vector<256x544xi1>, vector<256x544xf32>
      %reduce_min3A_337 = arith.constant dense<0x7F800000> : vector<256xf32>
      %reduce_min3A_338 = vector.multi_reduction <minimumf>, %select_n3A_336, %reduce_min3A_337 [1] : vector<256x544xf32> to vector<256xf32>
      %broadcast_in_dim3A_339 = vector.shape_cast %reduce_min3A_338 : vector<256xf32> to vector<256x1xf32>
      %eq3A_340 = vector.broadcast %broadcast_in_dim3A_339 : vector<256x1xf32> to vector<256x544xf32>
      %eq3A_341 = arith.cmpf oeq, %select_n3A_336, %eq3A_340 : vector<256x544xf32>
      %jit3A_342 = arith.constant 2147483647 : i32
      %broadcast_in_dim3A_343 = vector.broadcast %jit3A_342 : i32 to vector<256x544xi32>
      %select_n3A_344 = arith.select %eq3A_341, %concatenate3A_60, %broadcast_in_dim3A_343 : vector<256x544xi1>, vector<256x544xi32>
      %reduce_min3A_345 = arith.constant dense<2147483647> : vector<256xi32>
      %reduce_min3A_346 = vector.multi_reduction <minsi>, %select_n3A_344, %reduce_min3A_345 [1] : vector<256x544xi32> to vector<256xi32>
      %broadcast_in_dim3A_347 = vector.shape_cast %reduce_min3A_346 : vector<256xi32> to vector<256x1xi32>
      %eq3A_348 = arith.constant 9 : i32
      %eq3A_349 = vector.broadcast %eq3A_348 : i32 to vector<256x32xi32>
      %eq3A_350 = arith.cmpi eq, %iota3A, %eq3A_349 : vector<256x32xi32>
      %broadcast_in_dim3A_351 = vector.shape_cast %broadcast_in_dim3A_339 : vector<256x1xf32> to vector<256x1xf32>
      %broadcast_in_dim3A_352 = vector.broadcast %broadcast_in_dim3A_351 : vector<256x1xf32> to vector<256x32xf32>
      %select_n3A_353 = arith.select %eq3A_350, %broadcast_in_dim3A_352, %select_n3A_322 : vector<256x32xi1>, vector<256x32xf32>
      %eq3A_354 = arith.constant 9 : i32
      %eq3A_355 = vector.broadcast %eq3A_354 : i32 to vector<256x32xi32>
      %eq3A_356 = arith.cmpi eq, %iota3A, %eq3A_355 : vector<256x32xi32>
      %broadcast_in_dim3A_357 = vector.shape_cast %broadcast_in_dim3A_347 : vector<256x1xi32> to vector<256x1xi32>
      %broadcast_in_dim3A_358 = vector.broadcast %broadcast_in_dim3A_357 : vector<256x1xi32> to vector<256x32xi32>
      %select_n3A_359 = arith.select %eq3A_356, %broadcast_in_dim3A_358, %select_n3A_328 : vector<256x32xi1>, vector<256x32xi32>
      %eq3A_360 = vector.broadcast %broadcast_in_dim3A_339 : vector<256x1xf32> to vector<256x544xf32>
      %eq3A_361 = arith.cmpf oeq, %select_n3A_336, %eq3A_360 : vector<256x544xf32>
      %eq3A_362 = vector.broadcast %broadcast_in_dim3A_347 : vector<256x1xi32> to vector<256x544xi32>
      %eq3A_363 = arith.cmpi eq, %concatenate3A_60, %eq3A_362 : vector<256x544xi32>
      %and3A_364 = arith.andi %eq3A_361, %eq3A_363 : vector<256x544xi1>
      %jit3A_365 = arith.constant 0x7F800000 : f32
      %broadcast_in_dim3A_366 = vector.broadcast %jit3A_365 : f32 to vector<256x544xf32>
      %select_n3A_367 = arith.select %and3A_364, %broadcast_in_dim3A_366, %select_n3A_336 : vector<256x544xi1>, vector<256x544xf32>
      %reduce_min3A_368 = arith.constant dense<0x7F800000> : vector<256xf32>
      %reduce_min3A_369 = vector.multi_reduction <minimumf>, %select_n3A_367, %reduce_min3A_368 [1] : vector<256x544xf32> to vector<256xf32>
      %broadcast_in_dim3A_370 = vector.shape_cast %reduce_min3A_369 : vector<256xf32> to vector<256x1xf32>
      %eq3A_371 = vector.broadcast %broadcast_in_dim3A_370 : vector<256x1xf32> to vector<256x544xf32>
      %eq3A_372 = arith.cmpf oeq, %select_n3A_367, %eq3A_371 : vector<256x544xf32>
      %jit3A_373 = arith.constant 2147483647 : i32
      %broadcast_in_dim3A_374 = vector.broadcast %jit3A_373 : i32 to vector<256x544xi32>
      %select_n3A_375 = arith.select %eq3A_372, %concatenate3A_60, %broadcast_in_dim3A_374 : vector<256x544xi1>, vector<256x544xi32>
      %reduce_min3A_376 = arith.constant dense<2147483647> : vector<256xi32>
      %reduce_min3A_377 = vector.multi_reduction <minsi>, %select_n3A_375, %reduce_min3A_376 [1] : vector<256x544xi32> to vector<256xi32>
      %broadcast_in_dim3A_378 = vector.shape_cast %reduce_min3A_377 : vector<256xi32> to vector<256x1xi32>
      %eq3A_379 = arith.constant 10 : i32
      %eq3A_380 = vector.broadcast %eq3A_379 : i32 to vector<256x32xi32>
      %eq3A_381 = arith.cmpi eq, %iota3A, %eq3A_380 : vector<256x32xi32>
      %broadcast_in_dim3A_382 = vector.shape_cast %broadcast_in_dim3A_370 : vector<256x1xf32> to vector<256x1xf32>
      %broadcast_in_dim3A_383 = vector.broadcast %broadcast_in_dim3A_382 : vector<256x1xf32> to vector<256x32xf32>
      %select_n3A_384 = arith.select %eq3A_381, %broadcast_in_dim3A_383, %select_n3A_353 : vector<256x32xi1>, vector<256x32xf32>
      %eq3A_385 = arith.constant 10 : i32
      %eq3A_386 = vector.broadcast %eq3A_385 : i32 to vector<256x32xi32>
      %eq3A_387 = arith.cmpi eq, %iota3A, %eq3A_386 : vector<256x32xi32>
      %broadcast_in_dim3A_388 = vector.shape_cast %broadcast_in_dim3A_378 : vector<256x1xi32> to vector<256x1xi32>
      %broadcast_in_dim3A_389 = vector.broadcast %broadcast_in_dim3A_388 : vector<256x1xi32> to vector<256x32xi32>
      %select_n3A_390 = arith.select %eq3A_387, %broadcast_in_dim3A_389, %select_n3A_359 : vector<256x32xi1>, vector<256x32xi32>
      %eq3A_391 = vector.broadcast %broadcast_in_dim3A_370 : vector<256x1xf32> to vector<256x544xf32>
      %eq3A_392 = arith.cmpf oeq, %select_n3A_367, %eq3A_391 : vector<256x544xf32>
      %eq3A_393 = vector.broadcast %broadcast_in_dim3A_378 : vector<256x1xi32> to vector<256x544xi32>
      %eq3A_394 = arith.cmpi eq, %concatenate3A_60, %eq3A_393 : vector<256x544xi32>
      %and3A_395 = arith.andi %eq3A_392, %eq3A_394 : vector<256x544xi1>
      %jit3A_396 = arith.constant 0x7F800000 : f32
      %broadcast_in_dim3A_397 = vector.broadcast %jit3A_396 : f32 to vector<256x544xf32>
      %select_n3A_398 = arith.select %and3A_395, %broadcast_in_dim3A_397, %select_n3A_367 : vector<256x544xi1>, vector<256x544xf32>
      %reduce_min3A_399 = arith.constant dense<0x7F800000> : vector<256xf32>
      %reduce_min3A_400 = vector.multi_reduction <minimumf>, %select_n3A_398, %reduce_min3A_399 [1] : vector<256x544xf32> to vector<256xf32>
      %broadcast_in_dim3A_401 = vector.shape_cast %reduce_min3A_400 : vector<256xf32> to vector<256x1xf32>
      %eq3A_402 = vector.broadcast %broadcast_in_dim3A_401 : vector<256x1xf32> to vector<256x544xf32>
      %eq3A_403 = arith.cmpf oeq, %select_n3A_398, %eq3A_402 : vector<256x544xf32>
      %jit3A_404 = arith.constant 2147483647 : i32
      %broadcast_in_dim3A_405 = vector.broadcast %jit3A_404 : i32 to vector<256x544xi32>
      %select_n3A_406 = arith.select %eq3A_403, %concatenate3A_60, %broadcast_in_dim3A_405 : vector<256x544xi1>, vector<256x544xi32>
      %reduce_min3A_407 = arith.constant dense<2147483647> : vector<256xi32>
      %reduce_min3A_408 = vector.multi_reduction <minsi>, %select_n3A_406, %reduce_min3A_407 [1] : vector<256x544xi32> to vector<256xi32>
      %broadcast_in_dim3A_409 = vector.shape_cast %reduce_min3A_408 : vector<256xi32> to vector<256x1xi32>
      %eq3A_410 = arith.constant 11 : i32
      %eq3A_411 = vector.broadcast %eq3A_410 : i32 to vector<256x32xi32>
      %eq3A_412 = arith.cmpi eq, %iota3A, %eq3A_411 : vector<256x32xi32>
      %broadcast_in_dim3A_413 = vector.shape_cast %broadcast_in_dim3A_401 : vector<256x1xf32> to vector<256x1xf32>
      %broadcast_in_dim3A_414 = vector.broadcast %broadcast_in_dim3A_413 : vector<256x1xf32> to vector<256x32xf32>
      %select_n3A_415 = arith.select %eq3A_412, %broadcast_in_dim3A_414, %select_n3A_384 : vector<256x32xi1>, vector<256x32xf32>
      %eq3A_416 = arith.constant 11 : i32
      %eq3A_417 = vector.broadcast %eq3A_416 : i32 to vector<256x32xi32>
      %eq3A_418 = arith.cmpi eq, %iota3A, %eq3A_417 : vector<256x32xi32>
      %broadcast_in_dim3A_419 = vector.shape_cast %broadcast_in_dim3A_409 : vector<256x1xi32> to vector<256x1xi32>
      %broadcast_in_dim3A_420 = vector.broadcast %broadcast_in_dim3A_419 : vector<256x1xi32> to vector<256x32xi32>
      %select_n3A_421 = arith.select %eq3A_418, %broadcast_in_dim3A_420, %select_n3A_390 : vector<256x32xi1>, vector<256x32xi32>
      %eq3A_422 = vector.broadcast %broadcast_in_dim3A_401 : vector<256x1xf32> to vector<256x544xf32>
      %eq3A_423 = arith.cmpf oeq, %select_n3A_398, %eq3A_422 : vector<256x544xf32>
      %eq3A_424 = vector.broadcast %broadcast_in_dim3A_409 : vector<256x1xi32> to vector<256x544xi32>
      %eq3A_425 = arith.cmpi eq, %concatenate3A_60, %eq3A_424 : vector<256x544xi32>
      %and3A_426 = arith.andi %eq3A_423, %eq3A_425 : vector<256x544xi1>
      %jit3A_427 = arith.constant 0x7F800000 : f32
      %broadcast_in_dim3A_428 = vector.broadcast %jit3A_427 : f32 to vector<256x544xf32>
      %select_n3A_429 = arith.select %and3A_426, %broadcast_in_dim3A_428, %select_n3A_398 : vector<256x544xi1>, vector<256x544xf32>
      %reduce_min3A_430 = arith.constant dense<0x7F800000> : vector<256xf32>
      %reduce_min3A_431 = vector.multi_reduction <minimumf>, %select_n3A_429, %reduce_min3A_430 [1] : vector<256x544xf32> to vector<256xf32>
      %broadcast_in_dim3A_432 = vector.shape_cast %reduce_min3A_431 : vector<256xf32> to vector<256x1xf32>
      %eq3A_433 = vector.broadcast %broadcast_in_dim3A_432 : vector<256x1xf32> to vector<256x544xf32>
      %eq3A_434 = arith.cmpf oeq, %select_n3A_429, %eq3A_433 : vector<256x544xf32>
      %jit3A_435 = arith.constant 2147483647 : i32
      %broadcast_in_dim3A_436 = vector.broadcast %jit3A_435 : i32 to vector<256x544xi32>
      %select_n3A_437 = arith.select %eq3A_434, %concatenate3A_60, %broadcast_in_dim3A_436 : vector<256x544xi1>, vector<256x544xi32>
      %reduce_min3A_438 = arith.constant dense<2147483647> : vector<256xi32>
      %reduce_min3A_439 = vector.multi_reduction <minsi>, %select_n3A_437, %reduce_min3A_438 [1] : vector<256x544xi32> to vector<256xi32>
      %broadcast_in_dim3A_440 = vector.shape_cast %reduce_min3A_439 : vector<256xi32> to vector<256x1xi32>
      %eq3A_441 = arith.constant 12 : i32
      %eq3A_442 = vector.broadcast %eq3A_441 : i32 to vector<256x32xi32>
      %eq3A_443 = arith.cmpi eq, %iota3A, %eq3A_442 : vector<256x32xi32>
      %broadcast_in_dim3A_444 = vector.shape_cast %broadcast_in_dim3A_432 : vector<256x1xf32> to vector<256x1xf32>
      %broadcast_in_dim3A_445 = vector.broadcast %broadcast_in_dim3A_444 : vector<256x1xf32> to vector<256x32xf32>
      %select_n3A_446 = arith.select %eq3A_443, %broadcast_in_dim3A_445, %select_n3A_415 : vector<256x32xi1>, vector<256x32xf32>
      %eq3A_447 = arith.constant 12 : i32
      %eq3A_448 = vector.broadcast %eq3A_447 : i32 to vector<256x32xi32>
      %eq3A_449 = arith.cmpi eq, %iota3A, %eq3A_448 : vector<256x32xi32>
      %broadcast_in_dim3A_450 = vector.shape_cast %broadcast_in_dim3A_440 : vector<256x1xi32> to vector<256x1xi32>
      %broadcast_in_dim3A_451 = vector.broadcast %broadcast_in_dim3A_450 : vector<256x1xi32> to vector<256x32xi32>
      %select_n3A_452 = arith.select %eq3A_449, %broadcast_in_dim3A_451, %select_n3A_421 : vector<256x32xi1>, vector<256x32xi32>
      %eq3A_453 = vector.broadcast %broadcast_in_dim3A_432 : vector<256x1xf32> to vector<256x544xf32>
      %eq3A_454 = arith.cmpf oeq, %select_n3A_429, %eq3A_453 : vector<256x544xf32>
      %eq3A_455 = vector.broadcast %broadcast_in_dim3A_440 : vector<256x1xi32> to vector<256x544xi32>
      %eq3A_456 = arith.cmpi eq, %concatenate3A_60, %eq3A_455 : vector<256x544xi32>
      %and3A_457 = arith.andi %eq3A_454, %eq3A_456 : vector<256x544xi1>
      %jit3A_458 = arith.constant 0x7F800000 : f32
      %broadcast_in_dim3A_459 = vector.broadcast %jit3A_458 : f32 to vector<256x544xf32>
      %select_n3A_460 = arith.select %and3A_457, %broadcast_in_dim3A_459, %select_n3A_429 : vector<256x544xi1>, vector<256x544xf32>
      %reduce_min3A_461 = arith.constant dense<0x7F800000> : vector<256xf32>
      %reduce_min3A_462 = vector.multi_reduction <minimumf>, %select_n3A_460, %reduce_min3A_461 [1] : vector<256x544xf32> to vector<256xf32>
      %broadcast_in_dim3A_463 = vector.shape_cast %reduce_min3A_462 : vector<256xf32> to vector<256x1xf32>
      %eq3A_464 = vector.broadcast %broadcast_in_dim3A_463 : vector<256x1xf32> to vector<256x544xf32>
      %eq3A_465 = arith.cmpf oeq, %select_n3A_460, %eq3A_464 : vector<256x544xf32>
      %jit3A_466 = arith.constant 2147483647 : i32
      %broadcast_in_dim3A_467 = vector.broadcast %jit3A_466 : i32 to vector<256x544xi32>
      %select_n3A_468 = arith.select %eq3A_465, %concatenate3A_60, %broadcast_in_dim3A_467 : vector<256x544xi1>, vector<256x544xi32>
      %reduce_min3A_469 = arith.constant dense<2147483647> : vector<256xi32>
      %reduce_min3A_470 = vector.multi_reduction <minsi>, %select_n3A_468, %reduce_min3A_469 [1] : vector<256x544xi32> to vector<256xi32>
      %broadcast_in_dim3A_471 = vector.shape_cast %reduce_min3A_470 : vector<256xi32> to vector<256x1xi32>
      %eq3A_472 = arith.constant 13 : i32
      %eq3A_473 = vector.broadcast %eq3A_472 : i32 to vector<256x32xi32>
      %eq3A_474 = arith.cmpi eq, %iota3A, %eq3A_473 : vector<256x32xi32>
      %broadcast_in_dim3A_475 = vector.shape_cast %broadcast_in_dim3A_463 : vector<256x1xf32> to vector<256x1xf32>
      %broadcast_in_dim3A_476 = vector.broadcast %broadcast_in_dim3A_475 : vector<256x1xf32> to vector<256x32xf32>
      %select_n3A_477 = arith.select %eq3A_474, %broadcast_in_dim3A_476, %select_n3A_446 : vector<256x32xi1>, vector<256x32xf32>
      %eq3A_478 = arith.constant 13 : i32
      %eq3A_479 = vector.broadcast %eq3A_478 : i32 to vector<256x32xi32>
      %eq3A_480 = arith.cmpi eq, %iota3A, %eq3A_479 : vector<256x32xi32>
      %broadcast_in_dim3A_481 = vector.shape_cast %broadcast_in_dim3A_471 : vector<256x1xi32> to vector<256x1xi32>
      %broadcast_in_dim3A_482 = vector.broadcast %broadcast_in_dim3A_481 : vector<256x1xi32> to vector<256x32xi32>
      %select_n3A_483 = arith.select %eq3A_480, %broadcast_in_dim3A_482, %select_n3A_452 : vector<256x32xi1>, vector<256x32xi32>
      %eq3A_484 = vector.broadcast %broadcast_in_dim3A_463 : vector<256x1xf32> to vector<256x544xf32>
      %eq3A_485 = arith.cmpf oeq, %select_n3A_460, %eq3A_484 : vector<256x544xf32>
      %eq3A_486 = vector.broadcast %broadcast_in_dim3A_471 : vector<256x1xi32> to vector<256x544xi32>
      %eq3A_487 = arith.cmpi eq, %concatenate3A_60, %eq3A_486 : vector<256x544xi32>
      %and3A_488 = arith.andi %eq3A_485, %eq3A_487 : vector<256x544xi1>
      %jit3A_489 = arith.constant 0x7F800000 : f32
      %broadcast_in_dim3A_490 = vector.broadcast %jit3A_489 : f32 to vector<256x544xf32>
      %select_n3A_491 = arith.select %and3A_488, %broadcast_in_dim3A_490, %select_n3A_460 : vector<256x544xi1>, vector<256x544xf32>
      %reduce_min3A_492 = arith.constant dense<0x7F800000> : vector<256xf32>
      %reduce_min3A_493 = vector.multi_reduction <minimumf>, %select_n3A_491, %reduce_min3A_492 [1] : vector<256x544xf32> to vector<256xf32>
      %broadcast_in_dim3A_494 = vector.shape_cast %reduce_min3A_493 : vector<256xf32> to vector<256x1xf32>
      %eq3A_495 = vector.broadcast %broadcast_in_dim3A_494 : vector<256x1xf32> to vector<256x544xf32>
      %eq3A_496 = arith.cmpf oeq, %select_n3A_491, %eq3A_495 : vector<256x544xf32>
      %jit3A_497 = arith.constant 2147483647 : i32
      %broadcast_in_dim3A_498 = vector.broadcast %jit3A_497 : i32 to vector<256x544xi32>
      %select_n3A_499 = arith.select %eq3A_496, %concatenate3A_60, %broadcast_in_dim3A_498 : vector<256x544xi1>, vector<256x544xi32>
      %reduce_min3A_500 = arith.constant dense<2147483647> : vector<256xi32>
      %reduce_min3A_501 = vector.multi_reduction <minsi>, %select_n3A_499, %reduce_min3A_500 [1] : vector<256x544xi32> to vector<256xi32>
      %broadcast_in_dim3A_502 = vector.shape_cast %reduce_min3A_501 : vector<256xi32> to vector<256x1xi32>
      %eq3A_503 = arith.constant 14 : i32
      %eq3A_504 = vector.broadcast %eq3A_503 : i32 to vector<256x32xi32>
      %eq3A_505 = arith.cmpi eq, %iota3A, %eq3A_504 : vector<256x32xi32>
      %broadcast_in_dim3A_506 = vector.shape_cast %broadcast_in_dim3A_494 : vector<256x1xf32> to vector<256x1xf32>
      %broadcast_in_dim3A_507 = vector.broadcast %broadcast_in_dim3A_506 : vector<256x1xf32> to vector<256x32xf32>
      %select_n3A_508 = arith.select %eq3A_505, %broadcast_in_dim3A_507, %select_n3A_477 : vector<256x32xi1>, vector<256x32xf32>
      %eq3A_509 = arith.constant 14 : i32
      %eq3A_510 = vector.broadcast %eq3A_509 : i32 to vector<256x32xi32>
      %eq3A_511 = arith.cmpi eq, %iota3A, %eq3A_510 : vector<256x32xi32>
      %broadcast_in_dim3A_512 = vector.shape_cast %broadcast_in_dim3A_502 : vector<256x1xi32> to vector<256x1xi32>
      %broadcast_in_dim3A_513 = vector.broadcast %broadcast_in_dim3A_512 : vector<256x1xi32> to vector<256x32xi32>
      %select_n3A_514 = arith.select %eq3A_511, %broadcast_in_dim3A_513, %select_n3A_483 : vector<256x32xi1>, vector<256x32xi32>
      %eq3A_515 = vector.broadcast %broadcast_in_dim3A_494 : vector<256x1xf32> to vector<256x544xf32>
      %eq3A_516 = arith.cmpf oeq, %select_n3A_491, %eq3A_515 : vector<256x544xf32>
      %eq3A_517 = vector.broadcast %broadcast_in_dim3A_502 : vector<256x1xi32> to vector<256x544xi32>
      %eq3A_518 = arith.cmpi eq, %concatenate3A_60, %eq3A_517 : vector<256x544xi32>
      %and3A_519 = arith.andi %eq3A_516, %eq3A_518 : vector<256x544xi1>
      %jit3A_520 = arith.constant 0x7F800000 : f32
      %broadcast_in_dim3A_521 = vector.broadcast %jit3A_520 : f32 to vector<256x544xf32>
      %select_n3A_522 = arith.select %and3A_519, %broadcast_in_dim3A_521, %select_n3A_491 : vector<256x544xi1>, vector<256x544xf32>
      %reduce_min3A_523 = arith.constant dense<0x7F800000> : vector<256xf32>
      %reduce_min3A_524 = vector.multi_reduction <minimumf>, %select_n3A_522, %reduce_min3A_523 [1] : vector<256x544xf32> to vector<256xf32>
      %broadcast_in_dim3A_525 = vector.shape_cast %reduce_min3A_524 : vector<256xf32> to vector<256x1xf32>
      %eq3A_526 = vector.broadcast %broadcast_in_dim3A_525 : vector<256x1xf32> to vector<256x544xf32>
      %eq3A_527 = arith.cmpf oeq, %select_n3A_522, %eq3A_526 : vector<256x544xf32>
      %jit3A_528 = arith.constant 2147483647 : i32
      %broadcast_in_dim3A_529 = vector.broadcast %jit3A_528 : i32 to vector<256x544xi32>
      %select_n3A_530 = arith.select %eq3A_527, %concatenate3A_60, %broadcast_in_dim3A_529 : vector<256x544xi1>, vector<256x544xi32>
      %reduce_min3A_531 = arith.constant dense<2147483647> : vector<256xi32>
      %reduce_min3A_532 = vector.multi_reduction <minsi>, %select_n3A_530, %reduce_min3A_531 [1] : vector<256x544xi32> to vector<256xi32>
      %broadcast_in_dim3A_533 = vector.shape_cast %reduce_min3A_532 : vector<256xi32> to vector<256x1xi32>
      %eq3A_534 = arith.constant 15 : i32
      %eq3A_535 = vector.broadcast %eq3A_534 : i32 to vector<256x32xi32>
      %eq3A_536 = arith.cmpi eq, %iota3A, %eq3A_535 : vector<256x32xi32>
      %broadcast_in_dim3A_537 = vector.shape_cast %broadcast_in_dim3A_525 : vector<256x1xf32> to vector<256x1xf32>
      %broadcast_in_dim3A_538 = vector.broadcast %broadcast_in_dim3A_537 : vector<256x1xf32> to vector<256x32xf32>
      %select_n3A_539 = arith.select %eq3A_536, %broadcast_in_dim3A_538, %select_n3A_508 : vector<256x32xi1>, vector<256x32xf32>
      %eq3A_540 = arith.constant 15 : i32
      %eq3A_541 = vector.broadcast %eq3A_540 : i32 to vector<256x32xi32>
      %eq3A_542 = arith.cmpi eq, %iota3A, %eq3A_541 : vector<256x32xi32>
      %broadcast_in_dim3A_543 = vector.shape_cast %broadcast_in_dim3A_533 : vector<256x1xi32> to vector<256x1xi32>
      %broadcast_in_dim3A_544 = vector.broadcast %broadcast_in_dim3A_543 : vector<256x1xi32> to vector<256x32xi32>
      %select_n3A_545 = arith.select %eq3A_542, %broadcast_in_dim3A_544, %select_n3A_514 : vector<256x32xi1>, vector<256x32xi32>
      %eq3A_546 = vector.broadcast %broadcast_in_dim3A_525 : vector<256x1xf32> to vector<256x544xf32>
      %eq3A_547 = arith.cmpf oeq, %select_n3A_522, %eq3A_546 : vector<256x544xf32>
      %eq3A_548 = vector.broadcast %broadcast_in_dim3A_533 : vector<256x1xi32> to vector<256x544xi32>
      %eq3A_549 = arith.cmpi eq, %concatenate3A_60, %eq3A_548 : vector<256x544xi32>
      %and3A_550 = arith.andi %eq3A_547, %eq3A_549 : vector<256x544xi1>
      %jit3A_551 = arith.constant 0x7F800000 : f32
      %broadcast_in_dim3A_552 = vector.broadcast %jit3A_551 : f32 to vector<256x544xf32>
      %select_n3A_553 = arith.select %and3A_550, %broadcast_in_dim3A_552, %select_n3A_522 : vector<256x544xi1>, vector<256x544xf32>
      %reduce_min3A_554 = arith.constant dense<0x7F800000> : vector<256xf32>
      %reduce_min3A_555 = vector.multi_reduction <minimumf>, %select_n3A_553, %reduce_min3A_554 [1] : vector<256x544xf32> to vector<256xf32>
      %broadcast_in_dim3A_556 = vector.shape_cast %reduce_min3A_555 : vector<256xf32> to vector<256x1xf32>
      %eq3A_557 = vector.broadcast %broadcast_in_dim3A_556 : vector<256x1xf32> to vector<256x544xf32>
      %eq3A_558 = arith.cmpf oeq, %select_n3A_553, %eq3A_557 : vector<256x544xf32>
      %jit3A_559 = arith.constant 2147483647 : i32
      %broadcast_in_dim3A_560 = vector.broadcast %jit3A_559 : i32 to vector<256x544xi32>
      %select_n3A_561 = arith.select %eq3A_558, %concatenate3A_60, %broadcast_in_dim3A_560 : vector<256x544xi1>, vector<256x544xi32>
      %reduce_min3A_562 = arith.constant dense<2147483647> : vector<256xi32>
      %reduce_min3A_563 = vector.multi_reduction <minsi>, %select_n3A_561, %reduce_min3A_562 [1] : vector<256x544xi32> to vector<256xi32>
      %broadcast_in_dim3A_564 = vector.shape_cast %reduce_min3A_563 : vector<256xi32> to vector<256x1xi32>
      %eq3A_565 = arith.constant 16 : i32
      %eq3A_566 = vector.broadcast %eq3A_565 : i32 to vector<256x32xi32>
      %eq3A_567 = arith.cmpi eq, %iota3A, %eq3A_566 : vector<256x32xi32>
      %broadcast_in_dim3A_568 = vector.shape_cast %broadcast_in_dim3A_556 : vector<256x1xf32> to vector<256x1xf32>
      %broadcast_in_dim3A_569 = vector.broadcast %broadcast_in_dim3A_568 : vector<256x1xf32> to vector<256x32xf32>
      %select_n3A_570 = arith.select %eq3A_567, %broadcast_in_dim3A_569, %select_n3A_539 : vector<256x32xi1>, vector<256x32xf32>
      %eq3A_571 = arith.constant 16 : i32
      %eq3A_572 = vector.broadcast %eq3A_571 : i32 to vector<256x32xi32>
      %eq3A_573 = arith.cmpi eq, %iota3A, %eq3A_572 : vector<256x32xi32>
      %broadcast_in_dim3A_574 = vector.shape_cast %broadcast_in_dim3A_564 : vector<256x1xi32> to vector<256x1xi32>
      %broadcast_in_dim3A_575 = vector.broadcast %broadcast_in_dim3A_574 : vector<256x1xi32> to vector<256x32xi32>
      %select_n3A_576 = arith.select %eq3A_573, %broadcast_in_dim3A_575, %select_n3A_545 : vector<256x32xi1>, vector<256x32xi32>
      %eq3A_577 = vector.broadcast %broadcast_in_dim3A_556 : vector<256x1xf32> to vector<256x544xf32>
      %eq3A_578 = arith.cmpf oeq, %select_n3A_553, %eq3A_577 : vector<256x544xf32>
      %eq3A_579 = vector.broadcast %broadcast_in_dim3A_564 : vector<256x1xi32> to vector<256x544xi32>
      %eq3A_580 = arith.cmpi eq, %concatenate3A_60, %eq3A_579 : vector<256x544xi32>
      %and3A_581 = arith.andi %eq3A_578, %eq3A_580 : vector<256x544xi1>
      %jit3A_582 = arith.constant 0x7F800000 : f32
      %broadcast_in_dim3A_583 = vector.broadcast %jit3A_582 : f32 to vector<256x544xf32>
      %select_n3A_584 = arith.select %and3A_581, %broadcast_in_dim3A_583, %select_n3A_553 : vector<256x544xi1>, vector<256x544xf32>
      %reduce_min3A_585 = arith.constant dense<0x7F800000> : vector<256xf32>
      %reduce_min3A_586 = vector.multi_reduction <minimumf>, %select_n3A_584, %reduce_min3A_585 [1] : vector<256x544xf32> to vector<256xf32>
      %broadcast_in_dim3A_587 = vector.shape_cast %reduce_min3A_586 : vector<256xf32> to vector<256x1xf32>
      %eq3A_588 = vector.broadcast %broadcast_in_dim3A_587 : vector<256x1xf32> to vector<256x544xf32>
      %eq3A_589 = arith.cmpf oeq, %select_n3A_584, %eq3A_588 : vector<256x544xf32>
      %jit3A_590 = arith.constant 2147483647 : i32
      %broadcast_in_dim3A_591 = vector.broadcast %jit3A_590 : i32 to vector<256x544xi32>
      %select_n3A_592 = arith.select %eq3A_589, %concatenate3A_60, %broadcast_in_dim3A_591 : vector<256x544xi1>, vector<256x544xi32>
      %reduce_min3A_593 = arith.constant dense<2147483647> : vector<256xi32>
      %reduce_min3A_594 = vector.multi_reduction <minsi>, %select_n3A_592, %reduce_min3A_593 [1] : vector<256x544xi32> to vector<256xi32>
      %broadcast_in_dim3A_595 = vector.shape_cast %reduce_min3A_594 : vector<256xi32> to vector<256x1xi32>
      %eq3A_596 = arith.constant 17 : i32
      %eq3A_597 = vector.broadcast %eq3A_596 : i32 to vector<256x32xi32>
      %eq3A_598 = arith.cmpi eq, %iota3A, %eq3A_597 : vector<256x32xi32>
      %broadcast_in_dim3A_599 = vector.shape_cast %broadcast_in_dim3A_587 : vector<256x1xf32> to vector<256x1xf32>
      %broadcast_in_dim3A_600 = vector.broadcast %broadcast_in_dim3A_599 : vector<256x1xf32> to vector<256x32xf32>
      %select_n3A_601 = arith.select %eq3A_598, %broadcast_in_dim3A_600, %select_n3A_570 : vector<256x32xi1>, vector<256x32xf32>
      %eq3A_602 = arith.constant 17 : i32
      %eq3A_603 = vector.broadcast %eq3A_602 : i32 to vector<256x32xi32>
      %eq3A_604 = arith.cmpi eq, %iota3A, %eq3A_603 : vector<256x32xi32>
      %broadcast_in_dim3A_605 = vector.shape_cast %broadcast_in_dim3A_595 : vector<256x1xi32> to vector<256x1xi32>
      %broadcast_in_dim3A_606 = vector.broadcast %broadcast_in_dim3A_605 : vector<256x1xi32> to vector<256x32xi32>
      %select_n3A_607 = arith.select %eq3A_604, %broadcast_in_dim3A_606, %select_n3A_576 : vector<256x32xi1>, vector<256x32xi32>
      %eq3A_608 = vector.broadcast %broadcast_in_dim3A_587 : vector<256x1xf32> to vector<256x544xf32>
      %eq3A_609 = arith.cmpf oeq, %select_n3A_584, %eq3A_608 : vector<256x544xf32>
      %eq3A_610 = vector.broadcast %broadcast_in_dim3A_595 : vector<256x1xi32> to vector<256x544xi32>
      %eq3A_611 = arith.cmpi eq, %concatenate3A_60, %eq3A_610 : vector<256x544xi32>
      %and3A_612 = arith.andi %eq3A_609, %eq3A_611 : vector<256x544xi1>
      %jit3A_613 = arith.constant 0x7F800000 : f32
      %broadcast_in_dim3A_614 = vector.broadcast %jit3A_613 : f32 to vector<256x544xf32>
      %select_n3A_615 = arith.select %and3A_612, %broadcast_in_dim3A_614, %select_n3A_584 : vector<256x544xi1>, vector<256x544xf32>
      %reduce_min3A_616 = arith.constant dense<0x7F800000> : vector<256xf32>
      %reduce_min3A_617 = vector.multi_reduction <minimumf>, %select_n3A_615, %reduce_min3A_616 [1] : vector<256x544xf32> to vector<256xf32>
      %broadcast_in_dim3A_618 = vector.shape_cast %reduce_min3A_617 : vector<256xf32> to vector<256x1xf32>
      %eq3A_619 = vector.broadcast %broadcast_in_dim3A_618 : vector<256x1xf32> to vector<256x544xf32>
      %eq3A_620 = arith.cmpf oeq, %select_n3A_615, %eq3A_619 : vector<256x544xf32>
      %jit3A_621 = arith.constant 2147483647 : i32
      %broadcast_in_dim3A_622 = vector.broadcast %jit3A_621 : i32 to vector<256x544xi32>
      %select_n3A_623 = arith.select %eq3A_620, %concatenate3A_60, %broadcast_in_dim3A_622 : vector<256x544xi1>, vector<256x544xi32>
      %reduce_min3A_624 = arith.constant dense<2147483647> : vector<256xi32>
      %reduce_min3A_625 = vector.multi_reduction <minsi>, %select_n3A_623, %reduce_min3A_624 [1] : vector<256x544xi32> to vector<256xi32>
      %broadcast_in_dim3A_626 = vector.shape_cast %reduce_min3A_625 : vector<256xi32> to vector<256x1xi32>
      %eq3A_627 = arith.constant 18 : i32
      %eq3A_628 = vector.broadcast %eq3A_627 : i32 to vector<256x32xi32>
      %eq3A_629 = arith.cmpi eq, %iota3A, %eq3A_628 : vector<256x32xi32>
      %broadcast_in_dim3A_630 = vector.shape_cast %broadcast_in_dim3A_618 : vector<256x1xf32> to vector<256x1xf32>
      %broadcast_in_dim3A_631 = vector.broadcast %broadcast_in_dim3A_630 : vector<256x1xf32> to vector<256x32xf32>
      %select_n3A_632 = arith.select %eq3A_629, %broadcast_in_dim3A_631, %select_n3A_601 : vector<256x32xi1>, vector<256x32xf32>
      %eq3A_633 = arith.constant 18 : i32
      %eq3A_634 = vector.broadcast %eq3A_633 : i32 to vector<256x32xi32>
      %eq3A_635 = arith.cmpi eq, %iota3A, %eq3A_634 : vector<256x32xi32>
      %broadcast_in_dim3A_636 = vector.shape_cast %broadcast_in_dim3A_626 : vector<256x1xi32> to vector<256x1xi32>
      %broadcast_in_dim3A_637 = vector.broadcast %broadcast_in_dim3A_636 : vector<256x1xi32> to vector<256x32xi32>
      %select_n3A_638 = arith.select %eq3A_635, %broadcast_in_dim3A_637, %select_n3A_607 : vector<256x32xi1>, vector<256x32xi32>
      %eq3A_639 = vector.broadcast %broadcast_in_dim3A_618 : vector<256x1xf32> to vector<256x544xf32>
      %eq3A_640 = arith.cmpf oeq, %select_n3A_615, %eq3A_639 : vector<256x544xf32>
      %eq3A_641 = vector.broadcast %broadcast_in_dim3A_626 : vector<256x1xi32> to vector<256x544xi32>
      %eq3A_642 = arith.cmpi eq, %concatenate3A_60, %eq3A_641 : vector<256x544xi32>
      %and3A_643 = arith.andi %eq3A_640, %eq3A_642 : vector<256x544xi1>
      %jit3A_644 = arith.constant 0x7F800000 : f32
      %broadcast_in_dim3A_645 = vector.broadcast %jit3A_644 : f32 to vector<256x544xf32>
      %select_n3A_646 = arith.select %and3A_643, %broadcast_in_dim3A_645, %select_n3A_615 : vector<256x544xi1>, vector<256x544xf32>
      %reduce_min3A_647 = arith.constant dense<0x7F800000> : vector<256xf32>
      %reduce_min3A_648 = vector.multi_reduction <minimumf>, %select_n3A_646, %reduce_min3A_647 [1] : vector<256x544xf32> to vector<256xf32>
      %broadcast_in_dim3A_649 = vector.shape_cast %reduce_min3A_648 : vector<256xf32> to vector<256x1xf32>
      %eq3A_650 = vector.broadcast %broadcast_in_dim3A_649 : vector<256x1xf32> to vector<256x544xf32>
      %eq3A_651 = arith.cmpf oeq, %select_n3A_646, %eq3A_650 : vector<256x544xf32>
      %jit3A_652 = arith.constant 2147483647 : i32
      %broadcast_in_dim3A_653 = vector.broadcast %jit3A_652 : i32 to vector<256x544xi32>
      %select_n3A_654 = arith.select %eq3A_651, %concatenate3A_60, %broadcast_in_dim3A_653 : vector<256x544xi1>, vector<256x544xi32>
      %reduce_min3A_655 = arith.constant dense<2147483647> : vector<256xi32>
      %reduce_min3A_656 = vector.multi_reduction <minsi>, %select_n3A_654, %reduce_min3A_655 [1] : vector<256x544xi32> to vector<256xi32>
      %broadcast_in_dim3A_657 = vector.shape_cast %reduce_min3A_656 : vector<256xi32> to vector<256x1xi32>
      %eq3A_658 = arith.constant 19 : i32
      %eq3A_659 = vector.broadcast %eq3A_658 : i32 to vector<256x32xi32>
      %eq3A_660 = arith.cmpi eq, %iota3A, %eq3A_659 : vector<256x32xi32>
      %broadcast_in_dim3A_661 = vector.shape_cast %broadcast_in_dim3A_649 : vector<256x1xf32> to vector<256x1xf32>
      %broadcast_in_dim3A_662 = vector.broadcast %broadcast_in_dim3A_661 : vector<256x1xf32> to vector<256x32xf32>
      %select_n3A_663 = arith.select %eq3A_660, %broadcast_in_dim3A_662, %select_n3A_632 : vector<256x32xi1>, vector<256x32xf32>
      %eq3A_664 = arith.constant 19 : i32
      %eq3A_665 = vector.broadcast %eq3A_664 : i32 to vector<256x32xi32>
      %eq3A_666 = arith.cmpi eq, %iota3A, %eq3A_665 : vector<256x32xi32>
      %broadcast_in_dim3A_667 = vector.shape_cast %broadcast_in_dim3A_657 : vector<256x1xi32> to vector<256x1xi32>
      %broadcast_in_dim3A_668 = vector.broadcast %broadcast_in_dim3A_667 : vector<256x1xi32> to vector<256x32xi32>
      %select_n3A_669 = arith.select %eq3A_666, %broadcast_in_dim3A_668, %select_n3A_638 : vector<256x32xi1>, vector<256x32xi32>
      %eq3A_670 = vector.broadcast %broadcast_in_dim3A_649 : vector<256x1xf32> to vector<256x544xf32>
      %eq3A_671 = arith.cmpf oeq, %select_n3A_646, %eq3A_670 : vector<256x544xf32>
      %eq3A_672 = vector.broadcast %broadcast_in_dim3A_657 : vector<256x1xi32> to vector<256x544xi32>
      %eq3A_673 = arith.cmpi eq, %concatenate3A_60, %eq3A_672 : vector<256x544xi32>
      %and3A_674 = arith.andi %eq3A_671, %eq3A_673 : vector<256x544xi1>
      %jit3A_675 = arith.constant 0x7F800000 : f32
      %broadcast_in_dim3A_676 = vector.broadcast %jit3A_675 : f32 to vector<256x544xf32>
      %select_n3A_677 = arith.select %and3A_674, %broadcast_in_dim3A_676, %select_n3A_646 : vector<256x544xi1>, vector<256x544xf32>
      %reduce_min3A_678 = arith.constant dense<0x7F800000> : vector<256xf32>
      %reduce_min3A_679 = vector.multi_reduction <minimumf>, %select_n3A_677, %reduce_min3A_678 [1] : vector<256x544xf32> to vector<256xf32>
      %broadcast_in_dim3A_680 = vector.shape_cast %reduce_min3A_679 : vector<256xf32> to vector<256x1xf32>
      %eq3A_681 = vector.broadcast %broadcast_in_dim3A_680 : vector<256x1xf32> to vector<256x544xf32>
      %eq3A_682 = arith.cmpf oeq, %select_n3A_677, %eq3A_681 : vector<256x544xf32>
      %jit3A_683 = arith.constant 2147483647 : i32
      %broadcast_in_dim3A_684 = vector.broadcast %jit3A_683 : i32 to vector<256x544xi32>
      %select_n3A_685 = arith.select %eq3A_682, %concatenate3A_60, %broadcast_in_dim3A_684 : vector<256x544xi1>, vector<256x544xi32>
      %reduce_min3A_686 = arith.constant dense<2147483647> : vector<256xi32>
      %reduce_min3A_687 = vector.multi_reduction <minsi>, %select_n3A_685, %reduce_min3A_686 [1] : vector<256x544xi32> to vector<256xi32>
      %broadcast_in_dim3A_688 = vector.shape_cast %reduce_min3A_687 : vector<256xi32> to vector<256x1xi32>
      %eq3A_689 = arith.constant 20 : i32
      %eq3A_690 = vector.broadcast %eq3A_689 : i32 to vector<256x32xi32>
      %eq3A_691 = arith.cmpi eq, %iota3A, %eq3A_690 : vector<256x32xi32>
      %broadcast_in_dim3A_692 = vector.shape_cast %broadcast_in_dim3A_680 : vector<256x1xf32> to vector<256x1xf32>
      %broadcast_in_dim3A_693 = vector.broadcast %broadcast_in_dim3A_692 : vector<256x1xf32> to vector<256x32xf32>
      %select_n3A_694 = arith.select %eq3A_691, %broadcast_in_dim3A_693, %select_n3A_663 : vector<256x32xi1>, vector<256x32xf32>
      %eq3A_695 = arith.constant 20 : i32
      %eq3A_696 = vector.broadcast %eq3A_695 : i32 to vector<256x32xi32>
      %eq3A_697 = arith.cmpi eq, %iota3A, %eq3A_696 : vector<256x32xi32>
      %broadcast_in_dim3A_698 = vector.shape_cast %broadcast_in_dim3A_688 : vector<256x1xi32> to vector<256x1xi32>
      %broadcast_in_dim3A_699 = vector.broadcast %broadcast_in_dim3A_698 : vector<256x1xi32> to vector<256x32xi32>
      %select_n3A_700 = arith.select %eq3A_697, %broadcast_in_dim3A_699, %select_n3A_669 : vector<256x32xi1>, vector<256x32xi32>
      %eq3A_701 = vector.broadcast %broadcast_in_dim3A_680 : vector<256x1xf32> to vector<256x544xf32>
      %eq3A_702 = arith.cmpf oeq, %select_n3A_677, %eq3A_701 : vector<256x544xf32>
      %eq3A_703 = vector.broadcast %broadcast_in_dim3A_688 : vector<256x1xi32> to vector<256x544xi32>
      %eq3A_704 = arith.cmpi eq, %concatenate3A_60, %eq3A_703 : vector<256x544xi32>
      %and3A_705 = arith.andi %eq3A_702, %eq3A_704 : vector<256x544xi1>
      %jit3A_706 = arith.constant 0x7F800000 : f32
      %broadcast_in_dim3A_707 = vector.broadcast %jit3A_706 : f32 to vector<256x544xf32>
      %select_n3A_708 = arith.select %and3A_705, %broadcast_in_dim3A_707, %select_n3A_677 : vector<256x544xi1>, vector<256x544xf32>
      %reduce_min3A_709 = arith.constant dense<0x7F800000> : vector<256xf32>
      %reduce_min3A_710 = vector.multi_reduction <minimumf>, %select_n3A_708, %reduce_min3A_709 [1] : vector<256x544xf32> to vector<256xf32>
      %broadcast_in_dim3A_711 = vector.shape_cast %reduce_min3A_710 : vector<256xf32> to vector<256x1xf32>
      %eq3A_712 = vector.broadcast %broadcast_in_dim3A_711 : vector<256x1xf32> to vector<256x544xf32>
      %eq3A_713 = arith.cmpf oeq, %select_n3A_708, %eq3A_712 : vector<256x544xf32>
      %jit3A_714 = arith.constant 2147483647 : i32
      %broadcast_in_dim3A_715 = vector.broadcast %jit3A_714 : i32 to vector<256x544xi32>
      %select_n3A_716 = arith.select %eq3A_713, %concatenate3A_60, %broadcast_in_dim3A_715 : vector<256x544xi1>, vector<256x544xi32>
      %reduce_min3A_717 = arith.constant dense<2147483647> : vector<256xi32>
      %reduce_min3A_718 = vector.multi_reduction <minsi>, %select_n3A_716, %reduce_min3A_717 [1] : vector<256x544xi32> to vector<256xi32>
      %broadcast_in_dim3A_719 = vector.shape_cast %reduce_min3A_718 : vector<256xi32> to vector<256x1xi32>
      %eq3A_720 = arith.constant 21 : i32
      %eq3A_721 = vector.broadcast %eq3A_720 : i32 to vector<256x32xi32>
      %eq3A_722 = arith.cmpi eq, %iota3A, %eq3A_721 : vector<256x32xi32>
      %broadcast_in_dim3A_723 = vector.shape_cast %broadcast_in_dim3A_711 : vector<256x1xf32> to vector<256x1xf32>
      %broadcast_in_dim3A_724 = vector.broadcast %broadcast_in_dim3A_723 : vector<256x1xf32> to vector<256x32xf32>
      %select_n3A_725 = arith.select %eq3A_722, %broadcast_in_dim3A_724, %select_n3A_694 : vector<256x32xi1>, vector<256x32xf32>
      %eq3A_726 = arith.constant 21 : i32
      %eq3A_727 = vector.broadcast %eq3A_726 : i32 to vector<256x32xi32>
      %eq3A_728 = arith.cmpi eq, %iota3A, %eq3A_727 : vector<256x32xi32>
      %broadcast_in_dim3A_729 = vector.shape_cast %broadcast_in_dim3A_719 : vector<256x1xi32> to vector<256x1xi32>
      %broadcast_in_dim3A_730 = vector.broadcast %broadcast_in_dim3A_729 : vector<256x1xi32> to vector<256x32xi32>
      %select_n3A_731 = arith.select %eq3A_728, %broadcast_in_dim3A_730, %select_n3A_700 : vector<256x32xi1>, vector<256x32xi32>
      %eq3A_732 = vector.broadcast %broadcast_in_dim3A_711 : vector<256x1xf32> to vector<256x544xf32>
      %eq3A_733 = arith.cmpf oeq, %select_n3A_708, %eq3A_732 : vector<256x544xf32>
      %eq3A_734 = vector.broadcast %broadcast_in_dim3A_719 : vector<256x1xi32> to vector<256x544xi32>
      %eq3A_735 = arith.cmpi eq, %concatenate3A_60, %eq3A_734 : vector<256x544xi32>
      %and3A_736 = arith.andi %eq3A_733, %eq3A_735 : vector<256x544xi1>
      %jit3A_737 = arith.constant 0x7F800000 : f32
      %broadcast_in_dim3A_738 = vector.broadcast %jit3A_737 : f32 to vector<256x544xf32>
      %select_n3A_739 = arith.select %and3A_736, %broadcast_in_dim3A_738, %select_n3A_708 : vector<256x544xi1>, vector<256x544xf32>
      %reduce_min3A_740 = arith.constant dense<0x7F800000> : vector<256xf32>
      %reduce_min3A_741 = vector.multi_reduction <minimumf>, %select_n3A_739, %reduce_min3A_740 [1] : vector<256x544xf32> to vector<256xf32>
      %broadcast_in_dim3A_742 = vector.shape_cast %reduce_min3A_741 : vector<256xf32> to vector<256x1xf32>
      %eq3A_743 = vector.broadcast %broadcast_in_dim3A_742 : vector<256x1xf32> to vector<256x544xf32>
      %eq3A_744 = arith.cmpf oeq, %select_n3A_739, %eq3A_743 : vector<256x544xf32>
      %jit3A_745 = arith.constant 2147483647 : i32
      %broadcast_in_dim3A_746 = vector.broadcast %jit3A_745 : i32 to vector<256x544xi32>
      %select_n3A_747 = arith.select %eq3A_744, %concatenate3A_60, %broadcast_in_dim3A_746 : vector<256x544xi1>, vector<256x544xi32>
      %reduce_min3A_748 = arith.constant dense<2147483647> : vector<256xi32>
      %reduce_min3A_749 = vector.multi_reduction <minsi>, %select_n3A_747, %reduce_min3A_748 [1] : vector<256x544xi32> to vector<256xi32>
      %broadcast_in_dim3A_750 = vector.shape_cast %reduce_min3A_749 : vector<256xi32> to vector<256x1xi32>
      %eq3A_751 = arith.constant 22 : i32
      %eq3A_752 = vector.broadcast %eq3A_751 : i32 to vector<256x32xi32>
      %eq3A_753 = arith.cmpi eq, %iota3A, %eq3A_752 : vector<256x32xi32>
      %broadcast_in_dim3A_754 = vector.shape_cast %broadcast_in_dim3A_742 : vector<256x1xf32> to vector<256x1xf32>
      %broadcast_in_dim3A_755 = vector.broadcast %broadcast_in_dim3A_754 : vector<256x1xf32> to vector<256x32xf32>
      %select_n3A_756 = arith.select %eq3A_753, %broadcast_in_dim3A_755, %select_n3A_725 : vector<256x32xi1>, vector<256x32xf32>
      %eq3A_757 = arith.constant 22 : i32
      %eq3A_758 = vector.broadcast %eq3A_757 : i32 to vector<256x32xi32>
      %eq3A_759 = arith.cmpi eq, %iota3A, %eq3A_758 : vector<256x32xi32>
      %broadcast_in_dim3A_760 = vector.shape_cast %broadcast_in_dim3A_750 : vector<256x1xi32> to vector<256x1xi32>
      %broadcast_in_dim3A_761 = vector.broadcast %broadcast_in_dim3A_760 : vector<256x1xi32> to vector<256x32xi32>
      %select_n3A_762 = arith.select %eq3A_759, %broadcast_in_dim3A_761, %select_n3A_731 : vector<256x32xi1>, vector<256x32xi32>
      %eq3A_763 = vector.broadcast %broadcast_in_dim3A_742 : vector<256x1xf32> to vector<256x544xf32>
      %eq3A_764 = arith.cmpf oeq, %select_n3A_739, %eq3A_763 : vector<256x544xf32>
      %eq3A_765 = vector.broadcast %broadcast_in_dim3A_750 : vector<256x1xi32> to vector<256x544xi32>
      %eq3A_766 = arith.cmpi eq, %concatenate3A_60, %eq3A_765 : vector<256x544xi32>
      %and3A_767 = arith.andi %eq3A_764, %eq3A_766 : vector<256x544xi1>
      %jit3A_768 = arith.constant 0x7F800000 : f32
      %broadcast_in_dim3A_769 = vector.broadcast %jit3A_768 : f32 to vector<256x544xf32>
      %select_n3A_770 = arith.select %and3A_767, %broadcast_in_dim3A_769, %select_n3A_739 : vector<256x544xi1>, vector<256x544xf32>
      %reduce_min3A_771 = arith.constant dense<0x7F800000> : vector<256xf32>
      %reduce_min3A_772 = vector.multi_reduction <minimumf>, %select_n3A_770, %reduce_min3A_771 [1] : vector<256x544xf32> to vector<256xf32>
      %broadcast_in_dim3A_773 = vector.shape_cast %reduce_min3A_772 : vector<256xf32> to vector<256x1xf32>
      %eq3A_774 = vector.broadcast %broadcast_in_dim3A_773 : vector<256x1xf32> to vector<256x544xf32>
      %eq3A_775 = arith.cmpf oeq, %select_n3A_770, %eq3A_774 : vector<256x544xf32>
      %jit3A_776 = arith.constant 2147483647 : i32
      %broadcast_in_dim3A_777 = vector.broadcast %jit3A_776 : i32 to vector<256x544xi32>
      %select_n3A_778 = arith.select %eq3A_775, %concatenate3A_60, %broadcast_in_dim3A_777 : vector<256x544xi1>, vector<256x544xi32>
      %reduce_min3A_779 = arith.constant dense<2147483647> : vector<256xi32>
      %reduce_min3A_780 = vector.multi_reduction <minsi>, %select_n3A_778, %reduce_min3A_779 [1] : vector<256x544xi32> to vector<256xi32>
      %broadcast_in_dim3A_781 = vector.shape_cast %reduce_min3A_780 : vector<256xi32> to vector<256x1xi32>
      %eq3A_782 = arith.constant 23 : i32
      %eq3A_783 = vector.broadcast %eq3A_782 : i32 to vector<256x32xi32>
      %eq3A_784 = arith.cmpi eq, %iota3A, %eq3A_783 : vector<256x32xi32>
      %broadcast_in_dim3A_785 = vector.shape_cast %broadcast_in_dim3A_773 : vector<256x1xf32> to vector<256x1xf32>
      %broadcast_in_dim3A_786 = vector.broadcast %broadcast_in_dim3A_785 : vector<256x1xf32> to vector<256x32xf32>
      %select_n3A_787 = arith.select %eq3A_784, %broadcast_in_dim3A_786, %select_n3A_756 : vector<256x32xi1>, vector<256x32xf32>
      %eq3A_788 = arith.constant 23 : i32
      %eq3A_789 = vector.broadcast %eq3A_788 : i32 to vector<256x32xi32>
      %eq3A_790 = arith.cmpi eq, %iota3A, %eq3A_789 : vector<256x32xi32>
      %broadcast_in_dim3A_791 = vector.shape_cast %broadcast_in_dim3A_781 : vector<256x1xi32> to vector<256x1xi32>
      %broadcast_in_dim3A_792 = vector.broadcast %broadcast_in_dim3A_791 : vector<256x1xi32> to vector<256x32xi32>
      %select_n3A_793 = arith.select %eq3A_790, %broadcast_in_dim3A_792, %select_n3A_762 : vector<256x32xi1>, vector<256x32xi32>
      %eq3A_794 = vector.broadcast %broadcast_in_dim3A_773 : vector<256x1xf32> to vector<256x544xf32>
      %eq3A_795 = arith.cmpf oeq, %select_n3A_770, %eq3A_794 : vector<256x544xf32>
      %eq3A_796 = vector.broadcast %broadcast_in_dim3A_781 : vector<256x1xi32> to vector<256x544xi32>
      %eq3A_797 = arith.cmpi eq, %concatenate3A_60, %eq3A_796 : vector<256x544xi32>
      %and3A_798 = arith.andi %eq3A_795, %eq3A_797 : vector<256x544xi1>
      %jit3A_799 = arith.constant 0x7F800000 : f32
      %broadcast_in_dim3A_800 = vector.broadcast %jit3A_799 : f32 to vector<256x544xf32>
      %select_n3A_801 = arith.select %and3A_798, %broadcast_in_dim3A_800, %select_n3A_770 : vector<256x544xi1>, vector<256x544xf32>
      %reduce_min3A_802 = arith.constant dense<0x7F800000> : vector<256xf32>
      %reduce_min3A_803 = vector.multi_reduction <minimumf>, %select_n3A_801, %reduce_min3A_802 [1] : vector<256x544xf32> to vector<256xf32>
      %broadcast_in_dim3A_804 = vector.shape_cast %reduce_min3A_803 : vector<256xf32> to vector<256x1xf32>
      %eq3A_805 = vector.broadcast %broadcast_in_dim3A_804 : vector<256x1xf32> to vector<256x544xf32>
      %eq3A_806 = arith.cmpf oeq, %select_n3A_801, %eq3A_805 : vector<256x544xf32>
      %jit3A_807 = arith.constant 2147483647 : i32
      %broadcast_in_dim3A_808 = vector.broadcast %jit3A_807 : i32 to vector<256x544xi32>
      %select_n3A_809 = arith.select %eq3A_806, %concatenate3A_60, %broadcast_in_dim3A_808 : vector<256x544xi1>, vector<256x544xi32>
      %reduce_min3A_810 = arith.constant dense<2147483647> : vector<256xi32>
      %reduce_min3A_811 = vector.multi_reduction <minsi>, %select_n3A_809, %reduce_min3A_810 [1] : vector<256x544xi32> to vector<256xi32>
      %broadcast_in_dim3A_812 = vector.shape_cast %reduce_min3A_811 : vector<256xi32> to vector<256x1xi32>
      %eq3A_813 = arith.constant 24 : i32
      %eq3A_814 = vector.broadcast %eq3A_813 : i32 to vector<256x32xi32>
      %eq3A_815 = arith.cmpi eq, %iota3A, %eq3A_814 : vector<256x32xi32>
      %broadcast_in_dim3A_816 = vector.shape_cast %broadcast_in_dim3A_804 : vector<256x1xf32> to vector<256x1xf32>
      %broadcast_in_dim3A_817 = vector.broadcast %broadcast_in_dim3A_816 : vector<256x1xf32> to vector<256x32xf32>
      %select_n3A_818 = arith.select %eq3A_815, %broadcast_in_dim3A_817, %select_n3A_787 : vector<256x32xi1>, vector<256x32xf32>
      %eq3A_819 = arith.constant 24 : i32
      %eq3A_820 = vector.broadcast %eq3A_819 : i32 to vector<256x32xi32>
      %eq3A_821 = arith.cmpi eq, %iota3A, %eq3A_820 : vector<256x32xi32>
      %broadcast_in_dim3A_822 = vector.shape_cast %broadcast_in_dim3A_812 : vector<256x1xi32> to vector<256x1xi32>
      %broadcast_in_dim3A_823 = vector.broadcast %broadcast_in_dim3A_822 : vector<256x1xi32> to vector<256x32xi32>
      %select_n3A_824 = arith.select %eq3A_821, %broadcast_in_dim3A_823, %select_n3A_793 : vector<256x32xi1>, vector<256x32xi32>
      %eq3A_825 = vector.broadcast %broadcast_in_dim3A_804 : vector<256x1xf32> to vector<256x544xf32>
      %eq3A_826 = arith.cmpf oeq, %select_n3A_801, %eq3A_825 : vector<256x544xf32>
      %eq3A_827 = vector.broadcast %broadcast_in_dim3A_812 : vector<256x1xi32> to vector<256x544xi32>
      %eq3A_828 = arith.cmpi eq, %concatenate3A_60, %eq3A_827 : vector<256x544xi32>
      %and3A_829 = arith.andi %eq3A_826, %eq3A_828 : vector<256x544xi1>
      %jit3A_830 = arith.constant 0x7F800000 : f32
      %broadcast_in_dim3A_831 = vector.broadcast %jit3A_830 : f32 to vector<256x544xf32>
      %select_n3A_832 = arith.select %and3A_829, %broadcast_in_dim3A_831, %select_n3A_801 : vector<256x544xi1>, vector<256x544xf32>
      %reduce_min3A_833 = arith.constant dense<0x7F800000> : vector<256xf32>
      %reduce_min3A_834 = vector.multi_reduction <minimumf>, %select_n3A_832, %reduce_min3A_833 [1] : vector<256x544xf32> to vector<256xf32>
      %broadcast_in_dim3A_835 = vector.shape_cast %reduce_min3A_834 : vector<256xf32> to vector<256x1xf32>
      %eq3A_836 = vector.broadcast %broadcast_in_dim3A_835 : vector<256x1xf32> to vector<256x544xf32>
      %eq3A_837 = arith.cmpf oeq, %select_n3A_832, %eq3A_836 : vector<256x544xf32>
      %jit3A_838 = arith.constant 2147483647 : i32
      %broadcast_in_dim3A_839 = vector.broadcast %jit3A_838 : i32 to vector<256x544xi32>
      %select_n3A_840 = arith.select %eq3A_837, %concatenate3A_60, %broadcast_in_dim3A_839 : vector<256x544xi1>, vector<256x544xi32>
      %reduce_min3A_841 = arith.constant dense<2147483647> : vector<256xi32>
      %reduce_min3A_842 = vector.multi_reduction <minsi>, %select_n3A_840, %reduce_min3A_841 [1] : vector<256x544xi32> to vector<256xi32>
      %broadcast_in_dim3A_843 = vector.shape_cast %reduce_min3A_842 : vector<256xi32> to vector<256x1xi32>
      %eq3A_844 = arith.constant 25 : i32
      %eq3A_845 = vector.broadcast %eq3A_844 : i32 to vector<256x32xi32>
      %eq3A_846 = arith.cmpi eq, %iota3A, %eq3A_845 : vector<256x32xi32>
      %broadcast_in_dim3A_847 = vector.shape_cast %broadcast_in_dim3A_835 : vector<256x1xf32> to vector<256x1xf32>
      %broadcast_in_dim3A_848 = vector.broadcast %broadcast_in_dim3A_847 : vector<256x1xf32> to vector<256x32xf32>
      %select_n3A_849 = arith.select %eq3A_846, %broadcast_in_dim3A_848, %select_n3A_818 : vector<256x32xi1>, vector<256x32xf32>
      %eq3A_850 = arith.constant 25 : i32
      %eq3A_851 = vector.broadcast %eq3A_850 : i32 to vector<256x32xi32>
      %eq3A_852 = arith.cmpi eq, %iota3A, %eq3A_851 : vector<256x32xi32>
      %broadcast_in_dim3A_853 = vector.shape_cast %broadcast_in_dim3A_843 : vector<256x1xi32> to vector<256x1xi32>
      %broadcast_in_dim3A_854 = vector.broadcast %broadcast_in_dim3A_853 : vector<256x1xi32> to vector<256x32xi32>
      %select_n3A_855 = arith.select %eq3A_852, %broadcast_in_dim3A_854, %select_n3A_824 : vector<256x32xi1>, vector<256x32xi32>
      %eq3A_856 = vector.broadcast %broadcast_in_dim3A_835 : vector<256x1xf32> to vector<256x544xf32>
      %eq3A_857 = arith.cmpf oeq, %select_n3A_832, %eq3A_856 : vector<256x544xf32>
      %eq3A_858 = vector.broadcast %broadcast_in_dim3A_843 : vector<256x1xi32> to vector<256x544xi32>
      %eq3A_859 = arith.cmpi eq, %concatenate3A_60, %eq3A_858 : vector<256x544xi32>
      %and3A_860 = arith.andi %eq3A_857, %eq3A_859 : vector<256x544xi1>
      %jit3A_861 = arith.constant 0x7F800000 : f32
      %broadcast_in_dim3A_862 = vector.broadcast %jit3A_861 : f32 to vector<256x544xf32>
      %select_n3A_863 = arith.select %and3A_860, %broadcast_in_dim3A_862, %select_n3A_832 : vector<256x544xi1>, vector<256x544xf32>
      %reduce_min3A_864 = arith.constant dense<0x7F800000> : vector<256xf32>
      %reduce_min3A_865 = vector.multi_reduction <minimumf>, %select_n3A_863, %reduce_min3A_864 [1] : vector<256x544xf32> to vector<256xf32>
      %broadcast_in_dim3A_866 = vector.shape_cast %reduce_min3A_865 : vector<256xf32> to vector<256x1xf32>
      %eq3A_867 = vector.broadcast %broadcast_in_dim3A_866 : vector<256x1xf32> to vector<256x544xf32>
      %eq3A_868 = arith.cmpf oeq, %select_n3A_863, %eq3A_867 : vector<256x544xf32>
      %jit3A_869 = arith.constant 2147483647 : i32
      %broadcast_in_dim3A_870 = vector.broadcast %jit3A_869 : i32 to vector<256x544xi32>
      %select_n3A_871 = arith.select %eq3A_868, %concatenate3A_60, %broadcast_in_dim3A_870 : vector<256x544xi1>, vector<256x544xi32>
      %reduce_min3A_872 = arith.constant dense<2147483647> : vector<256xi32>
      %reduce_min3A_873 = vector.multi_reduction <minsi>, %select_n3A_871, %reduce_min3A_872 [1] : vector<256x544xi32> to vector<256xi32>
      %broadcast_in_dim3A_874 = vector.shape_cast %reduce_min3A_873 : vector<256xi32> to vector<256x1xi32>
      %eq3A_875 = arith.constant 26 : i32
      %eq3A_876 = vector.broadcast %eq3A_875 : i32 to vector<256x32xi32>
      %eq3A_877 = arith.cmpi eq, %iota3A, %eq3A_876 : vector<256x32xi32>
      %broadcast_in_dim3A_878 = vector.shape_cast %broadcast_in_dim3A_866 : vector<256x1xf32> to vector<256x1xf32>
      %broadcast_in_dim3A_879 = vector.broadcast %broadcast_in_dim3A_878 : vector<256x1xf32> to vector<256x32xf32>
      %select_n3A_880 = arith.select %eq3A_877, %broadcast_in_dim3A_879, %select_n3A_849 : vector<256x32xi1>, vector<256x32xf32>
      %eq3A_881 = arith.constant 26 : i32
      %eq3A_882 = vector.broadcast %eq3A_881 : i32 to vector<256x32xi32>
      %eq3A_883 = arith.cmpi eq, %iota3A, %eq3A_882 : vector<256x32xi32>
      %broadcast_in_dim3A_884 = vector.shape_cast %broadcast_in_dim3A_874 : vector<256x1xi32> to vector<256x1xi32>
      %broadcast_in_dim3A_885 = vector.broadcast %broadcast_in_dim3A_884 : vector<256x1xi32> to vector<256x32xi32>
      %select_n3A_886 = arith.select %eq3A_883, %broadcast_in_dim3A_885, %select_n3A_855 : vector<256x32xi1>, vector<256x32xi32>
      %eq3A_887 = vector.broadcast %broadcast_in_dim3A_866 : vector<256x1xf32> to vector<256x544xf32>
      %eq3A_888 = arith.cmpf oeq, %select_n3A_863, %eq3A_887 : vector<256x544xf32>
      %eq3A_889 = vector.broadcast %broadcast_in_dim3A_874 : vector<256x1xi32> to vector<256x544xi32>
      %eq3A_890 = arith.cmpi eq, %concatenate3A_60, %eq3A_889 : vector<256x544xi32>
      %and3A_891 = arith.andi %eq3A_888, %eq3A_890 : vector<256x544xi1>
      %jit3A_892 = arith.constant 0x7F800000 : f32
      %broadcast_in_dim3A_893 = vector.broadcast %jit3A_892 : f32 to vector<256x544xf32>
      %select_n3A_894 = arith.select %and3A_891, %broadcast_in_dim3A_893, %select_n3A_863 : vector<256x544xi1>, vector<256x544xf32>
      %reduce_min3A_895 = arith.constant dense<0x7F800000> : vector<256xf32>
      %reduce_min3A_896 = vector.multi_reduction <minimumf>, %select_n3A_894, %reduce_min3A_895 [1] : vector<256x544xf32> to vector<256xf32>
      %broadcast_in_dim3A_897 = vector.shape_cast %reduce_min3A_896 : vector<256xf32> to vector<256x1xf32>
      %eq3A_898 = vector.broadcast %broadcast_in_dim3A_897 : vector<256x1xf32> to vector<256x544xf32>
      %eq3A_899 = arith.cmpf oeq, %select_n3A_894, %eq3A_898 : vector<256x544xf32>
      %jit3A_900 = arith.constant 2147483647 : i32
      %broadcast_in_dim3A_901 = vector.broadcast %jit3A_900 : i32 to vector<256x544xi32>
      %select_n3A_902 = arith.select %eq3A_899, %concatenate3A_60, %broadcast_in_dim3A_901 : vector<256x544xi1>, vector<256x544xi32>
      %reduce_min3A_903 = arith.constant dense<2147483647> : vector<256xi32>
      %reduce_min3A_904 = vector.multi_reduction <minsi>, %select_n3A_902, %reduce_min3A_903 [1] : vector<256x544xi32> to vector<256xi32>
      %broadcast_in_dim3A_905 = vector.shape_cast %reduce_min3A_904 : vector<256xi32> to vector<256x1xi32>
      %eq3A_906 = arith.constant 27 : i32
      %eq3A_907 = vector.broadcast %eq3A_906 : i32 to vector<256x32xi32>
      %eq3A_908 = arith.cmpi eq, %iota3A, %eq3A_907 : vector<256x32xi32>
      %broadcast_in_dim3A_909 = vector.shape_cast %broadcast_in_dim3A_897 : vector<256x1xf32> to vector<256x1xf32>
      %broadcast_in_dim3A_910 = vector.broadcast %broadcast_in_dim3A_909 : vector<256x1xf32> to vector<256x32xf32>
      %select_n3A_911 = arith.select %eq3A_908, %broadcast_in_dim3A_910, %select_n3A_880 : vector<256x32xi1>, vector<256x32xf32>
      %eq3A_912 = arith.constant 27 : i32
      %eq3A_913 = vector.broadcast %eq3A_912 : i32 to vector<256x32xi32>
      %eq3A_914 = arith.cmpi eq, %iota3A, %eq3A_913 : vector<256x32xi32>
      %broadcast_in_dim3A_915 = vector.shape_cast %broadcast_in_dim3A_905 : vector<256x1xi32> to vector<256x1xi32>
      %broadcast_in_dim3A_916 = vector.broadcast %broadcast_in_dim3A_915 : vector<256x1xi32> to vector<256x32xi32>
      %select_n3A_917 = arith.select %eq3A_914, %broadcast_in_dim3A_916, %select_n3A_886 : vector<256x32xi1>, vector<256x32xi32>
      %eq3A_918 = vector.broadcast %broadcast_in_dim3A_897 : vector<256x1xf32> to vector<256x544xf32>
      %eq3A_919 = arith.cmpf oeq, %select_n3A_894, %eq3A_918 : vector<256x544xf32>
      %eq3A_920 = vector.broadcast %broadcast_in_dim3A_905 : vector<256x1xi32> to vector<256x544xi32>
      %eq3A_921 = arith.cmpi eq, %concatenate3A_60, %eq3A_920 : vector<256x544xi32>
      %and3A_922 = arith.andi %eq3A_919, %eq3A_921 : vector<256x544xi1>
      %jit3A_923 = arith.constant 0x7F800000 : f32
      %broadcast_in_dim3A_924 = vector.broadcast %jit3A_923 : f32 to vector<256x544xf32>
      %select_n3A_925 = arith.select %and3A_922, %broadcast_in_dim3A_924, %select_n3A_894 : vector<256x544xi1>, vector<256x544xf32>
      %reduce_min3A_926 = arith.constant dense<0x7F800000> : vector<256xf32>
      %reduce_min3A_927 = vector.multi_reduction <minimumf>, %select_n3A_925, %reduce_min3A_926 [1] : vector<256x544xf32> to vector<256xf32>
      %broadcast_in_dim3A_928 = vector.shape_cast %reduce_min3A_927 : vector<256xf32> to vector<256x1xf32>
      %eq3A_929 = vector.broadcast %broadcast_in_dim3A_928 : vector<256x1xf32> to vector<256x544xf32>
      %eq3A_930 = arith.cmpf oeq, %select_n3A_925, %eq3A_929 : vector<256x544xf32>
      %jit3A_931 = arith.constant 2147483647 : i32
      %broadcast_in_dim3A_932 = vector.broadcast %jit3A_931 : i32 to vector<256x544xi32>
      %select_n3A_933 = arith.select %eq3A_930, %concatenate3A_60, %broadcast_in_dim3A_932 : vector<256x544xi1>, vector<256x544xi32>
      %reduce_min3A_934 = arith.constant dense<2147483647> : vector<256xi32>
      %reduce_min3A_935 = vector.multi_reduction <minsi>, %select_n3A_933, %reduce_min3A_934 [1] : vector<256x544xi32> to vector<256xi32>
      %broadcast_in_dim3A_936 = vector.shape_cast %reduce_min3A_935 : vector<256xi32> to vector<256x1xi32>
      %eq3A_937 = arith.constant 28 : i32
      %eq3A_938 = vector.broadcast %eq3A_937 : i32 to vector<256x32xi32>
      %eq3A_939 = arith.cmpi eq, %iota3A, %eq3A_938 : vector<256x32xi32>
      %broadcast_in_dim3A_940 = vector.shape_cast %broadcast_in_dim3A_928 : vector<256x1xf32> to vector<256x1xf32>
      %broadcast_in_dim3A_941 = vector.broadcast %broadcast_in_dim3A_940 : vector<256x1xf32> to vector<256x32xf32>
      %select_n3A_942 = arith.select %eq3A_939, %broadcast_in_dim3A_941, %select_n3A_911 : vector<256x32xi1>, vector<256x32xf32>
      %eq3A_943 = arith.constant 28 : i32
      %eq3A_944 = vector.broadcast %eq3A_943 : i32 to vector<256x32xi32>
      %eq3A_945 = arith.cmpi eq, %iota3A, %eq3A_944 : vector<256x32xi32>
      %broadcast_in_dim3A_946 = vector.shape_cast %broadcast_in_dim3A_936 : vector<256x1xi32> to vector<256x1xi32>
      %broadcast_in_dim3A_947 = vector.broadcast %broadcast_in_dim3A_946 : vector<256x1xi32> to vector<256x32xi32>
      %select_n3A_948 = arith.select %eq3A_945, %broadcast_in_dim3A_947, %select_n3A_917 : vector<256x32xi1>, vector<256x32xi32>
      %eq3A_949 = vector.broadcast %broadcast_in_dim3A_928 : vector<256x1xf32> to vector<256x544xf32>
      %eq3A_950 = arith.cmpf oeq, %select_n3A_925, %eq3A_949 : vector<256x544xf32>
      %eq3A_951 = vector.broadcast %broadcast_in_dim3A_936 : vector<256x1xi32> to vector<256x544xi32>
      %eq3A_952 = arith.cmpi eq, %concatenate3A_60, %eq3A_951 : vector<256x544xi32>
      %and3A_953 = arith.andi %eq3A_950, %eq3A_952 : vector<256x544xi1>
      %jit3A_954 = arith.constant 0x7F800000 : f32
      %broadcast_in_dim3A_955 = vector.broadcast %jit3A_954 : f32 to vector<256x544xf32>
      %select_n3A_956 = arith.select %and3A_953, %broadcast_in_dim3A_955, %select_n3A_925 : vector<256x544xi1>, vector<256x544xf32>
      %reduce_min3A_957 = arith.constant dense<0x7F800000> : vector<256xf32>
      %reduce_min3A_958 = vector.multi_reduction <minimumf>, %select_n3A_956, %reduce_min3A_957 [1] : vector<256x544xf32> to vector<256xf32>
      %broadcast_in_dim3A_959 = vector.shape_cast %reduce_min3A_958 : vector<256xf32> to vector<256x1xf32>
      %eq3A_960 = vector.broadcast %broadcast_in_dim3A_959 : vector<256x1xf32> to vector<256x544xf32>
      %eq3A_961 = arith.cmpf oeq, %select_n3A_956, %eq3A_960 : vector<256x544xf32>
      %jit3A_962 = arith.constant 2147483647 : i32
      %broadcast_in_dim3A_963 = vector.broadcast %jit3A_962 : i32 to vector<256x544xi32>
      %select_n3A_964 = arith.select %eq3A_961, %concatenate3A_60, %broadcast_in_dim3A_963 : vector<256x544xi1>, vector<256x544xi32>
      %reduce_min3A_965 = arith.constant dense<2147483647> : vector<256xi32>
      %reduce_min3A_966 = vector.multi_reduction <minsi>, %select_n3A_964, %reduce_min3A_965 [1] : vector<256x544xi32> to vector<256xi32>
      %broadcast_in_dim3A_967 = vector.shape_cast %reduce_min3A_966 : vector<256xi32> to vector<256x1xi32>
      %eq3A_968 = arith.constant 29 : i32
      %eq3A_969 = vector.broadcast %eq3A_968 : i32 to vector<256x32xi32>
      %eq3A_970 = arith.cmpi eq, %iota3A, %eq3A_969 : vector<256x32xi32>
      %broadcast_in_dim3A_971 = vector.shape_cast %broadcast_in_dim3A_959 : vector<256x1xf32> to vector<256x1xf32>
      %broadcast_in_dim3A_972 = vector.broadcast %broadcast_in_dim3A_971 : vector<256x1xf32> to vector<256x32xf32>
      %select_n3A_973 = arith.select %eq3A_970, %broadcast_in_dim3A_972, %select_n3A_942 : vector<256x32xi1>, vector<256x32xf32>
      %eq3A_974 = arith.constant 29 : i32
      %eq3A_975 = vector.broadcast %eq3A_974 : i32 to vector<256x32xi32>
      %eq3A_976 = arith.cmpi eq, %iota3A, %eq3A_975 : vector<256x32xi32>
      %broadcast_in_dim3A_977 = vector.shape_cast %broadcast_in_dim3A_967 : vector<256x1xi32> to vector<256x1xi32>
      %broadcast_in_dim3A_978 = vector.broadcast %broadcast_in_dim3A_977 : vector<256x1xi32> to vector<256x32xi32>
      %select_n3A_979 = arith.select %eq3A_976, %broadcast_in_dim3A_978, %select_n3A_948 : vector<256x32xi1>, vector<256x32xi32>
      %eq3A_980 = vector.broadcast %broadcast_in_dim3A_959 : vector<256x1xf32> to vector<256x544xf32>
      %eq3A_981 = arith.cmpf oeq, %select_n3A_956, %eq3A_980 : vector<256x544xf32>
      %eq3A_982 = vector.broadcast %broadcast_in_dim3A_967 : vector<256x1xi32> to vector<256x544xi32>
      %eq3A_983 = arith.cmpi eq, %concatenate3A_60, %eq3A_982 : vector<256x544xi32>
      %and3A_984 = arith.andi %eq3A_981, %eq3A_983 : vector<256x544xi1>
      %jit3A_985 = arith.constant 0x7F800000 : f32
      %broadcast_in_dim3A_986 = vector.broadcast %jit3A_985 : f32 to vector<256x544xf32>
      %select_n3A_987 = arith.select %and3A_984, %broadcast_in_dim3A_986, %select_n3A_956 : vector<256x544xi1>, vector<256x544xf32>
      %reduce_min3A_988 = arith.constant dense<0x7F800000> : vector<256xf32>
      %reduce_min3A_989 = vector.multi_reduction <minimumf>, %select_n3A_987, %reduce_min3A_988 [1] : vector<256x544xf32> to vector<256xf32>
      %broadcast_in_dim3A_990 = vector.shape_cast %reduce_min3A_989 : vector<256xf32> to vector<256x1xf32>
      %eq3A_991 = vector.broadcast %broadcast_in_dim3A_990 : vector<256x1xf32> to vector<256x544xf32>
      %eq3A_992 = arith.cmpf oeq, %select_n3A_987, %eq3A_991 : vector<256x544xf32>
      %jit3A_993 = arith.constant 2147483647 : i32
      %broadcast_in_dim3A_994 = vector.broadcast %jit3A_993 : i32 to vector<256x544xi32>
      %select_n3A_995 = arith.select %eq3A_992, %concatenate3A_60, %broadcast_in_dim3A_994 : vector<256x544xi1>, vector<256x544xi32>
      %reduce_min3A_996 = arith.constant dense<2147483647> : vector<256xi32>
      %reduce_min3A_997 = vector.multi_reduction <minsi>, %select_n3A_995, %reduce_min3A_996 [1] : vector<256x544xi32> to vector<256xi32>
      %broadcast_in_dim3A_998 = vector.shape_cast %reduce_min3A_997 : vector<256xi32> to vector<256x1xi32>
      %eq3A_999 = arith.constant 30 : i32
      %eq3A_1000 = vector.broadcast %eq3A_999 : i32 to vector<256x32xi32>
      %eq3A_1001 = arith.cmpi eq, %iota3A, %eq3A_1000 : vector<256x32xi32>
      %broadcast_in_dim3A_1002 = vector.shape_cast %broadcast_in_dim3A_990 : vector<256x1xf32> to vector<256x1xf32>
      %broadcast_in_dim3A_1003 = vector.broadcast %broadcast_in_dim3A_1002 : vector<256x1xf32> to vector<256x32xf32>
      %select_n3A_1004 = arith.select %eq3A_1001, %broadcast_in_dim3A_1003, %select_n3A_973 : vector<256x32xi1>, vector<256x32xf32>
      %eq3A_1005 = arith.constant 30 : i32
      %eq3A_1006 = vector.broadcast %eq3A_1005 : i32 to vector<256x32xi32>
      %eq3A_1007 = arith.cmpi eq, %iota3A, %eq3A_1006 : vector<256x32xi32>
      %broadcast_in_dim3A_1008 = vector.shape_cast %broadcast_in_dim3A_998 : vector<256x1xi32> to vector<256x1xi32>
      %broadcast_in_dim3A_1009 = vector.broadcast %broadcast_in_dim3A_1008 : vector<256x1xi32> to vector<256x32xi32>
      %select_n3A_1010 = arith.select %eq3A_1007, %broadcast_in_dim3A_1009, %select_n3A_979 : vector<256x32xi1>, vector<256x32xi32>
      %eq3A_1011 = vector.broadcast %broadcast_in_dim3A_990 : vector<256x1xf32> to vector<256x544xf32>
      %eq3A_1012 = arith.cmpf oeq, %select_n3A_987, %eq3A_1011 : vector<256x544xf32>
      %eq3A_1013 = vector.broadcast %broadcast_in_dim3A_998 : vector<256x1xi32> to vector<256x544xi32>
      %eq3A_1014 = arith.cmpi eq, %concatenate3A_60, %eq3A_1013 : vector<256x544xi32>
      %and3A_1015 = arith.andi %eq3A_1012, %eq3A_1014 : vector<256x544xi1>
      %jit3A_1016 = arith.constant 0x7F800000 : f32
      %broadcast_in_dim3A_1017 = vector.broadcast %jit3A_1016 : f32 to vector<256x544xf32>
      %select_n3A_1018 = arith.select %and3A_1015, %broadcast_in_dim3A_1017, %select_n3A_987 : vector<256x544xi1>, vector<256x544xf32>
      %reduce_min3A_1019 = arith.constant dense<0x7F800000> : vector<256xf32>
      %reduce_min3A_1020 = vector.multi_reduction <minimumf>, %select_n3A_1018, %reduce_min3A_1019 [1] : vector<256x544xf32> to vector<256xf32>
      %broadcast_in_dim3A_1021 = vector.shape_cast %reduce_min3A_1020 : vector<256xf32> to vector<256x1xf32>
      %eq3A_1022 = vector.broadcast %broadcast_in_dim3A_1021 : vector<256x1xf32> to vector<256x544xf32>
      %eq3A_1023 = arith.cmpf oeq, %select_n3A_1018, %eq3A_1022 : vector<256x544xf32>
      %jit3A_1024 = arith.constant 2147483647 : i32
      %broadcast_in_dim3A_1025 = vector.broadcast %jit3A_1024 : i32 to vector<256x544xi32>
      %select_n3A_1026 = arith.select %eq3A_1023, %concatenate3A_60, %broadcast_in_dim3A_1025 : vector<256x544xi1>, vector<256x544xi32>
      %reduce_min3A_1027 = arith.constant dense<2147483647> : vector<256xi32>
      %reduce_min3A_1028 = vector.multi_reduction <minsi>, %select_n3A_1026, %reduce_min3A_1027 [1] : vector<256x544xi32> to vector<256xi32>
      %broadcast_in_dim3A_1029 = vector.shape_cast %reduce_min3A_1028 : vector<256xi32> to vector<256x1xi32>
      %eq3A_1030 = arith.constant 31 : i32
      %eq3A_1031 = vector.broadcast %eq3A_1030 : i32 to vector<256x32xi32>
      %eq3A_1032 = arith.cmpi eq, %iota3A, %eq3A_1031 : vector<256x32xi32>
      %broadcast_in_dim3A_1033 = vector.shape_cast %broadcast_in_dim3A_1021 : vector<256x1xf32> to vector<256x1xf32>
      %broadcast_in_dim3A_1034 = vector.broadcast %broadcast_in_dim3A_1033 : vector<256x1xf32> to vector<256x32xf32>
      %select_n3A_1035 = arith.select %eq3A_1032, %broadcast_in_dim3A_1034, %select_n3A_1004 : vector<256x32xi1>, vector<256x32xf32>
      %eq3A_1036 = arith.constant 31 : i32
      %eq3A_1037 = vector.broadcast %eq3A_1036 : i32 to vector<256x32xi32>
      %eq3A_1038 = arith.cmpi eq, %iota3A, %eq3A_1037 : vector<256x32xi32>
      %broadcast_in_dim3A_1039 = vector.shape_cast %broadcast_in_dim3A_1029 : vector<256x1xi32> to vector<256x1xi32>
      %broadcast_in_dim3A_1040 = vector.broadcast %broadcast_in_dim3A_1039 : vector<256x1xi32> to vector<256x32xi32>
      %select_n3A_1041 = arith.select %eq3A_1038, %broadcast_in_dim3A_1040, %select_n3A_1010 : vector<256x32xi1>, vector<256x32xi32>
      %eq3A_1042 = vector.broadcast %broadcast_in_dim3A_1021 : vector<256x1xf32> to vector<256x544xf32>
      %eq3A_1043 = arith.cmpf oeq, %select_n3A_1018, %eq3A_1042 : vector<256x544xf32>
      %eq3A_1044 = vector.broadcast %broadcast_in_dim3A_1029 : vector<256x1xi32> to vector<256x544xi32>
      %eq3A_1045 = arith.cmpi eq, %concatenate3A_60, %eq3A_1044 : vector<256x544xi32>
      %and3A_1046 = arith.andi %eq3A_1043, %eq3A_1045 : vector<256x544xi1>
      %jit3A_1047 = arith.constant 0x7F800000 : f32
      %broadcast_in_dim3A_1048 = vector.broadcast %jit3A_1047 : f32 to vector<256x544xf32>
      %select_n3A_1049 = arith.select %and3A_1046, %broadcast_in_dim3A_1048, %select_n3A_1018 : vector<256x544xi1>, vector<256x544xf32>
      scf.yield %select_n3A_1035, %select_n3A_1041 : vector<256x32xf32>, vector<256x32xi32>
    }
    %while3A_24 = arith.constant 1 : i32
    %while3A_25:2 = scf.for %while3A_28 = %while3A_21 to %while3A_17 step %while3A_24 iter_args(%while3A_29 = %while3A_23#0, %while3A_30 = %while3A_23#1) -> (vector<256x32xf32>, vector<256x32xi32>)  : i32 {
      %mul3A = arith.constant 512 : i32
      %mul3A_31 = arith.muli %while3A_28, %mul3A : i32
      %get3A_32 = arith.index_cast %mul3A_31 : i32 to index
      %get3A_33 = arith.constant 0 : index
      %get3A_34 = vector.load %arg3[%get3A_32, %get3A_33] : memref<8192x16xf32, #tpu.memory_space<vmem>>, vector<512x16xf32>
      %dot_general3A = arith.constant dense<0.000000e+00> : vector<256x512xf32>
      %dot_general3A_35 = tpu.matmul %get3A_7, %get3A_34, %dot_general3A {dimension_numbers = #tpu.dot_dimension_numbers<[1], [1], [0], [0], [0, 0, 1, 0], [], []>, transpose_lhs_hint = false} : vector<256x16xf32>, vector<512x16xf32>, vector<256x512xf32> -> vector<256x512xf32>
      %get3A_36 = arith.index_cast %while3A_28 : i32 to index
      %get3A_37 = arith.constant 0 : index
      %get3A_38 = vector.load %arg5[%get3A_36, %get3A_37] : memref<16x512xf32, #tpu.memory_space<vmem>>, vector<1x512xf32>
      %get3A_39 = vector.shape_cast %get3A_38 : vector<1x512xf32> to vector<512xf32>
      %broadcast_in_dim3A_40 = vector.shape_cast %get3A_39 : vector<512xf32> to vector<1x512xf32>
      %add3A_41 = vector.broadcast %get3A_10 : vector<256x1xf32> to vector<256x512xf32>
      %add3A_42 = vector.broadcast %broadcast_in_dim3A_40 : vector<1x512xf32> to vector<256x512xf32>
      %add3A_43 = arith.addf %add3A_41, %add3A_42 : vector<256x512xf32>
      %mul3A_44 = arith.constant 2.000000e+00 : f32
      %mul3A_45 = vector.broadcast %mul3A_44 : f32 to vector<256x512xf32>
      %mul3A_46 = arith.mulf %mul3A_45, %dot_general3A_35 : vector<256x512xf32>
      %sub3A = arith.subf %add3A_43, %mul3A_46 : vector<256x512xf32>
      %get3A_47 = arith.index_cast %while3A_28 : i32 to index
      %get3A_48 = arith.constant 0 : index
      %get3A_49 = vector.load %arg7[%get3A_47, %get3A_48] : memref<16x512xi32, #tpu.memory_space<vmem>>, vector<1x512xi32>
      %get3A_50 = vector.shape_cast %get3A_49 : vector<1x512xi32> to vector<512xi32>
      %broadcast_in_dim3A_51 = vector.shape_cast %get3A_50 : vector<512xi32> to vector<1x512xi32>
      %ne3A = vector.broadcast %broadcast_in_dim3A_51 : vector<1x512xi32> to vector<256x512xi32>
      %ne3A_52 = vector.broadcast %get3A_13 : vector<256x1xi32> to vector<256x512xi32>
      %ne3A_53 = arith.cmpi ne, %ne3A, %ne3A_52 : vector<256x512xi32>
      %jit3A = arith.constant 0x7F800000 : f32
      %broadcast_in_dim3A_54 = vector.broadcast %jit3A : f32 to vector<256x512xf32>
      %select_n3A = arith.select %ne3A_53, %broadcast_in_dim3A_54, %sub3A : vector<256x512xi1>, vector<256x512xf32>
      %iota3A_55 = tpu.iota {dimensions = array<i32: 1>} : vector<256x512xi32>
      %mul3A_56 = arith.constant 512 : i32
      %mul3A_57 = arith.muli %while3A_28, %mul3A_56 : i32
      %add3A_58 = vector.broadcast %mul3A_57 : i32 to vector<256x512xi32>
      %add3A_59 = arith.addi %iota3A_55, %add3A_58 : vector<256x512xi32>
      %concatenate3A = tpu.concatenate %select_n3A, %while3A_29 in 1 : vector<256x512xf32>, vector<256x32xf32> -> vector<256x544xf32>
      %concatenate3A_60 = tpu.concatenate %add3A_59, %while3A_30 in 1 : vector<256x512xi32>, vector<256x32xi32> -> vector<256x544xi32>
      %reduce_min3A = arith.constant dense<0x7F800000> : vector<256xf32>
      %reduce_min3A_61 = vector.multi_reduction <minimumf>, %concatenate3A, %reduce_min3A [1] : vector<256x544xf32> to vector<256xf32>
      %broadcast_in_dim3A_62 = vector.shape_cast %reduce_min3A_61 : vector<256xf32> to vector<256x1xf32>
      %eq3A = vector.broadcast %broadcast_in_dim3A_62 : vector<256x1xf32> to vector<256x544xf32>
      %eq3A_63 = arith.cmpf oeq, %concatenate3A, %eq3A : vector<256x544xf32>
      %jit3A_64 = arith.constant 2147483647 : i32
      %broadcast_in_dim3A_65 = vector.broadcast %jit3A_64 : i32 to vector<256x544xi32>
      %select_n3A_66 = arith.select %eq3A_63, %concatenate3A_60, %broadcast_in_dim3A_65 : vector<256x544xi1>, vector<256x544xi32>
      %reduce_min3A_67 = arith.constant dense<2147483647> : vector<256xi32>
      %reduce_min3A_68 = vector.multi_reduction <minsi>, %select_n3A_66, %reduce_min3A_67 [1] : vector<256x544xi32> to vector<256xi32>
      %broadcast_in_dim3A_69 = vector.shape_cast %reduce_min3A_68 : vector<256xi32> to vector<256x1xi32>
      %eq3A_70 = arith.constant 0 : i32
      %eq3A_71 = vector.broadcast %eq3A_70 : i32 to vector<256x32xi32>
      %eq3A_72 = arith.cmpi eq, %iota3A, %eq3A_71 : vector<256x32xi32>
      %broadcast_in_dim3A_73 = vector.shape_cast %broadcast_in_dim3A_62 : vector<256x1xf32> to vector<256x1xf32>
      %broadcast_in_dim3A_74 = vector.broadcast %broadcast_in_dim3A_73 : vector<256x1xf32> to vector<256x32xf32>
      %select_n3A_75 = arith.select %eq3A_72, %broadcast_in_dim3A_74, %while3A_29 : vector<256x32xi1>, vector<256x32xf32>
      %eq3A_76 = arith.constant 0 : i32
      %eq3A_77 = vector.broadcast %eq3A_76 : i32 to vector<256x32xi32>
      %eq3A_78 = arith.cmpi eq, %iota3A, %eq3A_77 : vector<256x32xi32>
      %broadcast_in_dim3A_79 = vector.shape_cast %broadcast_in_dim3A_69 : vector<256x1xi32> to vector<256x1xi32>
      %broadcast_in_dim3A_80 = vector.broadcast %broadcast_in_dim3A_79 : vector<256x1xi32> to vector<256x32xi32>
      %select_n3A_81 = arith.select %eq3A_78, %broadcast_in_dim3A_80, %while3A_30 : vector<256x32xi1>, vector<256x32xi32>
      %eq3A_82 = vector.broadcast %broadcast_in_dim3A_62 : vector<256x1xf32> to vector<256x544xf32>
      %eq3A_83 = arith.cmpf oeq, %concatenate3A, %eq3A_82 : vector<256x544xf32>
      %eq3A_84 = vector.broadcast %broadcast_in_dim3A_69 : vector<256x1xi32> to vector<256x544xi32>
      %eq3A_85 = arith.cmpi eq, %concatenate3A_60, %eq3A_84 : vector<256x544xi32>
      %and3A = arith.andi %eq3A_83, %eq3A_85 : vector<256x544xi1>
      %jit3A_86 = arith.constant 0x7F800000 : f32
      %broadcast_in_dim3A_87 = vector.broadcast %jit3A_86 : f32 to vector<256x544xf32>
      %select_n3A_88 = arith.select %and3A, %broadcast_in_dim3A_87, %concatenate3A : vector<256x544xi1>, vector<256x544xf32>
      %reduce_min3A_89 = arith.constant dense<0x7F800000> : vector<256xf32>
      %reduce_min3A_90 = vector.multi_reduction <minimumf>, %select_n3A_88, %reduce_min3A_89 [1] : vector<256x544xf32> to vector<256xf32>
      %broadcast_in_dim3A_91 = vector.shape_cast %reduce_min3A_90 : vector<256xf32> to vector<256x1xf32>
      %eq3A_92 = vector.broadcast %broadcast_in_dim3A_91 : vector<256x1xf32> to vector<256x544xf32>
      %eq3A_93 = arith.cmpf oeq, %select_n3A_88, %eq3A_92 : vector<256x544xf32>
      %jit3A_94 = arith.constant 2147483647 : i32
      %broadcast_in_dim3A_95 = vector.broadcast %jit3A_94 : i32 to vector<256x544xi32>
      %select_n3A_96 = arith.select %eq3A_93, %concatenate3A_60, %broadcast_in_dim3A_95 : vector<256x544xi1>, vector<256x544xi32>
      %reduce_min3A_97 = arith.constant dense<2147483647> : vector<256xi32>
      %reduce_min3A_98 = vector.multi_reduction <minsi>, %select_n3A_96, %reduce_min3A_97 [1] : vector<256x544xi32> to vector<256xi32>
      %broadcast_in_dim3A_99 = vector.shape_cast %reduce_min3A_98 : vector<256xi32> to vector<256x1xi32>
      %eq3A_100 = arith.constant 1 : i32
      %eq3A_101 = vector.broadcast %eq3A_100 : i32 to vector<256x32xi32>
      %eq3A_102 = arith.cmpi eq, %iota3A, %eq3A_101 : vector<256x32xi32>
      %broadcast_in_dim3A_103 = vector.shape_cast %broadcast_in_dim3A_91 : vector<256x1xf32> to vector<256x1xf32>
      %broadcast_in_dim3A_104 = vector.broadcast %broadcast_in_dim3A_103 : vector<256x1xf32> to vector<256x32xf32>
      %select_n3A_105 = arith.select %eq3A_102, %broadcast_in_dim3A_104, %select_n3A_75 : vector<256x32xi1>, vector<256x32xf32>
      %eq3A_106 = arith.constant 1 : i32
      %eq3A_107 = vector.broadcast %eq3A_106 : i32 to vector<256x32xi32>
      %eq3A_108 = arith.cmpi eq, %iota3A, %eq3A_107 : vector<256x32xi32>
      %broadcast_in_dim3A_109 = vector.shape_cast %broadcast_in_dim3A_99 : vector<256x1xi32> to vector<256x1xi32>
      %broadcast_in_dim3A_110 = vector.broadcast %broadcast_in_dim3A_109 : vector<256x1xi32> to vector<256x32xi32>
      %select_n3A_111 = arith.select %eq3A_108, %broadcast_in_dim3A_110, %select_n3A_81 : vector<256x32xi1>, vector<256x32xi32>
      %eq3A_112 = vector.broadcast %broadcast_in_dim3A_91 : vector<256x1xf32> to vector<256x544xf32>
      %eq3A_113 = arith.cmpf oeq, %select_n3A_88, %eq3A_112 : vector<256x544xf32>
      %eq3A_114 = vector.broadcast %broadcast_in_dim3A_99 : vector<256x1xi32> to vector<256x544xi32>
      %eq3A_115 = arith.cmpi eq, %concatenate3A_60, %eq3A_114 : vector<256x544xi32>
      %and3A_116 = arith.andi %eq3A_113, %eq3A_115 : vector<256x544xi1>
      %jit3A_117 = arith.constant 0x7F800000 : f32
      %broadcast_in_dim3A_118 = vector.broadcast %jit3A_117 : f32 to vector<256x544xf32>
      %select_n3A_119 = arith.select %and3A_116, %broadcast_in_dim3A_118, %select_n3A_88 : vector<256x544xi1>, vector<256x544xf32>
      %reduce_min3A_120 = arith.constant dense<0x7F800000> : vector<256xf32>
      %reduce_min3A_121 = vector.multi_reduction <minimumf>, %select_n3A_119, %reduce_min3A_120 [1] : vector<256x544xf32> to vector<256xf32>
      %broadcast_in_dim3A_122 = vector.shape_cast %reduce_min3A_121 : vector<256xf32> to vector<256x1xf32>
      %eq3A_123 = vector.broadcast %broadcast_in_dim3A_122 : vector<256x1xf32> to vector<256x544xf32>
      %eq3A_124 = arith.cmpf oeq, %select_n3A_119, %eq3A_123 : vector<256x544xf32>
      %jit3A_125 = arith.constant 2147483647 : i32
      %broadcast_in_dim3A_126 = vector.broadcast %jit3A_125 : i32 to vector<256x544xi32>
      %select_n3A_127 = arith.select %eq3A_124, %concatenate3A_60, %broadcast_in_dim3A_126 : vector<256x544xi1>, vector<256x544xi32>
      %reduce_min3A_128 = arith.constant dense<2147483647> : vector<256xi32>
      %reduce_min3A_129 = vector.multi_reduction <minsi>, %select_n3A_127, %reduce_min3A_128 [1] : vector<256x544xi32> to vector<256xi32>
      %broadcast_in_dim3A_130 = vector.shape_cast %reduce_min3A_129 : vector<256xi32> to vector<256x1xi32>
      %eq3A_131 = arith.constant 2 : i32
      %eq3A_132 = vector.broadcast %eq3A_131 : i32 to vector<256x32xi32>
      %eq3A_133 = arith.cmpi eq, %iota3A, %eq3A_132 : vector<256x32xi32>
      %broadcast_in_dim3A_134 = vector.shape_cast %broadcast_in_dim3A_122 : vector<256x1xf32> to vector<256x1xf32>
      %broadcast_in_dim3A_135 = vector.broadcast %broadcast_in_dim3A_134 : vector<256x1xf32> to vector<256x32xf32>
      %select_n3A_136 = arith.select %eq3A_133, %broadcast_in_dim3A_135, %select_n3A_105 : vector<256x32xi1>, vector<256x32xf32>
      %eq3A_137 = arith.constant 2 : i32
      %eq3A_138 = vector.broadcast %eq3A_137 : i32 to vector<256x32xi32>
      %eq3A_139 = arith.cmpi eq, %iota3A, %eq3A_138 : vector<256x32xi32>
      %broadcast_in_dim3A_140 = vector.shape_cast %broadcast_in_dim3A_130 : vector<256x1xi32> to vector<256x1xi32>
      %broadcast_in_dim3A_141 = vector.broadcast %broadcast_in_dim3A_140 : vector<256x1xi32> to vector<256x32xi32>
      %select_n3A_142 = arith.select %eq3A_139, %broadcast_in_dim3A_141, %select_n3A_111 : vector<256x32xi1>, vector<256x32xi32>
      %eq3A_143 = vector.broadcast %broadcast_in_dim3A_122 : vector<256x1xf32> to vector<256x544xf32>
      %eq3A_144 = arith.cmpf oeq, %select_n3A_119, %eq3A_143 : vector<256x544xf32>
      %eq3A_145 = vector.broadcast %broadcast_in_dim3A_130 : vector<256x1xi32> to vector<256x544xi32>
      %eq3A_146 = arith.cmpi eq, %concatenate3A_60, %eq3A_145 : vector<256x544xi32>
      %and3A_147 = arith.andi %eq3A_144, %eq3A_146 : vector<256x544xi1>
      %jit3A_148 = arith.constant 0x7F800000 : f32
      %broadcast_in_dim3A_149 = vector.broadcast %jit3A_148 : f32 to vector<256x544xf32>
      %select_n3A_150 = arith.select %and3A_147, %broadcast_in_dim3A_149, %select_n3A_119 : vector<256x544xi1>, vector<256x544xf32>
      %reduce_min3A_151 = arith.constant dense<0x7F800000> : vector<256xf32>
      %reduce_min3A_152 = vector.multi_reduction <minimumf>, %select_n3A_150, %reduce_min3A_151 [1] : vector<256x544xf32> to vector<256xf32>
      %broadcast_in_dim3A_153 = vector.shape_cast %reduce_min3A_152 : vector<256xf32> to vector<256x1xf32>
      %eq3A_154 = vector.broadcast %broadcast_in_dim3A_153 : vector<256x1xf32> to vector<256x544xf32>
      %eq3A_155 = arith.cmpf oeq, %select_n3A_150, %eq3A_154 : vector<256x544xf32>
      %jit3A_156 = arith.constant 2147483647 : i32
      %broadcast_in_dim3A_157 = vector.broadcast %jit3A_156 : i32 to vector<256x544xi32>
      %select_n3A_158 = arith.select %eq3A_155, %concatenate3A_60, %broadcast_in_dim3A_157 : vector<256x544xi1>, vector<256x544xi32>
      %reduce_min3A_159 = arith.constant dense<2147483647> : vector<256xi32>
      %reduce_min3A_160 = vector.multi_reduction <minsi>, %select_n3A_158, %reduce_min3A_159 [1] : vector<256x544xi32> to vector<256xi32>
      %broadcast_in_dim3A_161 = vector.shape_cast %reduce_min3A_160 : vector<256xi32> to vector<256x1xi32>
      %eq3A_162 = arith.constant 3 : i32
      %eq3A_163 = vector.broadcast %eq3A_162 : i32 to vector<256x32xi32>
      %eq3A_164 = arith.cmpi eq, %iota3A, %eq3A_163 : vector<256x32xi32>
      %broadcast_in_dim3A_165 = vector.shape_cast %broadcast_in_dim3A_153 : vector<256x1xf32> to vector<256x1xf32>
      %broadcast_in_dim3A_166 = vector.broadcast %broadcast_in_dim3A_165 : vector<256x1xf32> to vector<256x32xf32>
      %select_n3A_167 = arith.select %eq3A_164, %broadcast_in_dim3A_166, %select_n3A_136 : vector<256x32xi1>, vector<256x32xf32>
      %eq3A_168 = arith.constant 3 : i32
      %eq3A_169 = vector.broadcast %eq3A_168 : i32 to vector<256x32xi32>
      %eq3A_170 = arith.cmpi eq, %iota3A, %eq3A_169 : vector<256x32xi32>
      %broadcast_in_dim3A_171 = vector.shape_cast %broadcast_in_dim3A_161 : vector<256x1xi32> to vector<256x1xi32>
      %broadcast_in_dim3A_172 = vector.broadcast %broadcast_in_dim3A_171 : vector<256x1xi32> to vector<256x32xi32>
      %select_n3A_173 = arith.select %eq3A_170, %broadcast_in_dim3A_172, %select_n3A_142 : vector<256x32xi1>, vector<256x32xi32>
      %eq3A_174 = vector.broadcast %broadcast_in_dim3A_153 : vector<256x1xf32> to vector<256x544xf32>
      %eq3A_175 = arith.cmpf oeq, %select_n3A_150, %eq3A_174 : vector<256x544xf32>
      %eq3A_176 = vector.broadcast %broadcast_in_dim3A_161 : vector<256x1xi32> to vector<256x544xi32>
      %eq3A_177 = arith.cmpi eq, %concatenate3A_60, %eq3A_176 : vector<256x544xi32>
      %and3A_178 = arith.andi %eq3A_175, %eq3A_177 : vector<256x544xi1>
      %jit3A_179 = arith.constant 0x7F800000 : f32
      %broadcast_in_dim3A_180 = vector.broadcast %jit3A_179 : f32 to vector<256x544xf32>
      %select_n3A_181 = arith.select %and3A_178, %broadcast_in_dim3A_180, %select_n3A_150 : vector<256x544xi1>, vector<256x544xf32>
      %reduce_min3A_182 = arith.constant dense<0x7F800000> : vector<256xf32>
      %reduce_min3A_183 = vector.multi_reduction <minimumf>, %select_n3A_181, %reduce_min3A_182 [1] : vector<256x544xf32> to vector<256xf32>
      %broadcast_in_dim3A_184 = vector.shape_cast %reduce_min3A_183 : vector<256xf32> to vector<256x1xf32>
      %eq3A_185 = vector.broadcast %broadcast_in_dim3A_184 : vector<256x1xf32> to vector<256x544xf32>
      %eq3A_186 = arith.cmpf oeq, %select_n3A_181, %eq3A_185 : vector<256x544xf32>
      %jit3A_187 = arith.constant 2147483647 : i32
      %broadcast_in_dim3A_188 = vector.broadcast %jit3A_187 : i32 to vector<256x544xi32>
      %select_n3A_189 = arith.select %eq3A_186, %concatenate3A_60, %broadcast_in_dim3A_188 : vector<256x544xi1>, vector<256x544xi32>
      %reduce_min3A_190 = arith.constant dense<2147483647> : vector<256xi32>
      %reduce_min3A_191 = vector.multi_reduction <minsi>, %select_n3A_189, %reduce_min3A_190 [1] : vector<256x544xi32> to vector<256xi32>
      %broadcast_in_dim3A_192 = vector.shape_cast %reduce_min3A_191 : vector<256xi32> to vector<256x1xi32>
      %eq3A_193 = arith.constant 4 : i32
      %eq3A_194 = vector.broadcast %eq3A_193 : i32 to vector<256x32xi32>
      %eq3A_195 = arith.cmpi eq, %iota3A, %eq3A_194 : vector<256x32xi32>
      %broadcast_in_dim3A_196 = vector.shape_cast %broadcast_in_dim3A_184 : vector<256x1xf32> to vector<256x1xf32>
      %broadcast_in_dim3A_197 = vector.broadcast %broadcast_in_dim3A_196 : vector<256x1xf32> to vector<256x32xf32>
      %select_n3A_198 = arith.select %eq3A_195, %broadcast_in_dim3A_197, %select_n3A_167 : vector<256x32xi1>, vector<256x32xf32>
      %eq3A_199 = arith.constant 4 : i32
      %eq3A_200 = vector.broadcast %eq3A_199 : i32 to vector<256x32xi32>
      %eq3A_201 = arith.cmpi eq, %iota3A, %eq3A_200 : vector<256x32xi32>
      %broadcast_in_dim3A_202 = vector.shape_cast %broadcast_in_dim3A_192 : vector<256x1xi32> to vector<256x1xi32>
      %broadcast_in_dim3A_203 = vector.broadcast %broadcast_in_dim3A_202 : vector<256x1xi32> to vector<256x32xi32>
      %select_n3A_204 = arith.select %eq3A_201, %broadcast_in_dim3A_203, %select_n3A_173 : vector<256x32xi1>, vector<256x32xi32>
      %eq3A_205 = vector.broadcast %broadcast_in_dim3A_184 : vector<256x1xf32> to vector<256x544xf32>
      %eq3A_206 = arith.cmpf oeq, %select_n3A_181, %eq3A_205 : vector<256x544xf32>
      %eq3A_207 = vector.broadcast %broadcast_in_dim3A_192 : vector<256x1xi32> to vector<256x544xi32>
      %eq3A_208 = arith.cmpi eq, %concatenate3A_60, %eq3A_207 : vector<256x544xi32>
      %and3A_209 = arith.andi %eq3A_206, %eq3A_208 : vector<256x544xi1>
      %jit3A_210 = arith.constant 0x7F800000 : f32
      %broadcast_in_dim3A_211 = vector.broadcast %jit3A_210 : f32 to vector<256x544xf32>
      %select_n3A_212 = arith.select %and3A_209, %broadcast_in_dim3A_211, %select_n3A_181 : vector<256x544xi1>, vector<256x544xf32>
      %reduce_min3A_213 = arith.constant dense<0x7F800000> : vector<256xf32>
      %reduce_min3A_214 = vector.multi_reduction <minimumf>, %select_n3A_212, %reduce_min3A_213 [1] : vector<256x544xf32> to vector<256xf32>
      %broadcast_in_dim3A_215 = vector.shape_cast %reduce_min3A_214 : vector<256xf32> to vector<256x1xf32>
      %eq3A_216 = vector.broadcast %broadcast_in_dim3A_215 : vector<256x1xf32> to vector<256x544xf32>
      %eq3A_217 = arith.cmpf oeq, %select_n3A_212, %eq3A_216 : vector<256x544xf32>
      %jit3A_218 = arith.constant 2147483647 : i32
      %broadcast_in_dim3A_219 = vector.broadcast %jit3A_218 : i32 to vector<256x544xi32>
      %select_n3A_220 = arith.select %eq3A_217, %concatenate3A_60, %broadcast_in_dim3A_219 : vector<256x544xi1>, vector<256x544xi32>
      %reduce_min3A_221 = arith.constant dense<2147483647> : vector<256xi32>
      %reduce_min3A_222 = vector.multi_reduction <minsi>, %select_n3A_220, %reduce_min3A_221 [1] : vector<256x544xi32> to vector<256xi32>
      %broadcast_in_dim3A_223 = vector.shape_cast %reduce_min3A_222 : vector<256xi32> to vector<256x1xi32>
      %eq3A_224 = arith.constant 5 : i32
      %eq3A_225 = vector.broadcast %eq3A_224 : i32 to vector<256x32xi32>
      %eq3A_226 = arith.cmpi eq, %iota3A, %eq3A_225 : vector<256x32xi32>
      %broadcast_in_dim3A_227 = vector.shape_cast %broadcast_in_dim3A_215 : vector<256x1xf32> to vector<256x1xf32>
      %broadcast_in_dim3A_228 = vector.broadcast %broadcast_in_dim3A_227 : vector<256x1xf32> to vector<256x32xf32>
      %select_n3A_229 = arith.select %eq3A_226, %broadcast_in_dim3A_228, %select_n3A_198 : vector<256x32xi1>, vector<256x32xf32>
      %eq3A_230 = arith.constant 5 : i32
      %eq3A_231 = vector.broadcast %eq3A_230 : i32 to vector<256x32xi32>
      %eq3A_232 = arith.cmpi eq, %iota3A, %eq3A_231 : vector<256x32xi32>
      %broadcast_in_dim3A_233 = vector.shape_cast %broadcast_in_dim3A_223 : vector<256x1xi32> to vector<256x1xi32>
      %broadcast_in_dim3A_234 = vector.broadcast %broadcast_in_dim3A_233 : vector<256x1xi32> to vector<256x32xi32>
      %select_n3A_235 = arith.select %eq3A_232, %broadcast_in_dim3A_234, %select_n3A_204 : vector<256x32xi1>, vector<256x32xi32>
      %eq3A_236 = vector.broadcast %broadcast_in_dim3A_215 : vector<256x1xf32> to vector<256x544xf32>
      %eq3A_237 = arith.cmpf oeq, %select_n3A_212, %eq3A_236 : vector<256x544xf32>
      %eq3A_238 = vector.broadcast %broadcast_in_dim3A_223 : vector<256x1xi32> to vector<256x544xi32>
      %eq3A_239 = arith.cmpi eq, %concatenate3A_60, %eq3A_238 : vector<256x544xi32>
      %and3A_240 = arith.andi %eq3A_237, %eq3A_239 : vector<256x544xi1>
      %jit3A_241 = arith.constant 0x7F800000 : f32
      %broadcast_in_dim3A_242 = vector.broadcast %jit3A_241 : f32 to vector<256x544xf32>
      %select_n3A_243 = arith.select %and3A_240, %broadcast_in_dim3A_242, %select_n3A_212 : vector<256x544xi1>, vector<256x544xf32>
      %reduce_min3A_244 = arith.constant dense<0x7F800000> : vector<256xf32>
      %reduce_min3A_245 = vector.multi_reduction <minimumf>, %select_n3A_243, %reduce_min3A_244 [1] : vector<256x544xf32> to vector<256xf32>
      %broadcast_in_dim3A_246 = vector.shape_cast %reduce_min3A_245 : vector<256xf32> to vector<256x1xf32>
      %eq3A_247 = vector.broadcast %broadcast_in_dim3A_246 : vector<256x1xf32> to vector<256x544xf32>
      %eq3A_248 = arith.cmpf oeq, %select_n3A_243, %eq3A_247 : vector<256x544xf32>
      %jit3A_249 = arith.constant 2147483647 : i32
      %broadcast_in_dim3A_250 = vector.broadcast %jit3A_249 : i32 to vector<256x544xi32>
      %select_n3A_251 = arith.select %eq3A_248, %concatenate3A_60, %broadcast_in_dim3A_250 : vector<256x544xi1>, vector<256x544xi32>
      %reduce_min3A_252 = arith.constant dense<2147483647> : vector<256xi32>
      %reduce_min3A_253 = vector.multi_reduction <minsi>, %select_n3A_251, %reduce_min3A_252 [1] : vector<256x544xi32> to vector<256xi32>
      %broadcast_in_dim3A_254 = vector.shape_cast %reduce_min3A_253 : vector<256xi32> to vector<256x1xi32>
      %eq3A_255 = arith.constant 6 : i32
      %eq3A_256 = vector.broadcast %eq3A_255 : i32 to vector<256x32xi32>
      %eq3A_257 = arith.cmpi eq, %iota3A, %eq3A_256 : vector<256x32xi32>
      %broadcast_in_dim3A_258 = vector.shape_cast %broadcast_in_dim3A_246 : vector<256x1xf32> to vector<256x1xf32>
      %broadcast_in_dim3A_259 = vector.broadcast %broadcast_in_dim3A_258 : vector<256x1xf32> to vector<256x32xf32>
      %select_n3A_260 = arith.select %eq3A_257, %broadcast_in_dim3A_259, %select_n3A_229 : vector<256x32xi1>, vector<256x32xf32>
      %eq3A_261 = arith.constant 6 : i32
      %eq3A_262 = vector.broadcast %eq3A_261 : i32 to vector<256x32xi32>
      %eq3A_263 = arith.cmpi eq, %iota3A, %eq3A_262 : vector<256x32xi32>
      %broadcast_in_dim3A_264 = vector.shape_cast %broadcast_in_dim3A_254 : vector<256x1xi32> to vector<256x1xi32>
      %broadcast_in_dim3A_265 = vector.broadcast %broadcast_in_dim3A_264 : vector<256x1xi32> to vector<256x32xi32>
      %select_n3A_266 = arith.select %eq3A_263, %broadcast_in_dim3A_265, %select_n3A_235 : vector<256x32xi1>, vector<256x32xi32>
      %eq3A_267 = vector.broadcast %broadcast_in_dim3A_246 : vector<256x1xf32> to vector<256x544xf32>
      %eq3A_268 = arith.cmpf oeq, %select_n3A_243, %eq3A_267 : vector<256x544xf32>
      %eq3A_269 = vector.broadcast %broadcast_in_dim3A_254 : vector<256x1xi32> to vector<256x544xi32>
      %eq3A_270 = arith.cmpi eq, %concatenate3A_60, %eq3A_269 : vector<256x544xi32>
      %and3A_271 = arith.andi %eq3A_268, %eq3A_270 : vector<256x544xi1>
      %jit3A_272 = arith.constant 0x7F800000 : f32
      %broadcast_in_dim3A_273 = vector.broadcast %jit3A_272 : f32 to vector<256x544xf32>
      %select_n3A_274 = arith.select %and3A_271, %broadcast_in_dim3A_273, %select_n3A_243 : vector<256x544xi1>, vector<256x544xf32>
      %reduce_min3A_275 = arith.constant dense<0x7F800000> : vector<256xf32>
      %reduce_min3A_276 = vector.multi_reduction <minimumf>, %select_n3A_274, %reduce_min3A_275 [1] : vector<256x544xf32> to vector<256xf32>
      %broadcast_in_dim3A_277 = vector.shape_cast %reduce_min3A_276 : vector<256xf32> to vector<256x1xf32>
      %eq3A_278 = vector.broadcast %broadcast_in_dim3A_277 : vector<256x1xf32> to vector<256x544xf32>
      %eq3A_279 = arith.cmpf oeq, %select_n3A_274, %eq3A_278 : vector<256x544xf32>
      %jit3A_280 = arith.constant 2147483647 : i32
      %broadcast_in_dim3A_281 = vector.broadcast %jit3A_280 : i32 to vector<256x544xi32>
      %select_n3A_282 = arith.select %eq3A_279, %concatenate3A_60, %broadcast_in_dim3A_281 : vector<256x544xi1>, vector<256x544xi32>
      %reduce_min3A_283 = arith.constant dense<2147483647> : vector<256xi32>
      %reduce_min3A_284 = vector.multi_reduction <minsi>, %select_n3A_282, %reduce_min3A_283 [1] : vector<256x544xi32> to vector<256xi32>
      %broadcast_in_dim3A_285 = vector.shape_cast %reduce_min3A_284 : vector<256xi32> to vector<256x1xi32>
      %eq3A_286 = arith.constant 7 : i32
      %eq3A_287 = vector.broadcast %eq3A_286 : i32 to vector<256x32xi32>
      %eq3A_288 = arith.cmpi eq, %iota3A, %eq3A_287 : vector<256x32xi32>
      %broadcast_in_dim3A_289 = vector.shape_cast %broadcast_in_dim3A_277 : vector<256x1xf32> to vector<256x1xf32>
      %broadcast_in_dim3A_290 = vector.broadcast %broadcast_in_dim3A_289 : vector<256x1xf32> to vector<256x32xf32>
      %select_n3A_291 = arith.select %eq3A_288, %broadcast_in_dim3A_290, %select_n3A_260 : vector<256x32xi1>, vector<256x32xf32>
      %eq3A_292 = arith.constant 7 : i32
      %eq3A_293 = vector.broadcast %eq3A_292 : i32 to vector<256x32xi32>
      %eq3A_294 = arith.cmpi eq, %iota3A, %eq3A_293 : vector<256x32xi32>
      %broadcast_in_dim3A_295 = vector.shape_cast %broadcast_in_dim3A_285 : vector<256x1xi32> to vector<256x1xi32>
      %broadcast_in_dim3A_296 = vector.broadcast %broadcast_in_dim3A_295 : vector<256x1xi32> to vector<256x32xi32>
      %select_n3A_297 = arith.select %eq3A_294, %broadcast_in_dim3A_296, %select_n3A_266 : vector<256x32xi1>, vector<256x32xi32>
      %eq3A_298 = vector.broadcast %broadcast_in_dim3A_277 : vector<256x1xf32> to vector<256x544xf32>
      %eq3A_299 = arith.cmpf oeq, %select_n3A_274, %eq3A_298 : vector<256x544xf32>
      %eq3A_300 = vector.broadcast %broadcast_in_dim3A_285 : vector<256x1xi32> to vector<256x544xi32>
      %eq3A_301 = arith.cmpi eq, %concatenate3A_60, %eq3A_300 : vector<256x544xi32>
      %and3A_302 = arith.andi %eq3A_299, %eq3A_301 : vector<256x544xi1>
      %jit3A_303 = arith.constant 0x7F800000 : f32
      %broadcast_in_dim3A_304 = vector.broadcast %jit3A_303 : f32 to vector<256x544xf32>
      %select_n3A_305 = arith.select %and3A_302, %broadcast_in_dim3A_304, %select_n3A_274 : vector<256x544xi1>, vector<256x544xf32>
      %reduce_min3A_306 = arith.constant dense<0x7F800000> : vector<256xf32>
      %reduce_min3A_307 = vector.multi_reduction <minimumf>, %select_n3A_305, %reduce_min3A_306 [1] : vector<256x544xf32> to vector<256xf32>
      %broadcast_in_dim3A_308 = vector.shape_cast %reduce_min3A_307 : vector<256xf32> to vector<256x1xf32>
      %eq3A_309 = vector.broadcast %broadcast_in_dim3A_308 : vector<256x1xf32> to vector<256x544xf32>
      %eq3A_310 = arith.cmpf oeq, %select_n3A_305, %eq3A_309 : vector<256x544xf32>
      %jit3A_311 = arith.constant 2147483647 : i32
      %broadcast_in_dim3A_312 = vector.broadcast %jit3A_311 : i32 to vector<256x544xi32>
      %select_n3A_313 = arith.select %eq3A_310, %concatenate3A_60, %broadcast_in_dim3A_312 : vector<256x544xi1>, vector<256x544xi32>
      %reduce_min3A_314 = arith.constant dense<2147483647> : vector<256xi32>
      %reduce_min3A_315 = vector.multi_reduction <minsi>, %select_n3A_313, %reduce_min3A_314 [1] : vector<256x544xi32> to vector<256xi32>
      %broadcast_in_dim3A_316 = vector.shape_cast %reduce_min3A_315 : vector<256xi32> to vector<256x1xi32>
      %eq3A_317 = arith.constant 8 : i32
      %eq3A_318 = vector.broadcast %eq3A_317 : i32 to vector<256x32xi32>
      %eq3A_319 = arith.cmpi eq, %iota3A, %eq3A_318 : vector<256x32xi32>
      %broadcast_in_dim3A_320 = vector.shape_cast %broadcast_in_dim3A_308 : vector<256x1xf32> to vector<256x1xf32>
      %broadcast_in_dim3A_321 = vector.broadcast %broadcast_in_dim3A_320 : vector<256x1xf32> to vector<256x32xf32>
      %select_n3A_322 = arith.select %eq3A_319, %broadcast_in_dim3A_321, %select_n3A_291 : vector<256x32xi1>, vector<256x32xf32>
      %eq3A_323 = arith.constant 8 : i32
      %eq3A_324 = vector.broadcast %eq3A_323 : i32 to vector<256x32xi32>
      %eq3A_325 = arith.cmpi eq, %iota3A, %eq3A_324 : vector<256x32xi32>
      %broadcast_in_dim3A_326 = vector.shape_cast %broadcast_in_dim3A_316 : vector<256x1xi32> to vector<256x1xi32>
      %broadcast_in_dim3A_327 = vector.broadcast %broadcast_in_dim3A_326 : vector<256x1xi32> to vector<256x32xi32>
      %select_n3A_328 = arith.select %eq3A_325, %broadcast_in_dim3A_327, %select_n3A_297 : vector<256x32xi1>, vector<256x32xi32>
      %eq3A_329 = vector.broadcast %broadcast_in_dim3A_308 : vector<256x1xf32> to vector<256x544xf32>
      %eq3A_330 = arith.cmpf oeq, %select_n3A_305, %eq3A_329 : vector<256x544xf32>
      %eq3A_331 = vector.broadcast %broadcast_in_dim3A_316 : vector<256x1xi32> to vector<256x544xi32>
      %eq3A_332 = arith.cmpi eq, %concatenate3A_60, %eq3A_331 : vector<256x544xi32>
      %and3A_333 = arith.andi %eq3A_330, %eq3A_332 : vector<256x544xi1>
      %jit3A_334 = arith.constant 0x7F800000 : f32
      %broadcast_in_dim3A_335 = vector.broadcast %jit3A_334 : f32 to vector<256x544xf32>
      %select_n3A_336 = arith.select %and3A_333, %broadcast_in_dim3A_335, %select_n3A_305 : vector<256x544xi1>, vector<256x544xf32>
      %reduce_min3A_337 = arith.constant dense<0x7F800000> : vector<256xf32>
      %reduce_min3A_338 = vector.multi_reduction <minimumf>, %select_n3A_336, %reduce_min3A_337 [1] : vector<256x544xf32> to vector<256xf32>
      %broadcast_in_dim3A_339 = vector.shape_cast %reduce_min3A_338 : vector<256xf32> to vector<256x1xf32>
      %eq3A_340 = vector.broadcast %broadcast_in_dim3A_339 : vector<256x1xf32> to vector<256x544xf32>
      %eq3A_341 = arith.cmpf oeq, %select_n3A_336, %eq3A_340 : vector<256x544xf32>
      %jit3A_342 = arith.constant 2147483647 : i32
      %broadcast_in_dim3A_343 = vector.broadcast %jit3A_342 : i32 to vector<256x544xi32>
      %select_n3A_344 = arith.select %eq3A_341, %concatenate3A_60, %broadcast_in_dim3A_343 : vector<256x544xi1>, vector<256x544xi32>
      %reduce_min3A_345 = arith.constant dense<2147483647> : vector<256xi32>
      %reduce_min3A_346 = vector.multi_reduction <minsi>, %select_n3A_344, %reduce_min3A_345 [1] : vector<256x544xi32> to vector<256xi32>
      %broadcast_in_dim3A_347 = vector.shape_cast %reduce_min3A_346 : vector<256xi32> to vector<256x1xi32>
      %eq3A_348 = arith.constant 9 : i32
      %eq3A_349 = vector.broadcast %eq3A_348 : i32 to vector<256x32xi32>
      %eq3A_350 = arith.cmpi eq, %iota3A, %eq3A_349 : vector<256x32xi32>
      %broadcast_in_dim3A_351 = vector.shape_cast %broadcast_in_dim3A_339 : vector<256x1xf32> to vector<256x1xf32>
      %broadcast_in_dim3A_352 = vector.broadcast %broadcast_in_dim3A_351 : vector<256x1xf32> to vector<256x32xf32>
      %select_n3A_353 = arith.select %eq3A_350, %broadcast_in_dim3A_352, %select_n3A_322 : vector<256x32xi1>, vector<256x32xf32>
      %eq3A_354 = arith.constant 9 : i32
      %eq3A_355 = vector.broadcast %eq3A_354 : i32 to vector<256x32xi32>
      %eq3A_356 = arith.cmpi eq, %iota3A, %eq3A_355 : vector<256x32xi32>
      %broadcast_in_dim3A_357 = vector.shape_cast %broadcast_in_dim3A_347 : vector<256x1xi32> to vector<256x1xi32>
      %broadcast_in_dim3A_358 = vector.broadcast %broadcast_in_dim3A_357 : vector<256x1xi32> to vector<256x32xi32>
      %select_n3A_359 = arith.select %eq3A_356, %broadcast_in_dim3A_358, %select_n3A_328 : vector<256x32xi1>, vector<256x32xi32>
      %eq3A_360 = vector.broadcast %broadcast_in_dim3A_339 : vector<256x1xf32> to vector<256x544xf32>
      %eq3A_361 = arith.cmpf oeq, %select_n3A_336, %eq3A_360 : vector<256x544xf32>
      %eq3A_362 = vector.broadcast %broadcast_in_dim3A_347 : vector<256x1xi32> to vector<256x544xi32>
      %eq3A_363 = arith.cmpi eq, %concatenate3A_60, %eq3A_362 : vector<256x544xi32>
      %and3A_364 = arith.andi %eq3A_361, %eq3A_363 : vector<256x544xi1>
      %jit3A_365 = arith.constant 0x7F800000 : f32
      %broadcast_in_dim3A_366 = vector.broadcast %jit3A_365 : f32 to vector<256x544xf32>
      %select_n3A_367 = arith.select %and3A_364, %broadcast_in_dim3A_366, %select_n3A_336 : vector<256x544xi1>, vector<256x544xf32>
      %reduce_min3A_368 = arith.constant dense<0x7F800000> : vector<256xf32>
      %reduce_min3A_369 = vector.multi_reduction <minimumf>, %select_n3A_367, %reduce_min3A_368 [1] : vector<256x544xf32> to vector<256xf32>
      %broadcast_in_dim3A_370 = vector.shape_cast %reduce_min3A_369 : vector<256xf32> to vector<256x1xf32>
      %eq3A_371 = vector.broadcast %broadcast_in_dim3A_370 : vector<256x1xf32> to vector<256x544xf32>
      %eq3A_372 = arith.cmpf oeq, %select_n3A_367, %eq3A_371 : vector<256x544xf32>
      %jit3A_373 = arith.constant 2147483647 : i32
      %broadcast_in_dim3A_374 = vector.broadcast %jit3A_373 : i32 to vector<256x544xi32>
      %select_n3A_375 = arith.select %eq3A_372, %concatenate3A_60, %broadcast_in_dim3A_374 : vector<256x544xi1>, vector<256x544xi32>
      %reduce_min3A_376 = arith.constant dense<2147483647> : vector<256xi32>
      %reduce_min3A_377 = vector.multi_reduction <minsi>, %select_n3A_375, %reduce_min3A_376 [1] : vector<256x544xi32> to vector<256xi32>
      %broadcast_in_dim3A_378 = vector.shape_cast %reduce_min3A_377 : vector<256xi32> to vector<256x1xi32>
      %eq3A_379 = arith.constant 10 : i32
      %eq3A_380 = vector.broadcast %eq3A_379 : i32 to vector<256x32xi32>
      %eq3A_381 = arith.cmpi eq, %iota3A, %eq3A_380 : vector<256x32xi32>
      %broadcast_in_dim3A_382 = vector.shape_cast %broadcast_in_dim3A_370 : vector<256x1xf32> to vector<256x1xf32>
      %broadcast_in_dim3A_383 = vector.broadcast %broadcast_in_dim3A_382 : vector<256x1xf32> to vector<256x32xf32>
      %select_n3A_384 = arith.select %eq3A_381, %broadcast_in_dim3A_383, %select_n3A_353 : vector<256x32xi1>, vector<256x32xf32>
      %eq3A_385 = arith.constant 10 : i32
      %eq3A_386 = vector.broadcast %eq3A_385 : i32 to vector<256x32xi32>
      %eq3A_387 = arith.cmpi eq, %iota3A, %eq3A_386 : vector<256x32xi32>
      %broadcast_in_dim3A_388 = vector.shape_cast %broadcast_in_dim3A_378 : vector<256x1xi32> to vector<256x1xi32>
      %broadcast_in_dim3A_389 = vector.broadcast %broadcast_in_dim3A_388 : vector<256x1xi32> to vector<256x32xi32>
      %select_n3A_390 = arith.select %eq3A_387, %broadcast_in_dim3A_389, %select_n3A_359 : vector<256x32xi1>, vector<256x32xi32>
      %eq3A_391 = vector.broadcast %broadcast_in_dim3A_370 : vector<256x1xf32> to vector<256x544xf32>
      %eq3A_392 = arith.cmpf oeq, %select_n3A_367, %eq3A_391 : vector<256x544xf32>
      %eq3A_393 = vector.broadcast %broadcast_in_dim3A_378 : vector<256x1xi32> to vector<256x544xi32>
      %eq3A_394 = arith.cmpi eq, %concatenate3A_60, %eq3A_393 : vector<256x544xi32>
      %and3A_395 = arith.andi %eq3A_392, %eq3A_394 : vector<256x544xi1>
      %jit3A_396 = arith.constant 0x7F800000 : f32
      %broadcast_in_dim3A_397 = vector.broadcast %jit3A_396 : f32 to vector<256x544xf32>
      %select_n3A_398 = arith.select %and3A_395, %broadcast_in_dim3A_397, %select_n3A_367 : vector<256x544xi1>, vector<256x544xf32>
      %reduce_min3A_399 = arith.constant dense<0x7F800000> : vector<256xf32>
      %reduce_min3A_400 = vector.multi_reduction <minimumf>, %select_n3A_398, %reduce_min3A_399 [1] : vector<256x544xf32> to vector<256xf32>
      %broadcast_in_dim3A_401 = vector.shape_cast %reduce_min3A_400 : vector<256xf32> to vector<256x1xf32>
      %eq3A_402 = vector.broadcast %broadcast_in_dim3A_401 : vector<256x1xf32> to vector<256x544xf32>
      %eq3A_403 = arith.cmpf oeq, %select_n3A_398, %eq3A_402 : vector<256x544xf32>
      %jit3A_404 = arith.constant 2147483647 : i32
      %broadcast_in_dim3A_405 = vector.broadcast %jit3A_404 : i32 to vector<256x544xi32>
      %select_n3A_406 = arith.select %eq3A_403, %concatenate3A_60, %broadcast_in_dim3A_405 : vector<256x544xi1>, vector<256x544xi32>
      %reduce_min3A_407 = arith.constant dense<2147483647> : vector<256xi32>
      %reduce_min3A_408 = vector.multi_reduction <minsi>, %select_n3A_406, %reduce_min3A_407 [1] : vector<256x544xi32> to vector<256xi32>
      %broadcast_in_dim3A_409 = vector.shape_cast %reduce_min3A_408 : vector<256xi32> to vector<256x1xi32>
      %eq3A_410 = arith.constant 11 : i32
      %eq3A_411 = vector.broadcast %eq3A_410 : i32 to vector<256x32xi32>
      %eq3A_412 = arith.cmpi eq, %iota3A, %eq3A_411 : vector<256x32xi32>
      %broadcast_in_dim3A_413 = vector.shape_cast %broadcast_in_dim3A_401 : vector<256x1xf32> to vector<256x1xf32>
      %broadcast_in_dim3A_414 = vector.broadcast %broadcast_in_dim3A_413 : vector<256x1xf32> to vector<256x32xf32>
      %select_n3A_415 = arith.select %eq3A_412, %broadcast_in_dim3A_414, %select_n3A_384 : vector<256x32xi1>, vector<256x32xf32>
      %eq3A_416 = arith.constant 11 : i32
      %eq3A_417 = vector.broadcast %eq3A_416 : i32 to vector<256x32xi32>
      %eq3A_418 = arith.cmpi eq, %iota3A, %eq3A_417 : vector<256x32xi32>
      %broadcast_in_dim3A_419 = vector.shape_cast %broadcast_in_dim3A_409 : vector<256x1xi32> to vector<256x1xi32>
      %broadcast_in_dim3A_420 = vector.broadcast %broadcast_in_dim3A_419 : vector<256x1xi32> to vector<256x32xi32>
      %select_n3A_421 = arith.select %eq3A_418, %broadcast_in_dim3A_420, %select_n3A_390 : vector<256x32xi1>, vector<256x32xi32>
      %eq3A_422 = vector.broadcast %broadcast_in_dim3A_401 : vector<256x1xf32> to vector<256x544xf32>
      %eq3A_423 = arith.cmpf oeq, %select_n3A_398, %eq3A_422 : vector<256x544xf32>
      %eq3A_424 = vector.broadcast %broadcast_in_dim3A_409 : vector<256x1xi32> to vector<256x544xi32>
      %eq3A_425 = arith.cmpi eq, %concatenate3A_60, %eq3A_424 : vector<256x544xi32>
      %and3A_426 = arith.andi %eq3A_423, %eq3A_425 : vector<256x544xi1>
      %jit3A_427 = arith.constant 0x7F800000 : f32
      %broadcast_in_dim3A_428 = vector.broadcast %jit3A_427 : f32 to vector<256x544xf32>
      %select_n3A_429 = arith.select %and3A_426, %broadcast_in_dim3A_428, %select_n3A_398 : vector<256x544xi1>, vector<256x544xf32>
      %reduce_min3A_430 = arith.constant dense<0x7F800000> : vector<256xf32>
      %reduce_min3A_431 = vector.multi_reduction <minimumf>, %select_n3A_429, %reduce_min3A_430 [1] : vector<256x544xf32> to vector<256xf32>
      %broadcast_in_dim3A_432 = vector.shape_cast %reduce_min3A_431 : vector<256xf32> to vector<256x1xf32>
      %eq3A_433 = vector.broadcast %broadcast_in_dim3A_432 : vector<256x1xf32> to vector<256x544xf32>
      %eq3A_434 = arith.cmpf oeq, %select_n3A_429, %eq3A_433 : vector<256x544xf32>
      %jit3A_435 = arith.constant 2147483647 : i32
      %broadcast_in_dim3A_436 = vector.broadcast %jit3A_435 : i32 to vector<256x544xi32>
      %select_n3A_437 = arith.select %eq3A_434, %concatenate3A_60, %broadcast_in_dim3A_436 : vector<256x544xi1>, vector<256x544xi32>
      %reduce_min3A_438 = arith.constant dense<2147483647> : vector<256xi32>
      %reduce_min3A_439 = vector.multi_reduction <minsi>, %select_n3A_437, %reduce_min3A_438 [1] : vector<256x544xi32> to vector<256xi32>
      %broadcast_in_dim3A_440 = vector.shape_cast %reduce_min3A_439 : vector<256xi32> to vector<256x1xi32>
      %eq3A_441 = arith.constant 12 : i32
      %eq3A_442 = vector.broadcast %eq3A_441 : i32 to vector<256x32xi32>
      %eq3A_443 = arith.cmpi eq, %iota3A, %eq3A_442 : vector<256x32xi32>
      %broadcast_in_dim3A_444 = vector.shape_cast %broadcast_in_dim3A_432 : vector<256x1xf32> to vector<256x1xf32>
      %broadcast_in_dim3A_445 = vector.broadcast %broadcast_in_dim3A_444 : vector<256x1xf32> to vector<256x32xf32>
      %select_n3A_446 = arith.select %eq3A_443, %broadcast_in_dim3A_445, %select_n3A_415 : vector<256x32xi1>, vector<256x32xf32>
      %eq3A_447 = arith.constant 12 : i32
      %eq3A_448 = vector.broadcast %eq3A_447 : i32 to vector<256x32xi32>
      %eq3A_449 = arith.cmpi eq, %iota3A, %eq3A_448 : vector<256x32xi32>
      %broadcast_in_dim3A_450 = vector.shape_cast %broadcast_in_dim3A_440 : vector<256x1xi32> to vector<256x1xi32>
      %broadcast_in_dim3A_451 = vector.broadcast %broadcast_in_dim3A_450 : vector<256x1xi32> to vector<256x32xi32>
      %select_n3A_452 = arith.select %eq3A_449, %broadcast_in_dim3A_451, %select_n3A_421 : vector<256x32xi1>, vector<256x32xi32>
      %eq3A_453 = vector.broadcast %broadcast_in_dim3A_432 : vector<256x1xf32> to vector<256x544xf32>
      %eq3A_454 = arith.cmpf oeq, %select_n3A_429, %eq3A_453 : vector<256x544xf32>
      %eq3A_455 = vector.broadcast %broadcast_in_dim3A_440 : vector<256x1xi32> to vector<256x544xi32>
      %eq3A_456 = arith.cmpi eq, %concatenate3A_60, %eq3A_455 : vector<256x544xi32>
      %and3A_457 = arith.andi %eq3A_454, %eq3A_456 : vector<256x544xi1>
      %jit3A_458 = arith.constant 0x7F800000 : f32
      %broadcast_in_dim3A_459 = vector.broadcast %jit3A_458 : f32 to vector<256x544xf32>
      %select_n3A_460 = arith.select %and3A_457, %broadcast_in_dim3A_459, %select_n3A_429 : vector<256x544xi1>, vector<256x544xf32>
      %reduce_min3A_461 = arith.constant dense<0x7F800000> : vector<256xf32>
      %reduce_min3A_462 = vector.multi_reduction <minimumf>, %select_n3A_460, %reduce_min3A_461 [1] : vector<256x544xf32> to vector<256xf32>
      %broadcast_in_dim3A_463 = vector.shape_cast %reduce_min3A_462 : vector<256xf32> to vector<256x1xf32>
      %eq3A_464 = vector.broadcast %broadcast_in_dim3A_463 : vector<256x1xf32> to vector<256x544xf32>
      %eq3A_465 = arith.cmpf oeq, %select_n3A_460, %eq3A_464 : vector<256x544xf32>
      %jit3A_466 = arith.constant 2147483647 : i32
      %broadcast_in_dim3A_467 = vector.broadcast %jit3A_466 : i32 to vector<256x544xi32>
      %select_n3A_468 = arith.select %eq3A_465, %concatenate3A_60, %broadcast_in_dim3A_467 : vector<256x544xi1>, vector<256x544xi32>
      %reduce_min3A_469 = arith.constant dense<2147483647> : vector<256xi32>
      %reduce_min3A_470 = vector.multi_reduction <minsi>, %select_n3A_468, %reduce_min3A_469 [1] : vector<256x544xi32> to vector<256xi32>
      %broadcast_in_dim3A_471 = vector.shape_cast %reduce_min3A_470 : vector<256xi32> to vector<256x1xi32>
      %eq3A_472 = arith.constant 13 : i32
      %eq3A_473 = vector.broadcast %eq3A_472 : i32 to vector<256x32xi32>
      %eq3A_474 = arith.cmpi eq, %iota3A, %eq3A_473 : vector<256x32xi32>
      %broadcast_in_dim3A_475 = vector.shape_cast %broadcast_in_dim3A_463 : vector<256x1xf32> to vector<256x1xf32>
      %broadcast_in_dim3A_476 = vector.broadcast %broadcast_in_dim3A_475 : vector<256x1xf32> to vector<256x32xf32>
      %select_n3A_477 = arith.select %eq3A_474, %broadcast_in_dim3A_476, %select_n3A_446 : vector<256x32xi1>, vector<256x32xf32>
      %eq3A_478 = arith.constant 13 : i32
      %eq3A_479 = vector.broadcast %eq3A_478 : i32 to vector<256x32xi32>
      %eq3A_480 = arith.cmpi eq, %iota3A, %eq3A_479 : vector<256x32xi32>
      %broadcast_in_dim3A_481 = vector.shape_cast %broadcast_in_dim3A_471 : vector<256x1xi32> to vector<256x1xi32>
      %broadcast_in_dim3A_482 = vector.broadcast %broadcast_in_dim3A_481 : vector<256x1xi32> to vector<256x32xi32>
      %select_n3A_483 = arith.select %eq3A_480, %broadcast_in_dim3A_482, %select_n3A_452 : vector<256x32xi1>, vector<256x32xi32>
      %eq3A_484 = vector.broadcast %broadcast_in_dim3A_463 : vector<256x1xf32> to vector<256x544xf32>
      %eq3A_485 = arith.cmpf oeq, %select_n3A_460, %eq3A_484 : vector<256x544xf32>
      %eq3A_486 = vector.broadcast %broadcast_in_dim3A_471 : vector<256x1xi32> to vector<256x544xi32>
      %eq3A_487 = arith.cmpi eq, %concatenate3A_60, %eq3A_486 : vector<256x544xi32>
      %and3A_488 = arith.andi %eq3A_485, %eq3A_487 : vector<256x544xi1>
      %jit3A_489 = arith.constant 0x7F800000 : f32
      %broadcast_in_dim3A_490 = vector.broadcast %jit3A_489 : f32 to vector<256x544xf32>
      %select_n3A_491 = arith.select %and3A_488, %broadcast_in_dim3A_490, %select_n3A_460 : vector<256x544xi1>, vector<256x544xf32>
      %reduce_min3A_492 = arith.constant dense<0x7F800000> : vector<256xf32>
      %reduce_min3A_493 = vector.multi_reduction <minimumf>, %select_n3A_491, %reduce_min3A_492 [1] : vector<256x544xf32> to vector<256xf32>
      %broadcast_in_dim3A_494 = vector.shape_cast %reduce_min3A_493 : vector<256xf32> to vector<256x1xf32>
      %eq3A_495 = vector.broadcast %broadcast_in_dim3A_494 : vector<256x1xf32> to vector<256x544xf32>
      %eq3A_496 = arith.cmpf oeq, %select_n3A_491, %eq3A_495 : vector<256x544xf32>
      %jit3A_497 = arith.constant 2147483647 : i32
      %broadcast_in_dim3A_498 = vector.broadcast %jit3A_497 : i32 to vector<256x544xi32>
      %select_n3A_499 = arith.select %eq3A_496, %concatenate3A_60, %broadcast_in_dim3A_498 : vector<256x544xi1>, vector<256x544xi32>
      %reduce_min3A_500 = arith.constant dense<2147483647> : vector<256xi32>
      %reduce_min3A_501 = vector.multi_reduction <minsi>, %select_n3A_499, %reduce_min3A_500 [1] : vector<256x544xi32> to vector<256xi32>
      %broadcast_in_dim3A_502 = vector.shape_cast %reduce_min3A_501 : vector<256xi32> to vector<256x1xi32>
      %eq3A_503 = arith.constant 14 : i32
      %eq3A_504 = vector.broadcast %eq3A_503 : i32 to vector<256x32xi32>
      %eq3A_505 = arith.cmpi eq, %iota3A, %eq3A_504 : vector<256x32xi32>
      %broadcast_in_dim3A_506 = vector.shape_cast %broadcast_in_dim3A_494 : vector<256x1xf32> to vector<256x1xf32>
      %broadcast_in_dim3A_507 = vector.broadcast %broadcast_in_dim3A_506 : vector<256x1xf32> to vector<256x32xf32>
      %select_n3A_508 = arith.select %eq3A_505, %broadcast_in_dim3A_507, %select_n3A_477 : vector<256x32xi1>, vector<256x32xf32>
      %eq3A_509 = arith.constant 14 : i32
      %eq3A_510 = vector.broadcast %eq3A_509 : i32 to vector<256x32xi32>
      %eq3A_511 = arith.cmpi eq, %iota3A, %eq3A_510 : vector<256x32xi32>
      %broadcast_in_dim3A_512 = vector.shape_cast %broadcast_in_dim3A_502 : vector<256x1xi32> to vector<256x1xi32>
      %broadcast_in_dim3A_513 = vector.broadcast %broadcast_in_dim3A_512 : vector<256x1xi32> to vector<256x32xi32>
      %select_n3A_514 = arith.select %eq3A_511, %broadcast_in_dim3A_513, %select_n3A_483 : vector<256x32xi1>, vector<256x32xi32>
      %eq3A_515 = vector.broadcast %broadcast_in_dim3A_494 : vector<256x1xf32> to vector<256x544xf32>
      %eq3A_516 = arith.cmpf oeq, %select_n3A_491, %eq3A_515 : vector<256x544xf32>
      %eq3A_517 = vector.broadcast %broadcast_in_dim3A_502 : vector<256x1xi32> to vector<256x544xi32>
      %eq3A_518 = arith.cmpi eq, %concatenate3A_60, %eq3A_517 : vector<256x544xi32>
      %and3A_519 = arith.andi %eq3A_516, %eq3A_518 : vector<256x544xi1>
      %jit3A_520 = arith.constant 0x7F800000 : f32
      %broadcast_in_dim3A_521 = vector.broadcast %jit3A_520 : f32 to vector<256x544xf32>
      %select_n3A_522 = arith.select %and3A_519, %broadcast_in_dim3A_521, %select_n3A_491 : vector<256x544xi1>, vector<256x544xf32>
      %reduce_min3A_523 = arith.constant dense<0x7F800000> : vector<256xf32>
      %reduce_min3A_524 = vector.multi_reduction <minimumf>, %select_n3A_522, %reduce_min3A_523 [1] : vector<256x544xf32> to vector<256xf32>
      %broadcast_in_dim3A_525 = vector.shape_cast %reduce_min3A_524 : vector<256xf32> to vector<256x1xf32>
      %eq3A_526 = vector.broadcast %broadcast_in_dim3A_525 : vector<256x1xf32> to vector<256x544xf32>
      %eq3A_527 = arith.cmpf oeq, %select_n3A_522, %eq3A_526 : vector<256x544xf32>
      %jit3A_528 = arith.constant 2147483647 : i32
      %broadcast_in_dim3A_529 = vector.broadcast %jit3A_528 : i32 to vector<256x544xi32>
      %select_n3A_530 = arith.select %eq3A_527, %concatenate3A_60, %broadcast_in_dim3A_529 : vector<256x544xi1>, vector<256x544xi32>
      %reduce_min3A_531 = arith.constant dense<2147483647> : vector<256xi32>
      %reduce_min3A_532 = vector.multi_reduction <minsi>, %select_n3A_530, %reduce_min3A_531 [1] : vector<256x544xi32> to vector<256xi32>
      %broadcast_in_dim3A_533 = vector.shape_cast %reduce_min3A_532 : vector<256xi32> to vector<256x1xi32>
      %eq3A_534 = arith.constant 15 : i32
      %eq3A_535 = vector.broadcast %eq3A_534 : i32 to vector<256x32xi32>
      %eq3A_536 = arith.cmpi eq, %iota3A, %eq3A_535 : vector<256x32xi32>
      %broadcast_in_dim3A_537 = vector.shape_cast %broadcast_in_dim3A_525 : vector<256x1xf32> to vector<256x1xf32>
      %broadcast_in_dim3A_538 = vector.broadcast %broadcast_in_dim3A_537 : vector<256x1xf32> to vector<256x32xf32>
      %select_n3A_539 = arith.select %eq3A_536, %broadcast_in_dim3A_538, %select_n3A_508 : vector<256x32xi1>, vector<256x32xf32>
      %eq3A_540 = arith.constant 15 : i32
      %eq3A_541 = vector.broadcast %eq3A_540 : i32 to vector<256x32xi32>
      %eq3A_542 = arith.cmpi eq, %iota3A, %eq3A_541 : vector<256x32xi32>
      %broadcast_in_dim3A_543 = vector.shape_cast %broadcast_in_dim3A_533 : vector<256x1xi32> to vector<256x1xi32>
      %broadcast_in_dim3A_544 = vector.broadcast %broadcast_in_dim3A_543 : vector<256x1xi32> to vector<256x32xi32>
      %select_n3A_545 = arith.select %eq3A_542, %broadcast_in_dim3A_544, %select_n3A_514 : vector<256x32xi1>, vector<256x32xi32>
      %eq3A_546 = vector.broadcast %broadcast_in_dim3A_525 : vector<256x1xf32> to vector<256x544xf32>
      %eq3A_547 = arith.cmpf oeq, %select_n3A_522, %eq3A_546 : vector<256x544xf32>
      %eq3A_548 = vector.broadcast %broadcast_in_dim3A_533 : vector<256x1xi32> to vector<256x544xi32>
      %eq3A_549 = arith.cmpi eq, %concatenate3A_60, %eq3A_548 : vector<256x544xi32>
      %and3A_550 = arith.andi %eq3A_547, %eq3A_549 : vector<256x544xi1>
      %jit3A_551 = arith.constant 0x7F800000 : f32
      %broadcast_in_dim3A_552 = vector.broadcast %jit3A_551 : f32 to vector<256x544xf32>
      %select_n3A_553 = arith.select %and3A_550, %broadcast_in_dim3A_552, %select_n3A_522 : vector<256x544xi1>, vector<256x544xf32>
      %reduce_min3A_554 = arith.constant dense<0x7F800000> : vector<256xf32>
      %reduce_min3A_555 = vector.multi_reduction <minimumf>, %select_n3A_553, %reduce_min3A_554 [1] : vector<256x544xf32> to vector<256xf32>
      %broadcast_in_dim3A_556 = vector.shape_cast %reduce_min3A_555 : vector<256xf32> to vector<256x1xf32>
      %eq3A_557 = vector.broadcast %broadcast_in_dim3A_556 : vector<256x1xf32> to vector<256x544xf32>
      %eq3A_558 = arith.cmpf oeq, %select_n3A_553, %eq3A_557 : vector<256x544xf32>
      %jit3A_559 = arith.constant 2147483647 : i32
      %broadcast_in_dim3A_560 = vector.broadcast %jit3A_559 : i32 to vector<256x544xi32>
      %select_n3A_561 = arith.select %eq3A_558, %concatenate3A_60, %broadcast_in_dim3A_560 : vector<256x544xi1>, vector<256x544xi32>
      %reduce_min3A_562 = arith.constant dense<2147483647> : vector<256xi32>
      %reduce_min3A_563 = vector.multi_reduction <minsi>, %select_n3A_561, %reduce_min3A_562 [1] : vector<256x544xi32> to vector<256xi32>
      %broadcast_in_dim3A_564 = vector.shape_cast %reduce_min3A_563 : vector<256xi32> to vector<256x1xi32>
      %eq3A_565 = arith.constant 16 : i32
      %eq3A_566 = vector.broadcast %eq3A_565 : i32 to vector<256x32xi32>
      %eq3A_567 = arith.cmpi eq, %iota3A, %eq3A_566 : vector<256x32xi32>
      %broadcast_in_dim3A_568 = vector.shape_cast %broadcast_in_dim3A_556 : vector<256x1xf32> to vector<256x1xf32>
      %broadcast_in_dim3A_569 = vector.broadcast %broadcast_in_dim3A_568 : vector<256x1xf32> to vector<256x32xf32>
      %select_n3A_570 = arith.select %eq3A_567, %broadcast_in_dim3A_569, %select_n3A_539 : vector<256x32xi1>, vector<256x32xf32>
      %eq3A_571 = arith.constant 16 : i32
      %eq3A_572 = vector.broadcast %eq3A_571 : i32 to vector<256x32xi32>
      %eq3A_573 = arith.cmpi eq, %iota3A, %eq3A_572 : vector<256x32xi32>
      %broadcast_in_dim3A_574 = vector.shape_cast %broadcast_in_dim3A_564 : vector<256x1xi32> to vector<256x1xi32>
      %broadcast_in_dim3A_575 = vector.broadcast %broadcast_in_dim3A_574 : vector<256x1xi32> to vector<256x32xi32>
      %select_n3A_576 = arith.select %eq3A_573, %broadcast_in_dim3A_575, %select_n3A_545 : vector<256x32xi1>, vector<256x32xi32>
      %eq3A_577 = vector.broadcast %broadcast_in_dim3A_556 : vector<256x1xf32> to vector<256x544xf32>
      %eq3A_578 = arith.cmpf oeq, %select_n3A_553, %eq3A_577 : vector<256x544xf32>
      %eq3A_579 = vector.broadcast %broadcast_in_dim3A_564 : vector<256x1xi32> to vector<256x544xi32>
      %eq3A_580 = arith.cmpi eq, %concatenate3A_60, %eq3A_579 : vector<256x544xi32>
      %and3A_581 = arith.andi %eq3A_578, %eq3A_580 : vector<256x544xi1>
      %jit3A_582 = arith.constant 0x7F800000 : f32
      %broadcast_in_dim3A_583 = vector.broadcast %jit3A_582 : f32 to vector<256x544xf32>
      %select_n3A_584 = arith.select %and3A_581, %broadcast_in_dim3A_583, %select_n3A_553 : vector<256x544xi1>, vector<256x544xf32>
      %reduce_min3A_585 = arith.constant dense<0x7F800000> : vector<256xf32>
      %reduce_min3A_586 = vector.multi_reduction <minimumf>, %select_n3A_584, %reduce_min3A_585 [1] : vector<256x544xf32> to vector<256xf32>
      %broadcast_in_dim3A_587 = vector.shape_cast %reduce_min3A_586 : vector<256xf32> to vector<256x1xf32>
      %eq3A_588 = vector.broadcast %broadcast_in_dim3A_587 : vector<256x1xf32> to vector<256x544xf32>
      %eq3A_589 = arith.cmpf oeq, %select_n3A_584, %eq3A_588 : vector<256x544xf32>
      %jit3A_590 = arith.constant 2147483647 : i32
      %broadcast_in_dim3A_591 = vector.broadcast %jit3A_590 : i32 to vector<256x544xi32>
      %select_n3A_592 = arith.select %eq3A_589, %concatenate3A_60, %broadcast_in_dim3A_591 : vector<256x544xi1>, vector<256x544xi32>
      %reduce_min3A_593 = arith.constant dense<2147483647> : vector<256xi32>
      %reduce_min3A_594 = vector.multi_reduction <minsi>, %select_n3A_592, %reduce_min3A_593 [1] : vector<256x544xi32> to vector<256xi32>
      %broadcast_in_dim3A_595 = vector.shape_cast %reduce_min3A_594 : vector<256xi32> to vector<256x1xi32>
      %eq3A_596 = arith.constant 17 : i32
      %eq3A_597 = vector.broadcast %eq3A_596 : i32 to vector<256x32xi32>
      %eq3A_598 = arith.cmpi eq, %iota3A, %eq3A_597 : vector<256x32xi32>
      %broadcast_in_dim3A_599 = vector.shape_cast %broadcast_in_dim3A_587 : vector<256x1xf32> to vector<256x1xf32>
      %broadcast_in_dim3A_600 = vector.broadcast %broadcast_in_dim3A_599 : vector<256x1xf32> to vector<256x32xf32>
      %select_n3A_601 = arith.select %eq3A_598, %broadcast_in_dim3A_600, %select_n3A_570 : vector<256x32xi1>, vector<256x32xf32>
      %eq3A_602 = arith.constant 17 : i32
      %eq3A_603 = vector.broadcast %eq3A_602 : i32 to vector<256x32xi32>
      %eq3A_604 = arith.cmpi eq, %iota3A, %eq3A_603 : vector<256x32xi32>
      %broadcast_in_dim3A_605 = vector.shape_cast %broadcast_in_dim3A_595 : vector<256x1xi32> to vector<256x1xi32>
      %broadcast_in_dim3A_606 = vector.broadcast %broadcast_in_dim3A_605 : vector<256x1xi32> to vector<256x32xi32>
      %select_n3A_607 = arith.select %eq3A_604, %broadcast_in_dim3A_606, %select_n3A_576 : vector<256x32xi1>, vector<256x32xi32>
      %eq3A_608 = vector.broadcast %broadcast_in_dim3A_587 : vector<256x1xf32> to vector<256x544xf32>
      %eq3A_609 = arith.cmpf oeq, %select_n3A_584, %eq3A_608 : vector<256x544xf32>
      %eq3A_610 = vector.broadcast %broadcast_in_dim3A_595 : vector<256x1xi32> to vector<256x544xi32>
      %eq3A_611 = arith.cmpi eq, %concatenate3A_60, %eq3A_610 : vector<256x544xi32>
      %and3A_612 = arith.andi %eq3A_609, %eq3A_611 : vector<256x544xi1>
      %jit3A_613 = arith.constant 0x7F800000 : f32
      %broadcast_in_dim3A_614 = vector.broadcast %jit3A_613 : f32 to vector<256x544xf32>
      %select_n3A_615 = arith.select %and3A_612, %broadcast_in_dim3A_614, %select_n3A_584 : vector<256x544xi1>, vector<256x544xf32>
      %reduce_min3A_616 = arith.constant dense<0x7F800000> : vector<256xf32>
      %reduce_min3A_617 = vector.multi_reduction <minimumf>, %select_n3A_615, %reduce_min3A_616 [1] : vector<256x544xf32> to vector<256xf32>
      %broadcast_in_dim3A_618 = vector.shape_cast %reduce_min3A_617 : vector<256xf32> to vector<256x1xf32>
      %eq3A_619 = vector.broadcast %broadcast_in_dim3A_618 : vector<256x1xf32> to vector<256x544xf32>
      %eq3A_620 = arith.cmpf oeq, %select_n3A_615, %eq3A_619 : vector<256x544xf32>
      %jit3A_621 = arith.constant 2147483647 : i32
      %broadcast_in_dim3A_622 = vector.broadcast %jit3A_621 : i32 to vector<256x544xi32>
      %select_n3A_623 = arith.select %eq3A_620, %concatenate3A_60, %broadcast_in_dim3A_622 : vector<256x544xi1>, vector<256x544xi32>
      %reduce_min3A_624 = arith.constant dense<2147483647> : vector<256xi32>
      %reduce_min3A_625 = vector.multi_reduction <minsi>, %select_n3A_623, %reduce_min3A_624 [1] : vector<256x544xi32> to vector<256xi32>
      %broadcast_in_dim3A_626 = vector.shape_cast %reduce_min3A_625 : vector<256xi32> to vector<256x1xi32>
      %eq3A_627 = arith.constant 18 : i32
      %eq3A_628 = vector.broadcast %eq3A_627 : i32 to vector<256x32xi32>
      %eq3A_629 = arith.cmpi eq, %iota3A, %eq3A_628 : vector<256x32xi32>
      %broadcast_in_dim3A_630 = vector.shape_cast %broadcast_in_dim3A_618 : vector<256x1xf32> to vector<256x1xf32>
      %broadcast_in_dim3A_631 = vector.broadcast %broadcast_in_dim3A_630 : vector<256x1xf32> to vector<256x32xf32>
      %select_n3A_632 = arith.select %eq3A_629, %broadcast_in_dim3A_631, %select_n3A_601 : vector<256x32xi1>, vector<256x32xf32>
      %eq3A_633 = arith.constant 18 : i32
      %eq3A_634 = vector.broadcast %eq3A_633 : i32 to vector<256x32xi32>
      %eq3A_635 = arith.cmpi eq, %iota3A, %eq3A_634 : vector<256x32xi32>
      %broadcast_in_dim3A_636 = vector.shape_cast %broadcast_in_dim3A_626 : vector<256x1xi32> to vector<256x1xi32>
      %broadcast_in_dim3A_637 = vector.broadcast %broadcast_in_dim3A_636 : vector<256x1xi32> to vector<256x32xi32>
      %select_n3A_638 = arith.select %eq3A_635, %broadcast_in_dim3A_637, %select_n3A_607 : vector<256x32xi1>, vector<256x32xi32>
      %eq3A_639 = vector.broadcast %broadcast_in_dim3A_618 : vector<256x1xf32> to vector<256x544xf32>
      %eq3A_640 = arith.cmpf oeq, %select_n3A_615, %eq3A_639 : vector<256x544xf32>
      %eq3A_641 = vector.broadcast %broadcast_in_dim3A_626 : vector<256x1xi32> to vector<256x544xi32>
      %eq3A_642 = arith.cmpi eq, %concatenate3A_60, %eq3A_641 : vector<256x544xi32>
      %and3A_643 = arith.andi %eq3A_640, %eq3A_642 : vector<256x544xi1>
      %jit3A_644 = arith.constant 0x7F800000 : f32
      %broadcast_in_dim3A_645 = vector.broadcast %jit3A_644 : f32 to vector<256x544xf32>
      %select_n3A_646 = arith.select %and3A_643, %broadcast_in_dim3A_645, %select_n3A_615 : vector<256x544xi1>, vector<256x544xf32>
      %reduce_min3A_647 = arith.constant dense<0x7F800000> : vector<256xf32>
      %reduce_min3A_648 = vector.multi_reduction <minimumf>, %select_n3A_646, %reduce_min3A_647 [1] : vector<256x544xf32> to vector<256xf32>
      %broadcast_in_dim3A_649 = vector.shape_cast %reduce_min3A_648 : vector<256xf32> to vector<256x1xf32>
      %eq3A_650 = vector.broadcast %broadcast_in_dim3A_649 : vector<256x1xf32> to vector<256x544xf32>
      %eq3A_651 = arith.cmpf oeq, %select_n3A_646, %eq3A_650 : vector<256x544xf32>
      %jit3A_652 = arith.constant 2147483647 : i32
      %broadcast_in_dim3A_653 = vector.broadcast %jit3A_652 : i32 to vector<256x544xi32>
      %select_n3A_654 = arith.select %eq3A_651, %concatenate3A_60, %broadcast_in_dim3A_653 : vector<256x544xi1>, vector<256x544xi32>
      %reduce_min3A_655 = arith.constant dense<2147483647> : vector<256xi32>
      %reduce_min3A_656 = vector.multi_reduction <minsi>, %select_n3A_654, %reduce_min3A_655 [1] : vector<256x544xi32> to vector<256xi32>
      %broadcast_in_dim3A_657 = vector.shape_cast %reduce_min3A_656 : vector<256xi32> to vector<256x1xi32>
      %eq3A_658 = arith.constant 19 : i32
      %eq3A_659 = vector.broadcast %eq3A_658 : i32 to vector<256x32xi32>
      %eq3A_660 = arith.cmpi eq, %iota3A, %eq3A_659 : vector<256x32xi32>
      %broadcast_in_dim3A_661 = vector.shape_cast %broadcast_in_dim3A_649 : vector<256x1xf32> to vector<256x1xf32>
      %broadcast_in_dim3A_662 = vector.broadcast %broadcast_in_dim3A_661 : vector<256x1xf32> to vector<256x32xf32>
      %select_n3A_663 = arith.select %eq3A_660, %broadcast_in_dim3A_662, %select_n3A_632 : vector<256x32xi1>, vector<256x32xf32>
      %eq3A_664 = arith.constant 19 : i32
      %eq3A_665 = vector.broadcast %eq3A_664 : i32 to vector<256x32xi32>
      %eq3A_666 = arith.cmpi eq, %iota3A, %eq3A_665 : vector<256x32xi32>
      %broadcast_in_dim3A_667 = vector.shape_cast %broadcast_in_dim3A_657 : vector<256x1xi32> to vector<256x1xi32>
      %broadcast_in_dim3A_668 = vector.broadcast %broadcast_in_dim3A_667 : vector<256x1xi32> to vector<256x32xi32>
      %select_n3A_669 = arith.select %eq3A_666, %broadcast_in_dim3A_668, %select_n3A_638 : vector<256x32xi1>, vector<256x32xi32>
      %eq3A_670 = vector.broadcast %broadcast_in_dim3A_649 : vector<256x1xf32> to vector<256x544xf32>
      %eq3A_671 = arith.cmpf oeq, %select_n3A_646, %eq3A_670 : vector<256x544xf32>
      %eq3A_672 = vector.broadcast %broadcast_in_dim3A_657 : vector<256x1xi32> to vector<256x544xi32>
      %eq3A_673 = arith.cmpi eq, %concatenate3A_60, %eq3A_672 : vector<256x544xi32>
      %and3A_674 = arith.andi %eq3A_671, %eq3A_673 : vector<256x544xi1>
      %jit3A_675 = arith.constant 0x7F800000 : f32
      %broadcast_in_dim3A_676 = vector.broadcast %jit3A_675 : f32 to vector<256x544xf32>
      %select_n3A_677 = arith.select %and3A_674, %broadcast_in_dim3A_676, %select_n3A_646 : vector<256x544xi1>, vector<256x544xf32>
      %reduce_min3A_678 = arith.constant dense<0x7F800000> : vector<256xf32>
      %reduce_min3A_679 = vector.multi_reduction <minimumf>, %select_n3A_677, %reduce_min3A_678 [1] : vector<256x544xf32> to vector<256xf32>
      %broadcast_in_dim3A_680 = vector.shape_cast %reduce_min3A_679 : vector<256xf32> to vector<256x1xf32>
      %eq3A_681 = vector.broadcast %broadcast_in_dim3A_680 : vector<256x1xf32> to vector<256x544xf32>
      %eq3A_682 = arith.cmpf oeq, %select_n3A_677, %eq3A_681 : vector<256x544xf32>
      %jit3A_683 = arith.constant 2147483647 : i32
      %broadcast_in_dim3A_684 = vector.broadcast %jit3A_683 : i32 to vector<256x544xi32>
      %select_n3A_685 = arith.select %eq3A_682, %concatenate3A_60, %broadcast_in_dim3A_684 : vector<256x544xi1>, vector<256x544xi32>
      %reduce_min3A_686 = arith.constant dense<2147483647> : vector<256xi32>
      %reduce_min3A_687 = vector.multi_reduction <minsi>, %select_n3A_685, %reduce_min3A_686 [1] : vector<256x544xi32> to vector<256xi32>
      %broadcast_in_dim3A_688 = vector.shape_cast %reduce_min3A_687 : vector<256xi32> to vector<256x1xi32>
      %eq3A_689 = arith.constant 20 : i32
      %eq3A_690 = vector.broadcast %eq3A_689 : i32 to vector<256x32xi32>
      %eq3A_691 = arith.cmpi eq, %iota3A, %eq3A_690 : vector<256x32xi32>
      %broadcast_in_dim3A_692 = vector.shape_cast %broadcast_in_dim3A_680 : vector<256x1xf32> to vector<256x1xf32>
      %broadcast_in_dim3A_693 = vector.broadcast %broadcast_in_dim3A_692 : vector<256x1xf32> to vector<256x32xf32>
      %select_n3A_694 = arith.select %eq3A_691, %broadcast_in_dim3A_693, %select_n3A_663 : vector<256x32xi1>, vector<256x32xf32>
      %eq3A_695 = arith.constant 20 : i32
      %eq3A_696 = vector.broadcast %eq3A_695 : i32 to vector<256x32xi32>
      %eq3A_697 = arith.cmpi eq, %iota3A, %eq3A_696 : vector<256x32xi32>
      %broadcast_in_dim3A_698 = vector.shape_cast %broadcast_in_dim3A_688 : vector<256x1xi32> to vector<256x1xi32>
      %broadcast_in_dim3A_699 = vector.broadcast %broadcast_in_dim3A_698 : vector<256x1xi32> to vector<256x32xi32>
      %select_n3A_700 = arith.select %eq3A_697, %broadcast_in_dim3A_699, %select_n3A_669 : vector<256x32xi1>, vector<256x32xi32>
      %eq3A_701 = vector.broadcast %broadcast_in_dim3A_680 : vector<256x1xf32> to vector<256x544xf32>
      %eq3A_702 = arith.cmpf oeq, %select_n3A_677, %eq3A_701 : vector<256x544xf32>
      %eq3A_703 = vector.broadcast %broadcast_in_dim3A_688 : vector<256x1xi32> to vector<256x544xi32>
      %eq3A_704 = arith.cmpi eq, %concatenate3A_60, %eq3A_703 : vector<256x544xi32>
      %and3A_705 = arith.andi %eq3A_702, %eq3A_704 : vector<256x544xi1>
      %jit3A_706 = arith.constant 0x7F800000 : f32
      %broadcast_in_dim3A_707 = vector.broadcast %jit3A_706 : f32 to vector<256x544xf32>
      %select_n3A_708 = arith.select %and3A_705, %broadcast_in_dim3A_707, %select_n3A_677 : vector<256x544xi1>, vector<256x544xf32>
      %reduce_min3A_709 = arith.constant dense<0x7F800000> : vector<256xf32>
      %reduce_min3A_710 = vector.multi_reduction <minimumf>, %select_n3A_708, %reduce_min3A_709 [1] : vector<256x544xf32> to vector<256xf32>
      %broadcast_in_dim3A_711 = vector.shape_cast %reduce_min3A_710 : vector<256xf32> to vector<256x1xf32>
      %eq3A_712 = vector.broadcast %broadcast_in_dim3A_711 : vector<256x1xf32> to vector<256x544xf32>
      %eq3A_713 = arith.cmpf oeq, %select_n3A_708, %eq3A_712 : vector<256x544xf32>
      %jit3A_714 = arith.constant 2147483647 : i32
      %broadcast_in_dim3A_715 = vector.broadcast %jit3A_714 : i32 to vector<256x544xi32>
      %select_n3A_716 = arith.select %eq3A_713, %concatenate3A_60, %broadcast_in_dim3A_715 : vector<256x544xi1>, vector<256x544xi32>
      %reduce_min3A_717 = arith.constant dense<2147483647> : vector<256xi32>
      %reduce_min3A_718 = vector.multi_reduction <minsi>, %select_n3A_716, %reduce_min3A_717 [1] : vector<256x544xi32> to vector<256xi32>
      %broadcast_in_dim3A_719 = vector.shape_cast %reduce_min3A_718 : vector<256xi32> to vector<256x1xi32>
      %eq3A_720 = arith.constant 21 : i32
      %eq3A_721 = vector.broadcast %eq3A_720 : i32 to vector<256x32xi32>
      %eq3A_722 = arith.cmpi eq, %iota3A, %eq3A_721 : vector<256x32xi32>
      %broadcast_in_dim3A_723 = vector.shape_cast %broadcast_in_dim3A_711 : vector<256x1xf32> to vector<256x1xf32>
      %broadcast_in_dim3A_724 = vector.broadcast %broadcast_in_dim3A_723 : vector<256x1xf32> to vector<256x32xf32>
      %select_n3A_725 = arith.select %eq3A_722, %broadcast_in_dim3A_724, %select_n3A_694 : vector<256x32xi1>, vector<256x32xf32>
      %eq3A_726 = arith.constant 21 : i32
      %eq3A_727 = vector.broadcast %eq3A_726 : i32 to vector<256x32xi32>
      %eq3A_728 = arith.cmpi eq, %iota3A, %eq3A_727 : vector<256x32xi32>
      %broadcast_in_dim3A_729 = vector.shape_cast %broadcast_in_dim3A_719 : vector<256x1xi32> to vector<256x1xi32>
      %broadcast_in_dim3A_730 = vector.broadcast %broadcast_in_dim3A_729 : vector<256x1xi32> to vector<256x32xi32>
      %select_n3A_731 = arith.select %eq3A_728, %broadcast_in_dim3A_730, %select_n3A_700 : vector<256x32xi1>, vector<256x32xi32>
      %eq3A_732 = vector.broadcast %broadcast_in_dim3A_711 : vector<256x1xf32> to vector<256x544xf32>
      %eq3A_733 = arith.cmpf oeq, %select_n3A_708, %eq3A_732 : vector<256x544xf32>
      %eq3A_734 = vector.broadcast %broadcast_in_dim3A_719 : vector<256x1xi32> to vector<256x544xi32>
      %eq3A_735 = arith.cmpi eq, %concatenate3A_60, %eq3A_734 : vector<256x544xi32>
      %and3A_736 = arith.andi %eq3A_733, %eq3A_735 : vector<256x544xi1>
      %jit3A_737 = arith.constant 0x7F800000 : f32
      %broadcast_in_dim3A_738 = vector.broadcast %jit3A_737 : f32 to vector<256x544xf32>
      %select_n3A_739 = arith.select %and3A_736, %broadcast_in_dim3A_738, %select_n3A_708 : vector<256x544xi1>, vector<256x544xf32>
      %reduce_min3A_740 = arith.constant dense<0x7F800000> : vector<256xf32>
      %reduce_min3A_741 = vector.multi_reduction <minimumf>, %select_n3A_739, %reduce_min3A_740 [1] : vector<256x544xf32> to vector<256xf32>
      %broadcast_in_dim3A_742 = vector.shape_cast %reduce_min3A_741 : vector<256xf32> to vector<256x1xf32>
      %eq3A_743 = vector.broadcast %broadcast_in_dim3A_742 : vector<256x1xf32> to vector<256x544xf32>
      %eq3A_744 = arith.cmpf oeq, %select_n3A_739, %eq3A_743 : vector<256x544xf32>
      %jit3A_745 = arith.constant 2147483647 : i32
      %broadcast_in_dim3A_746 = vector.broadcast %jit3A_745 : i32 to vector<256x544xi32>
      %select_n3A_747 = arith.select %eq3A_744, %concatenate3A_60, %broadcast_in_dim3A_746 : vector<256x544xi1>, vector<256x544xi32>
      %reduce_min3A_748 = arith.constant dense<2147483647> : vector<256xi32>
      %reduce_min3A_749 = vector.multi_reduction <minsi>, %select_n3A_747, %reduce_min3A_748 [1] : vector<256x544xi32> to vector<256xi32>
      %broadcast_in_dim3A_750 = vector.shape_cast %reduce_min3A_749 : vector<256xi32> to vector<256x1xi32>
      %eq3A_751 = arith.constant 22 : i32
      %eq3A_752 = vector.broadcast %eq3A_751 : i32 to vector<256x32xi32>
      %eq3A_753 = arith.cmpi eq, %iota3A, %eq3A_752 : vector<256x32xi32>
      %broadcast_in_dim3A_754 = vector.shape_cast %broadcast_in_dim3A_742 : vector<256x1xf32> to vector<256x1xf32>
      %broadcast_in_dim3A_755 = vector.broadcast %broadcast_in_dim3A_754 : vector<256x1xf32> to vector<256x32xf32>
      %select_n3A_756 = arith.select %eq3A_753, %broadcast_in_dim3A_755, %select_n3A_725 : vector<256x32xi1>, vector<256x32xf32>
      %eq3A_757 = arith.constant 22 : i32
      %eq3A_758 = vector.broadcast %eq3A_757 : i32 to vector<256x32xi32>
      %eq3A_759 = arith.cmpi eq, %iota3A, %eq3A_758 : vector<256x32xi32>
      %broadcast_in_dim3A_760 = vector.shape_cast %broadcast_in_dim3A_750 : vector<256x1xi32> to vector<256x1xi32>
      %broadcast_in_dim3A_761 = vector.broadcast %broadcast_in_dim3A_760 : vector<256x1xi32> to vector<256x32xi32>
      %select_n3A_762 = arith.select %eq3A_759, %broadcast_in_dim3A_761, %select_n3A_731 : vector<256x32xi1>, vector<256x32xi32>
      %eq3A_763 = vector.broadcast %broadcast_in_dim3A_742 : vector<256x1xf32> to vector<256x544xf32>
      %eq3A_764 = arith.cmpf oeq, %select_n3A_739, %eq3A_763 : vector<256x544xf32>
      %eq3A_765 = vector.broadcast %broadcast_in_dim3A_750 : vector<256x1xi32> to vector<256x544xi32>
      %eq3A_766 = arith.cmpi eq, %concatenate3A_60, %eq3A_765 : vector<256x544xi32>
      %and3A_767 = arith.andi %eq3A_764, %eq3A_766 : vector<256x544xi1>
      %jit3A_768 = arith.constant 0x7F800000 : f32
      %broadcast_in_dim3A_769 = vector.broadcast %jit3A_768 : f32 to vector<256x544xf32>
      %select_n3A_770 = arith.select %and3A_767, %broadcast_in_dim3A_769, %select_n3A_739 : vector<256x544xi1>, vector<256x544xf32>
      %reduce_min3A_771 = arith.constant dense<0x7F800000> : vector<256xf32>
      %reduce_min3A_772 = vector.multi_reduction <minimumf>, %select_n3A_770, %reduce_min3A_771 [1] : vector<256x544xf32> to vector<256xf32>
      %broadcast_in_dim3A_773 = vector.shape_cast %reduce_min3A_772 : vector<256xf32> to vector<256x1xf32>
      %eq3A_774 = vector.broadcast %broadcast_in_dim3A_773 : vector<256x1xf32> to vector<256x544xf32>
      %eq3A_775 = arith.cmpf oeq, %select_n3A_770, %eq3A_774 : vector<256x544xf32>
      %jit3A_776 = arith.constant 2147483647 : i32
      %broadcast_in_dim3A_777 = vector.broadcast %jit3A_776 : i32 to vector<256x544xi32>
      %select_n3A_778 = arith.select %eq3A_775, %concatenate3A_60, %broadcast_in_dim3A_777 : vector<256x544xi1>, vector<256x544xi32>
      %reduce_min3A_779 = arith.constant dense<2147483647> : vector<256xi32>
      %reduce_min3A_780 = vector.multi_reduction <minsi>, %select_n3A_778, %reduce_min3A_779 [1] : vector<256x544xi32> to vector<256xi32>
      %broadcast_in_dim3A_781 = vector.shape_cast %reduce_min3A_780 : vector<256xi32> to vector<256x1xi32>
      %eq3A_782 = arith.constant 23 : i32
      %eq3A_783 = vector.broadcast %eq3A_782 : i32 to vector<256x32xi32>
      %eq3A_784 = arith.cmpi eq, %iota3A, %eq3A_783 : vector<256x32xi32>
      %broadcast_in_dim3A_785 = vector.shape_cast %broadcast_in_dim3A_773 : vector<256x1xf32> to vector<256x1xf32>
      %broadcast_in_dim3A_786 = vector.broadcast %broadcast_in_dim3A_785 : vector<256x1xf32> to vector<256x32xf32>
      %select_n3A_787 = arith.select %eq3A_784, %broadcast_in_dim3A_786, %select_n3A_756 : vector<256x32xi1>, vector<256x32xf32>
      %eq3A_788 = arith.constant 23 : i32
      %eq3A_789 = vector.broadcast %eq3A_788 : i32 to vector<256x32xi32>
      %eq3A_790 = arith.cmpi eq, %iota3A, %eq3A_789 : vector<256x32xi32>
      %broadcast_in_dim3A_791 = vector.shape_cast %broadcast_in_dim3A_781 : vector<256x1xi32> to vector<256x1xi32>
      %broadcast_in_dim3A_792 = vector.broadcast %broadcast_in_dim3A_791 : vector<256x1xi32> to vector<256x32xi32>
      %select_n3A_793 = arith.select %eq3A_790, %broadcast_in_dim3A_792, %select_n3A_762 : vector<256x32xi1>, vector<256x32xi32>
      %eq3A_794 = vector.broadcast %broadcast_in_dim3A_773 : vector<256x1xf32> to vector<256x544xf32>
      %eq3A_795 = arith.cmpf oeq, %select_n3A_770, %eq3A_794 : vector<256x544xf32>
      %eq3A_796 = vector.broadcast %broadcast_in_dim3A_781 : vector<256x1xi32> to vector<256x544xi32>
      %eq3A_797 = arith.cmpi eq, %concatenate3A_60, %eq3A_796 : vector<256x544xi32>
      %and3A_798 = arith.andi %eq3A_795, %eq3A_797 : vector<256x544xi1>
      %jit3A_799 = arith.constant 0x7F800000 : f32
      %broadcast_in_dim3A_800 = vector.broadcast %jit3A_799 : f32 to vector<256x544xf32>
      %select_n3A_801 = arith.select %and3A_798, %broadcast_in_dim3A_800, %select_n3A_770 : vector<256x544xi1>, vector<256x544xf32>
      %reduce_min3A_802 = arith.constant dense<0x7F800000> : vector<256xf32>
      %reduce_min3A_803 = vector.multi_reduction <minimumf>, %select_n3A_801, %reduce_min3A_802 [1] : vector<256x544xf32> to vector<256xf32>
      %broadcast_in_dim3A_804 = vector.shape_cast %reduce_min3A_803 : vector<256xf32> to vector<256x1xf32>
      %eq3A_805 = vector.broadcast %broadcast_in_dim3A_804 : vector<256x1xf32> to vector<256x544xf32>
      %eq3A_806 = arith.cmpf oeq, %select_n3A_801, %eq3A_805 : vector<256x544xf32>
      %jit3A_807 = arith.constant 2147483647 : i32
      %broadcast_in_dim3A_808 = vector.broadcast %jit3A_807 : i32 to vector<256x544xi32>
      %select_n3A_809 = arith.select %eq3A_806, %concatenate3A_60, %broadcast_in_dim3A_808 : vector<256x544xi1>, vector<256x544xi32>
      %reduce_min3A_810 = arith.constant dense<2147483647> : vector<256xi32>
      %reduce_min3A_811 = vector.multi_reduction <minsi>, %select_n3A_809, %reduce_min3A_810 [1] : vector<256x544xi32> to vector<256xi32>
      %broadcast_in_dim3A_812 = vector.shape_cast %reduce_min3A_811 : vector<256xi32> to vector<256x1xi32>
      %eq3A_813 = arith.constant 24 : i32
      %eq3A_814 = vector.broadcast %eq3A_813 : i32 to vector<256x32xi32>
      %eq3A_815 = arith.cmpi eq, %iota3A, %eq3A_814 : vector<256x32xi32>
      %broadcast_in_dim3A_816 = vector.shape_cast %broadcast_in_dim3A_804 : vector<256x1xf32> to vector<256x1xf32>
      %broadcast_in_dim3A_817 = vector.broadcast %broadcast_in_dim3A_816 : vector<256x1xf32> to vector<256x32xf32>
      %select_n3A_818 = arith.select %eq3A_815, %broadcast_in_dim3A_817, %select_n3A_787 : vector<256x32xi1>, vector<256x32xf32>
      %eq3A_819 = arith.constant 24 : i32
      %eq3A_820 = vector.broadcast %eq3A_819 : i32 to vector<256x32xi32>
      %eq3A_821 = arith.cmpi eq, %iota3A, %eq3A_820 : vector<256x32xi32>
      %broadcast_in_dim3A_822 = vector.shape_cast %broadcast_in_dim3A_812 : vector<256x1xi32> to vector<256x1xi32>
      %broadcast_in_dim3A_823 = vector.broadcast %broadcast_in_dim3A_822 : vector<256x1xi32> to vector<256x32xi32>
      %select_n3A_824 = arith.select %eq3A_821, %broadcast_in_dim3A_823, %select_n3A_793 : vector<256x32xi1>, vector<256x32xi32>
      %eq3A_825 = vector.broadcast %broadcast_in_dim3A_804 : vector<256x1xf32> to vector<256x544xf32>
      %eq3A_826 = arith.cmpf oeq, %select_n3A_801, %eq3A_825 : vector<256x544xf32>
      %eq3A_827 = vector.broadcast %broadcast_in_dim3A_812 : vector<256x1xi32> to vector<256x544xi32>
      %eq3A_828 = arith.cmpi eq, %concatenate3A_60, %eq3A_827 : vector<256x544xi32>
      %and3A_829 = arith.andi %eq3A_826, %eq3A_828 : vector<256x544xi1>
      %jit3A_830 = arith.constant 0x7F800000 : f32
      %broadcast_in_dim3A_831 = vector.broadcast %jit3A_830 : f32 to vector<256x544xf32>
      %select_n3A_832 = arith.select %and3A_829, %broadcast_in_dim3A_831, %select_n3A_801 : vector<256x544xi1>, vector<256x544xf32>
      %reduce_min3A_833 = arith.constant dense<0x7F800000> : vector<256xf32>
      %reduce_min3A_834 = vector.multi_reduction <minimumf>, %select_n3A_832, %reduce_min3A_833 [1] : vector<256x544xf32> to vector<256xf32>
      %broadcast_in_dim3A_835 = vector.shape_cast %reduce_min3A_834 : vector<256xf32> to vector<256x1xf32>
      %eq3A_836 = vector.broadcast %broadcast_in_dim3A_835 : vector<256x1xf32> to vector<256x544xf32>
      %eq3A_837 = arith.cmpf oeq, %select_n3A_832, %eq3A_836 : vector<256x544xf32>
      %jit3A_838 = arith.constant 2147483647 : i32
      %broadcast_in_dim3A_839 = vector.broadcast %jit3A_838 : i32 to vector<256x544xi32>
      %select_n3A_840 = arith.select %eq3A_837, %concatenate3A_60, %broadcast_in_dim3A_839 : vector<256x544xi1>, vector<256x544xi32>
      %reduce_min3A_841 = arith.constant dense<2147483647> : vector<256xi32>
      %reduce_min3A_842 = vector.multi_reduction <minsi>, %select_n3A_840, %reduce_min3A_841 [1] : vector<256x544xi32> to vector<256xi32>
      %broadcast_in_dim3A_843 = vector.shape_cast %reduce_min3A_842 : vector<256xi32> to vector<256x1xi32>
      %eq3A_844 = arith.constant 25 : i32
      %eq3A_845 = vector.broadcast %eq3A_844 : i32 to vector<256x32xi32>
      %eq3A_846 = arith.cmpi eq, %iota3A, %eq3A_845 : vector<256x32xi32>
      %broadcast_in_dim3A_847 = vector.shape_cast %broadcast_in_dim3A_835 : vector<256x1xf32> to vector<256x1xf32>
      %broadcast_in_dim3A_848 = vector.broadcast %broadcast_in_dim3A_847 : vector<256x1xf32> to vector<256x32xf32>
      %select_n3A_849 = arith.select %eq3A_846, %broadcast_in_dim3A_848, %select_n3A_818 : vector<256x32xi1>, vector<256x32xf32>
      %eq3A_850 = arith.constant 25 : i32
      %eq3A_851 = vector.broadcast %eq3A_850 : i32 to vector<256x32xi32>
      %eq3A_852 = arith.cmpi eq, %iota3A, %eq3A_851 : vector<256x32xi32>
      %broadcast_in_dim3A_853 = vector.shape_cast %broadcast_in_dim3A_843 : vector<256x1xi32> to vector<256x1xi32>
      %broadcast_in_dim3A_854 = vector.broadcast %broadcast_in_dim3A_853 : vector<256x1xi32> to vector<256x32xi32>
      %select_n3A_855 = arith.select %eq3A_852, %broadcast_in_dim3A_854, %select_n3A_824 : vector<256x32xi1>, vector<256x32xi32>
      %eq3A_856 = vector.broadcast %broadcast_in_dim3A_835 : vector<256x1xf32> to vector<256x544xf32>
      %eq3A_857 = arith.cmpf oeq, %select_n3A_832, %eq3A_856 : vector<256x544xf32>
      %eq3A_858 = vector.broadcast %broadcast_in_dim3A_843 : vector<256x1xi32> to vector<256x544xi32>
      %eq3A_859 = arith.cmpi eq, %concatenate3A_60, %eq3A_858 : vector<256x544xi32>
      %and3A_860 = arith.andi %eq3A_857, %eq3A_859 : vector<256x544xi1>
      %jit3A_861 = arith.constant 0x7F800000 : f32
      %broadcast_in_dim3A_862 = vector.broadcast %jit3A_861 : f32 to vector<256x544xf32>
      %select_n3A_863 = arith.select %and3A_860, %broadcast_in_dim3A_862, %select_n3A_832 : vector<256x544xi1>, vector<256x544xf32>
      %reduce_min3A_864 = arith.constant dense<0x7F800000> : vector<256xf32>
      %reduce_min3A_865 = vector.multi_reduction <minimumf>, %select_n3A_863, %reduce_min3A_864 [1] : vector<256x544xf32> to vector<256xf32>
      %broadcast_in_dim3A_866 = vector.shape_cast %reduce_min3A_865 : vector<256xf32> to vector<256x1xf32>
      %eq3A_867 = vector.broadcast %broadcast_in_dim3A_866 : vector<256x1xf32> to vector<256x544xf32>
      %eq3A_868 = arith.cmpf oeq, %select_n3A_863, %eq3A_867 : vector<256x544xf32>
      %jit3A_869 = arith.constant 2147483647 : i32
      %broadcast_in_dim3A_870 = vector.broadcast %jit3A_869 : i32 to vector<256x544xi32>
      %select_n3A_871 = arith.select %eq3A_868, %concatenate3A_60, %broadcast_in_dim3A_870 : vector<256x544xi1>, vector<256x544xi32>
      %reduce_min3A_872 = arith.constant dense<2147483647> : vector<256xi32>
      %reduce_min3A_873 = vector.multi_reduction <minsi>, %select_n3A_871, %reduce_min3A_872 [1] : vector<256x544xi32> to vector<256xi32>
      %broadcast_in_dim3A_874 = vector.shape_cast %reduce_min3A_873 : vector<256xi32> to vector<256x1xi32>
      %eq3A_875 = arith.constant 26 : i32
      %eq3A_876 = vector.broadcast %eq3A_875 : i32 to vector<256x32xi32>
      %eq3A_877 = arith.cmpi eq, %iota3A, %eq3A_876 : vector<256x32xi32>
      %broadcast_in_dim3A_878 = vector.shape_cast %broadcast_in_dim3A_866 : vector<256x1xf32> to vector<256x1xf32>
      %broadcast_in_dim3A_879 = vector.broadcast %broadcast_in_dim3A_878 : vector<256x1xf32> to vector<256x32xf32>
      %select_n3A_880 = arith.select %eq3A_877, %broadcast_in_dim3A_879, %select_n3A_849 : vector<256x32xi1>, vector<256x32xf32>
      %eq3A_881 = arith.constant 26 : i32
      %eq3A_882 = vector.broadcast %eq3A_881 : i32 to vector<256x32xi32>
      %eq3A_883 = arith.cmpi eq, %iota3A, %eq3A_882 : vector<256x32xi32>
      %broadcast_in_dim3A_884 = vector.shape_cast %broadcast_in_dim3A_874 : vector<256x1xi32> to vector<256x1xi32>
      %broadcast_in_dim3A_885 = vector.broadcast %broadcast_in_dim3A_884 : vector<256x1xi32> to vector<256x32xi32>
      %select_n3A_886 = arith.select %eq3A_883, %broadcast_in_dim3A_885, %select_n3A_855 : vector<256x32xi1>, vector<256x32xi32>
      %eq3A_887 = vector.broadcast %broadcast_in_dim3A_866 : vector<256x1xf32> to vector<256x544xf32>
      %eq3A_888 = arith.cmpf oeq, %select_n3A_863, %eq3A_887 : vector<256x544xf32>
      %eq3A_889 = vector.broadcast %broadcast_in_dim3A_874 : vector<256x1xi32> to vector<256x544xi32>
      %eq3A_890 = arith.cmpi eq, %concatenate3A_60, %eq3A_889 : vector<256x544xi32>
      %and3A_891 = arith.andi %eq3A_888, %eq3A_890 : vector<256x544xi1>
      %jit3A_892 = arith.constant 0x7F800000 : f32
      %broadcast_in_dim3A_893 = vector.broadcast %jit3A_892 : f32 to vector<256x544xf32>
      %select_n3A_894 = arith.select %and3A_891, %broadcast_in_dim3A_893, %select_n3A_863 : vector<256x544xi1>, vector<256x544xf32>
      %reduce_min3A_895 = arith.constant dense<0x7F800000> : vector<256xf32>
      %reduce_min3A_896 = vector.multi_reduction <minimumf>, %select_n3A_894, %reduce_min3A_895 [1] : vector<256x544xf32> to vector<256xf32>
      %broadcast_in_dim3A_897 = vector.shape_cast %reduce_min3A_896 : vector<256xf32> to vector<256x1xf32>
      %eq3A_898 = vector.broadcast %broadcast_in_dim3A_897 : vector<256x1xf32> to vector<256x544xf32>
      %eq3A_899 = arith.cmpf oeq, %select_n3A_894, %eq3A_898 : vector<256x544xf32>
      %jit3A_900 = arith.constant 2147483647 : i32
      %broadcast_in_dim3A_901 = vector.broadcast %jit3A_900 : i32 to vector<256x544xi32>
      %select_n3A_902 = arith.select %eq3A_899, %concatenate3A_60, %broadcast_in_dim3A_901 : vector<256x544xi1>, vector<256x544xi32>
      %reduce_min3A_903 = arith.constant dense<2147483647> : vector<256xi32>
      %reduce_min3A_904 = vector.multi_reduction <minsi>, %select_n3A_902, %reduce_min3A_903 [1] : vector<256x544xi32> to vector<256xi32>
      %broadcast_in_dim3A_905 = vector.shape_cast %reduce_min3A_904 : vector<256xi32> to vector<256x1xi32>
      %eq3A_906 = arith.constant 27 : i32
      %eq3A_907 = vector.broadcast %eq3A_906 : i32 to vector<256x32xi32>
      %eq3A_908 = arith.cmpi eq, %iota3A, %eq3A_907 : vector<256x32xi32>
      %broadcast_in_dim3A_909 = vector.shape_cast %broadcast_in_dim3A_897 : vector<256x1xf32> to vector<256x1xf32>
      %broadcast_in_dim3A_910 = vector.broadcast %broadcast_in_dim3A_909 : vector<256x1xf32> to vector<256x32xf32>
      %select_n3A_911 = arith.select %eq3A_908, %broadcast_in_dim3A_910, %select_n3A_880 : vector<256x32xi1>, vector<256x32xf32>
      %eq3A_912 = arith.constant 27 : i32
      %eq3A_913 = vector.broadcast %eq3A_912 : i32 to vector<256x32xi32>
      %eq3A_914 = arith.cmpi eq, %iota3A, %eq3A_913 : vector<256x32xi32>
      %broadcast_in_dim3A_915 = vector.shape_cast %broadcast_in_dim3A_905 : vector<256x1xi32> to vector<256x1xi32>
      %broadcast_in_dim3A_916 = vector.broadcast %broadcast_in_dim3A_915 : vector<256x1xi32> to vector<256x32xi32>
      %select_n3A_917 = arith.select %eq3A_914, %broadcast_in_dim3A_916, %select_n3A_886 : vector<256x32xi1>, vector<256x32xi32>
      %eq3A_918 = vector.broadcast %broadcast_in_dim3A_897 : vector<256x1xf32> to vector<256x544xf32>
      %eq3A_919 = arith.cmpf oeq, %select_n3A_894, %eq3A_918 : vector<256x544xf32>
      %eq3A_920 = vector.broadcast %broadcast_in_dim3A_905 : vector<256x1xi32> to vector<256x544xi32>
      %eq3A_921 = arith.cmpi eq, %concatenate3A_60, %eq3A_920 : vector<256x544xi32>
      %and3A_922 = arith.andi %eq3A_919, %eq3A_921 : vector<256x544xi1>
      %jit3A_923 = arith.constant 0x7F800000 : f32
      %broadcast_in_dim3A_924 = vector.broadcast %jit3A_923 : f32 to vector<256x544xf32>
      %select_n3A_925 = arith.select %and3A_922, %broadcast_in_dim3A_924, %select_n3A_894 : vector<256x544xi1>, vector<256x544xf32>
      %reduce_min3A_926 = arith.constant dense<0x7F800000> : vector<256xf32>
      %reduce_min3A_927 = vector.multi_reduction <minimumf>, %select_n3A_925, %reduce_min3A_926 [1] : vector<256x544xf32> to vector<256xf32>
      %broadcast_in_dim3A_928 = vector.shape_cast %reduce_min3A_927 : vector<256xf32> to vector<256x1xf32>
      %eq3A_929 = vector.broadcast %broadcast_in_dim3A_928 : vector<256x1xf32> to vector<256x544xf32>
      %eq3A_930 = arith.cmpf oeq, %select_n3A_925, %eq3A_929 : vector<256x544xf32>
      %jit3A_931 = arith.constant 2147483647 : i32
      %broadcast_in_dim3A_932 = vector.broadcast %jit3A_931 : i32 to vector<256x544xi32>
      %select_n3A_933 = arith.select %eq3A_930, %concatenate3A_60, %broadcast_in_dim3A_932 : vector<256x544xi1>, vector<256x544xi32>
      %reduce_min3A_934 = arith.constant dense<2147483647> : vector<256xi32>
      %reduce_min3A_935 = vector.multi_reduction <minsi>, %select_n3A_933, %reduce_min3A_934 [1] : vector<256x544xi32> to vector<256xi32>
      %broadcast_in_dim3A_936 = vector.shape_cast %reduce_min3A_935 : vector<256xi32> to vector<256x1xi32>
      %eq3A_937 = arith.constant 28 : i32
      %eq3A_938 = vector.broadcast %eq3A_937 : i32 to vector<256x32xi32>
      %eq3A_939 = arith.cmpi eq, %iota3A, %eq3A_938 : vector<256x32xi32>
      %broadcast_in_dim3A_940 = vector.shape_cast %broadcast_in_dim3A_928 : vector<256x1xf32> to vector<256x1xf32>
      %broadcast_in_dim3A_941 = vector.broadcast %broadcast_in_dim3A_940 : vector<256x1xf32> to vector<256x32xf32>
      %select_n3A_942 = arith.select %eq3A_939, %broadcast_in_dim3A_941, %select_n3A_911 : vector<256x32xi1>, vector<256x32xf32>
      %eq3A_943 = arith.constant 28 : i32
      %eq3A_944 = vector.broadcast %eq3A_943 : i32 to vector<256x32xi32>
      %eq3A_945 = arith.cmpi eq, %iota3A, %eq3A_944 : vector<256x32xi32>
      %broadcast_in_dim3A_946 = vector.shape_cast %broadcast_in_dim3A_936 : vector<256x1xi32> to vector<256x1xi32>
      %broadcast_in_dim3A_947 = vector.broadcast %broadcast_in_dim3A_946 : vector<256x1xi32> to vector<256x32xi32>
      %select_n3A_948 = arith.select %eq3A_945, %broadcast_in_dim3A_947, %select_n3A_917 : vector<256x32xi1>, vector<256x32xi32>
      %eq3A_949 = vector.broadcast %broadcast_in_dim3A_928 : vector<256x1xf32> to vector<256x544xf32>
      %eq3A_950 = arith.cmpf oeq, %select_n3A_925, %eq3A_949 : vector<256x544xf32>
      %eq3A_951 = vector.broadcast %broadcast_in_dim3A_936 : vector<256x1xi32> to vector<256x544xi32>
      %eq3A_952 = arith.cmpi eq, %concatenate3A_60, %eq3A_951 : vector<256x544xi32>
      %and3A_953 = arith.andi %eq3A_950, %eq3A_952 : vector<256x544xi1>
      %jit3A_954 = arith.constant 0x7F800000 : f32
      %broadcast_in_dim3A_955 = vector.broadcast %jit3A_954 : f32 to vector<256x544xf32>
      %select_n3A_956 = arith.select %and3A_953, %broadcast_in_dim3A_955, %select_n3A_925 : vector<256x544xi1>, vector<256x544xf32>
      %reduce_min3A_957 = arith.constant dense<0x7F800000> : vector<256xf32>
      %reduce_min3A_958 = vector.multi_reduction <minimumf>, %select_n3A_956, %reduce_min3A_957 [1] : vector<256x544xf32> to vector<256xf32>
      %broadcast_in_dim3A_959 = vector.shape_cast %reduce_min3A_958 : vector<256xf32> to vector<256x1xf32>
      %eq3A_960 = vector.broadcast %broadcast_in_dim3A_959 : vector<256x1xf32> to vector<256x544xf32>
      %eq3A_961 = arith.cmpf oeq, %select_n3A_956, %eq3A_960 : vector<256x544xf32>
      %jit3A_962 = arith.constant 2147483647 : i32
      %broadcast_in_dim3A_963 = vector.broadcast %jit3A_962 : i32 to vector<256x544xi32>
      %select_n3A_964 = arith.select %eq3A_961, %concatenate3A_60, %broadcast_in_dim3A_963 : vector<256x544xi1>, vector<256x544xi32>
      %reduce_min3A_965 = arith.constant dense<2147483647> : vector<256xi32>
      %reduce_min3A_966 = vector.multi_reduction <minsi>, %select_n3A_964, %reduce_min3A_965 [1] : vector<256x544xi32> to vector<256xi32>
      %broadcast_in_dim3A_967 = vector.shape_cast %reduce_min3A_966 : vector<256xi32> to vector<256x1xi32>
      %eq3A_968 = arith.constant 29 : i32
      %eq3A_969 = vector.broadcast %eq3A_968 : i32 to vector<256x32xi32>
      %eq3A_970 = arith.cmpi eq, %iota3A, %eq3A_969 : vector<256x32xi32>
      %broadcast_in_dim3A_971 = vector.shape_cast %broadcast_in_dim3A_959 : vector<256x1xf32> to vector<256x1xf32>
      %broadcast_in_dim3A_972 = vector.broadcast %broadcast_in_dim3A_971 : vector<256x1xf32> to vector<256x32xf32>
      %select_n3A_973 = arith.select %eq3A_970, %broadcast_in_dim3A_972, %select_n3A_942 : vector<256x32xi1>, vector<256x32xf32>
      %eq3A_974 = arith.constant 29 : i32
      %eq3A_975 = vector.broadcast %eq3A_974 : i32 to vector<256x32xi32>
      %eq3A_976 = arith.cmpi eq, %iota3A, %eq3A_975 : vector<256x32xi32>
      %broadcast_in_dim3A_977 = vector.shape_cast %broadcast_in_dim3A_967 : vector<256x1xi32> to vector<256x1xi32>
      %broadcast_in_dim3A_978 = vector.broadcast %broadcast_in_dim3A_977 : vector<256x1xi32> to vector<256x32xi32>
      %select_n3A_979 = arith.select %eq3A_976, %broadcast_in_dim3A_978, %select_n3A_948 : vector<256x32xi1>, vector<256x32xi32>
      %eq3A_980 = vector.broadcast %broadcast_in_dim3A_959 : vector<256x1xf32> to vector<256x544xf32>
      %eq3A_981 = arith.cmpf oeq, %select_n3A_956, %eq3A_980 : vector<256x544xf32>
      %eq3A_982 = vector.broadcast %broadcast_in_dim3A_967 : vector<256x1xi32> to vector<256x544xi32>
      %eq3A_983 = arith.cmpi eq, %concatenate3A_60, %eq3A_982 : vector<256x544xi32>
      %and3A_984 = arith.andi %eq3A_981, %eq3A_983 : vector<256x544xi1>
      %jit3A_985 = arith.constant 0x7F800000 : f32
      %broadcast_in_dim3A_986 = vector.broadcast %jit3A_985 : f32 to vector<256x544xf32>
      %select_n3A_987 = arith.select %and3A_984, %broadcast_in_dim3A_986, %select_n3A_956 : vector<256x544xi1>, vector<256x544xf32>
      %reduce_min3A_988 = arith.constant dense<0x7F800000> : vector<256xf32>
      %reduce_min3A_989 = vector.multi_reduction <minimumf>, %select_n3A_987, %reduce_min3A_988 [1] : vector<256x544xf32> to vector<256xf32>
      %broadcast_in_dim3A_990 = vector.shape_cast %reduce_min3A_989 : vector<256xf32> to vector<256x1xf32>
      %eq3A_991 = vector.broadcast %broadcast_in_dim3A_990 : vector<256x1xf32> to vector<256x544xf32>
      %eq3A_992 = arith.cmpf oeq, %select_n3A_987, %eq3A_991 : vector<256x544xf32>
      %jit3A_993 = arith.constant 2147483647 : i32
      %broadcast_in_dim3A_994 = vector.broadcast %jit3A_993 : i32 to vector<256x544xi32>
      %select_n3A_995 = arith.select %eq3A_992, %concatenate3A_60, %broadcast_in_dim3A_994 : vector<256x544xi1>, vector<256x544xi32>
      %reduce_min3A_996 = arith.constant dense<2147483647> : vector<256xi32>
      %reduce_min3A_997 = vector.multi_reduction <minsi>, %select_n3A_995, %reduce_min3A_996 [1] : vector<256x544xi32> to vector<256xi32>
      %broadcast_in_dim3A_998 = vector.shape_cast %reduce_min3A_997 : vector<256xi32> to vector<256x1xi32>
      %eq3A_999 = arith.constant 30 : i32
      %eq3A_1000 = vector.broadcast %eq3A_999 : i32 to vector<256x32xi32>
      %eq3A_1001 = arith.cmpi eq, %iota3A, %eq3A_1000 : vector<256x32xi32>
      %broadcast_in_dim3A_1002 = vector.shape_cast %broadcast_in_dim3A_990 : vector<256x1xf32> to vector<256x1xf32>
      %broadcast_in_dim3A_1003 = vector.broadcast %broadcast_in_dim3A_1002 : vector<256x1xf32> to vector<256x32xf32>
      %select_n3A_1004 = arith.select %eq3A_1001, %broadcast_in_dim3A_1003, %select_n3A_973 : vector<256x32xi1>, vector<256x32xf32>
      %eq3A_1005 = arith.constant 30 : i32
      %eq3A_1006 = vector.broadcast %eq3A_1005 : i32 to vector<256x32xi32>
      %eq3A_1007 = arith.cmpi eq, %iota3A, %eq3A_1006 : vector<256x32xi32>
      %broadcast_in_dim3A_1008 = vector.shape_cast %broadcast_in_dim3A_998 : vector<256x1xi32> to vector<256x1xi32>
      %broadcast_in_dim3A_1009 = vector.broadcast %broadcast_in_dim3A_1008 : vector<256x1xi32> to vector<256x32xi32>
      %select_n3A_1010 = arith.select %eq3A_1007, %broadcast_in_dim3A_1009, %select_n3A_979 : vector<256x32xi1>, vector<256x32xi32>
      %eq3A_1011 = vector.broadcast %broadcast_in_dim3A_990 : vector<256x1xf32> to vector<256x544xf32>
      %eq3A_1012 = arith.cmpf oeq, %select_n3A_987, %eq3A_1011 : vector<256x544xf32>
      %eq3A_1013 = vector.broadcast %broadcast_in_dim3A_998 : vector<256x1xi32> to vector<256x544xi32>
      %eq3A_1014 = arith.cmpi eq, %concatenate3A_60, %eq3A_1013 : vector<256x544xi32>
      %and3A_1015 = arith.andi %eq3A_1012, %eq3A_1014 : vector<256x544xi1>
      %jit3A_1016 = arith.constant 0x7F800000 : f32
      %broadcast_in_dim3A_1017 = vector.broadcast %jit3A_1016 : f32 to vector<256x544xf32>
      %select_n3A_1018 = arith.select %and3A_1015, %broadcast_in_dim3A_1017, %select_n3A_987 : vector<256x544xi1>, vector<256x544xf32>
      %reduce_min3A_1019 = arith.constant dense<0x7F800000> : vector<256xf32>
      %reduce_min3A_1020 = vector.multi_reduction <minimumf>, %select_n3A_1018, %reduce_min3A_1019 [1] : vector<256x544xf32> to vector<256xf32>
      %broadcast_in_dim3A_1021 = vector.shape_cast %reduce_min3A_1020 : vector<256xf32> to vector<256x1xf32>
      %eq3A_1022 = vector.broadcast %broadcast_in_dim3A_1021 : vector<256x1xf32> to vector<256x544xf32>
      %eq3A_1023 = arith.cmpf oeq, %select_n3A_1018, %eq3A_1022 : vector<256x544xf32>
      %jit3A_1024 = arith.constant 2147483647 : i32
      %broadcast_in_dim3A_1025 = vector.broadcast %jit3A_1024 : i32 to vector<256x544xi32>
      %select_n3A_1026 = arith.select %eq3A_1023, %concatenate3A_60, %broadcast_in_dim3A_1025 : vector<256x544xi1>, vector<256x544xi32>
      %reduce_min3A_1027 = arith.constant dense<2147483647> : vector<256xi32>
      %reduce_min3A_1028 = vector.multi_reduction <minsi>, %select_n3A_1026, %reduce_min3A_1027 [1] : vector<256x544xi32> to vector<256xi32>
      %broadcast_in_dim3A_1029 = vector.shape_cast %reduce_min3A_1028 : vector<256xi32> to vector<256x1xi32>
      %eq3A_1030 = arith.constant 31 : i32
      %eq3A_1031 = vector.broadcast %eq3A_1030 : i32 to vector<256x32xi32>
      %eq3A_1032 = arith.cmpi eq, %iota3A, %eq3A_1031 : vector<256x32xi32>
      %broadcast_in_dim3A_1033 = vector.shape_cast %broadcast_in_dim3A_1021 : vector<256x1xf32> to vector<256x1xf32>
      %broadcast_in_dim3A_1034 = vector.broadcast %broadcast_in_dim3A_1033 : vector<256x1xf32> to vector<256x32xf32>
      %select_n3A_1035 = arith.select %eq3A_1032, %broadcast_in_dim3A_1034, %select_n3A_1004 : vector<256x32xi1>, vector<256x32xf32>
      %eq3A_1036 = arith.constant 31 : i32
      %eq3A_1037 = vector.broadcast %eq3A_1036 : i32 to vector<256x32xi32>
      %eq3A_1038 = arith.cmpi eq, %iota3A, %eq3A_1037 : vector<256x32xi32>
      %broadcast_in_dim3A_1039 = vector.shape_cast %broadcast_in_dim3A_1029 : vector<256x1xi32> to vector<256x1xi32>
      %broadcast_in_dim3A_1040 = vector.broadcast %broadcast_in_dim3A_1039 : vector<256x1xi32> to vector<256x32xi32>
      %select_n3A_1041 = arith.select %eq3A_1038, %broadcast_in_dim3A_1040, %select_n3A_1010 : vector<256x32xi1>, vector<256x32xi32>
      %eq3A_1042 = vector.broadcast %broadcast_in_dim3A_1021 : vector<256x1xf32> to vector<256x544xf32>
      %eq3A_1043 = arith.cmpf oeq, %select_n3A_1018, %eq3A_1042 : vector<256x544xf32>
      %eq3A_1044 = vector.broadcast %broadcast_in_dim3A_1029 : vector<256x1xi32> to vector<256x544xi32>
      %eq3A_1045 = arith.cmpi eq, %concatenate3A_60, %eq3A_1044 : vector<256x544xi32>
      %and3A_1046 = arith.andi %eq3A_1043, %eq3A_1045 : vector<256x544xi1>
      %jit3A_1047 = arith.constant 0x7F800000 : f32
      %broadcast_in_dim3A_1048 = vector.broadcast %jit3A_1047 : f32 to vector<256x544xf32>
      %select_n3A_1049 = arith.select %and3A_1046, %broadcast_in_dim3A_1048, %select_n3A_1018 : vector<256x544xi1>, vector<256x544xf32>
      scf.yield %select_n3A_1035, %select_n3A_1041 : vector<256x32xf32>, vector<256x32xi32>
    }
    %swap3A = arith.constant 0 : index
    %swap3A_26 = arith.constant 0 : index
    %swap3A_27 = vector.load %arg8[%swap3A, %swap3A_26] : memref<256x32xi32, #tpu.memory_space<vmem>>, vector<256x32xi32>
    tpu.vector_store %arg8[%swap3A, %swap3A_26], %while3A_25#1 {strides = array<i32>} : memref<256x32xi32, #tpu.memory_space<vmem>>, vector<256x32xi32>,
    return
  }
  func.func @transform_0(%arg0: i32, %arg1: memref<2x32xi32, #tpu.memory_space<smem>>) -> (i32, i32) {
    %c0_i32 = arith.constant 0 : i32
    %c0_i32_0 = arith.constant 0 : i32
    return %arg0, %c0_i32 : i32, i32
  }
  func.func @transform_1(%arg0: i32, %arg1: memref<2x32xi32, #tpu.memory_space<smem>>) -> (i32, i32) {
    %c0_i32 = arith.constant 0 : i32
    %c0_i32_0 = arith.constant 0 : i32
    %c0_i32_1 = arith.constant 0 : i32
    return %c0_i32, %c0_i32_0 : i32, i32
  }
  func.func @transform_2(%arg0: i32, %arg1: memref<2x32xi32, #tpu.memory_space<smem>>) -> (i32, i32) {
    %c0_i32 = arith.constant 0 : i32
    %c0_i32_0 = arith.constant 0 : i32
    return %arg0, %c0_i32 : i32, i32
  }
  func.func @transform_3(%arg0: i32, %arg1: memref<2x32xi32, #tpu.memory_space<smem>>) -> (i32, i32) {
    %c0_i32 = arith.constant 0 : i32
    %c0_i32_0 = arith.constant 0 : i32
    %c0_i32_1 = arith.constant 0 : i32
    return %c0_i32, %c0_i32_0 : i32, i32
  }
  func.func @transform_4(%arg0: i32, %arg1: memref<2x32xi32, #tpu.memory_space<smem>>) -> (i32, i32) {
    %c0_i32 = arith.constant 0 : i32
    %c0_i32_0 = arith.constant 0 : i32
    return %arg0, %c0_i32 : i32, i32
  }
  func.func @transform_5(%arg0: i32, %arg1: memref<2x32xi32, #tpu.memory_space<smem>>) -> (i32, i32) {
    %c0_i32 = arith.constant 0 : i32
    %c0_i32_0 = arith.constant 0 : i32
    %c0_i32_1 = arith.constant 0 : i32
    return %c0_i32, %c0_i32_0 : i32, i32
  }
  func.func @transform_6(%arg0: i32, %arg1: memref<2x32xi32, #tpu.memory_space<smem>>) -> (i32, i32) {
    %c0_i32 = arith.constant 0 : i32
    %c0_i32_0 = arith.constant 0 : i32
    return %arg0, %c0_i32 : i32, i32
  }
}

module attributes {stable_mosaic.version = 14 : i64} {
  func.func @_msg_body(%arg0: i32, %arg1: memref<4096x256xf32, #tpu.memory_space<vmem>>, %arg2: memref<4096x1xf32, #tpu.memory_space<vmem>>, %arg3: memref<4096x1xf32, #tpu.memory_space<vmem>>, %arg4: memref<4096x1xf32, #tpu.memory_space<vmem>>, %arg5: memref<128x256xf32, #tpu.memory_space<vmem>>, %arg6: memref<128x256xf32, #tpu.memory_space<vmem>>, %arg7: memref<128x8xf32, #tpu.memory_space<vmem>>, %arg8: memref<8x256xf32, #tpu.memory_space<vmem>>, %arg9: memref<128x256xf32, #tpu.memory_space<vmem>>) attributes {dimension_semantics = [#tpu.dimension_semantics<arbitrary>], iteration_bounds = array<i64: 64>, scalar_prefetch = 0 : i64, scratch_operands = 0 : i64, tpu.core_type = #tpu.core_type<tc>, window_params = [{transform_indices = @transform_0, window_bounds = array<i64: 4096, 256>}, {transform_indices = @transform_1, window_bounds = array<i64: 4096, 1>}, {transform_indices = @transform_2, window_bounds = array<i64: 4096, 1>}, {transform_indices = @transform_3, window_bounds = array<i64: 4096, 1>}, {transform_indices = @transform_4, window_bounds = array<i64: 128, 256>}, {transform_indices = @transform_5, window_bounds = array<i64: 128, 256>}, {transform_indices = @transform_6, window_bounds = array<i64: 128, 8>}, {pipeline_mode = #tpu.pipeline_mode<synchronous>, transform_indices = @transform_7, window_bounds = array<i64: 8, 256>}, {transform_indices = @transform_8, window_bounds = array<i64: 128, 256>}]} {
    %iota3A = tpu.iota {dimensions = array<i32: 1>} : vector<4096x8xi32>
    %broadcast_in_dim3A = arith.constant 0.000000e+00 : f32
    %broadcast_in_dim3A_0 = vector.broadcast %broadcast_in_dim3A : f32 to vector<4096x8xf32>
    %eq3A = arith.constant 1 : i32
    %eq3A_1 = vector.broadcast %eq3A : i32 to vector<4096x8xi32>
    %eq3A_2 = arith.cmpi eq, %iota3A, %eq3A_1 : vector<4096x8xi32>
    %get3A = arith.constant 0 : index
    %get3A_3 = arith.constant 0 : index
    %get3A_4 = vector.load %arg2[%get3A, %get3A_3] : memref<4096x1xf32, #tpu.memory_space<vmem>>, vector<4096x1xf32>
    %broadcast_in_dim3A_5 = vector.shape_cast %get3A_4 : vector<4096x1xf32> to vector<4096x1xf32>
    %broadcast_in_dim3A_6 = vector.broadcast %broadcast_in_dim3A_5 : vector<4096x1xf32> to vector<4096x8xf32>
    %select_n3A = arith.select %eq3A_2, %broadcast_in_dim3A_6, %broadcast_in_dim3A_0 : vector<4096x8xi1>, vector<4096x8xf32>
    %eq3A_7 = arith.constant 2 : i32
    %eq3A_8 = vector.broadcast %eq3A_7 : i32 to vector<4096x8xi32>
    %eq3A_9 = arith.cmpi eq, %iota3A, %eq3A_8 : vector<4096x8xi32>
    %get3A_10 = arith.constant 0 : index
    %get3A_11 = arith.constant 0 : index
    %get3A_12 = vector.load %arg3[%get3A_10, %get3A_11] : memref<4096x1xf32, #tpu.memory_space<vmem>>, vector<4096x1xf32>
    %broadcast_in_dim3A_13 = vector.shape_cast %get3A_12 : vector<4096x1xf32> to vector<4096x1xf32>
    %broadcast_in_dim3A_14 = vector.broadcast %broadcast_in_dim3A_13 : vector<4096x1xf32> to vector<4096x8xf32>
    %select_n3A_15 = arith.select %eq3A_9, %broadcast_in_dim3A_14, %select_n3A : vector<4096x8xi1>, vector<4096x8xf32>
    %eq3A_16 = arith.constant 3 : i32
    %eq3A_17 = vector.broadcast %eq3A_16 : i32 to vector<4096x8xi32>
    %eq3A_18 = arith.cmpi eq, %iota3A, %eq3A_17 : vector<4096x8xi32>
    %get3A_19 = arith.constant 0 : index
    %get3A_20 = arith.constant 0 : index
    %get3A_21 = vector.load %arg4[%get3A_19, %get3A_20] : memref<4096x1xf32, #tpu.memory_space<vmem>>, vector<4096x1xf32>
    %broadcast_in_dim3A_22 = vector.shape_cast %get3A_21 : vector<4096x1xf32> to vector<4096x1xf32>
    %broadcast_in_dim3A_23 = vector.broadcast %broadcast_in_dim3A_22 : vector<4096x1xf32> to vector<4096x8xf32>
    %select_n3A_24 = arith.select %eq3A_18, %broadcast_in_dim3A_23, %select_n3A_15 : vector<4096x8xi1>, vector<4096x8xf32>
    %get3A_25 = arith.constant 0 : index
    %get3A_26 = arith.constant 0 : index
    %get3A_27 = vector.load %arg7[%get3A_25, %get3A_26] : memref<128x8xf32, #tpu.memory_space<vmem>>, vector<128x8xf32>
    %broadcast_in_dim3A_28 = vector.shape_cast %get3A_27 : vector<128x8xf32> to vector<128x1x8xf32>
    %broadcast_in_dim3A_29 = vector.shape_cast %broadcast_in_dim3A_28 : vector<128x1x8xf32> to vector<128x1x8xf32>
    %broadcast_in_dim3A_30 = vector.broadcast %broadcast_in_dim3A_29 : vector<128x1x8xf32> to vector<128x32x8xf32>
    %reshape3A = vector.shape_cast %broadcast_in_dim3A_30 : vector<128x32x8xf32> to vector<4096x8xf32>
    %sub3A = arith.subf %select_n3A_24, %reshape3A : vector<4096x8xf32>
    %mul3A = arith.mulf %sub3A, %sub3A : vector<4096x8xf32>
    %reduce_sum3A = arith.constant dense<0.000000e+00> : vector<4096xf32>
    %reduce_sum3A_31 = vector.multi_reduction <add>, %mul3A, %reduce_sum3A [1] : vector<4096x8xf32> to vector<4096xf32>
    %broadcast_in_dim3A_32 = vector.shape_cast %reduce_sum3A_31 : vector<4096xf32> to vector<4096x1xf32>
    %add3A = arith.constant 9.99999996E-13 : f32
    %add3A_33 = vector.broadcast %add3A : f32 to vector<4096x1xf32>
    %add3A_34 = arith.addf %broadcast_in_dim3A_32, %add3A_33 : vector<4096x1xf32>
    %sqrt3A = math.sqrt %add3A_34 : vector<4096x1xf32>
    %add3A_35 = arith.constant 9.99999997E-7 : f32
    %add3A_36 = vector.broadcast %add3A_35 : f32 to vector<4096x1xf32>
    %add3A_37 = arith.addf %sqrt3A, %add3A_36 : vector<4096x1xf32>
    %div3A = vector.broadcast %add3A_37 : vector<4096x1xf32> to vector<4096x8xf32>
    %div3A_38 = arith.divf %sub3A, %div3A : vector<4096x8xf32>
    %eq3A_39 = arith.constant 0 : i32
    %eq3A_40 = vector.broadcast %eq3A_39 : i32 to vector<4096x8xi32>
    %eq3A_41 = arith.cmpi eq, %iota3A, %eq3A_40 : vector<4096x8xi32>
    %broadcast_in_dim3A_42 = vector.shape_cast %sqrt3A : vector<4096x1xf32> to vector<4096x1xf32>
    %broadcast_in_dim3A_43 = vector.broadcast %broadcast_in_dim3A_42 : vector<4096x1xf32> to vector<4096x8xf32>
    %select_n3A_44 = arith.select %eq3A_41, %broadcast_in_dim3A_43, %div3A_38 : vector<4096x8xi1>, vector<4096x8xf32>
    %get3A_45 = arith.constant 0 : index
    %get3A_46 = arith.constant 0 : index
    %get3A_47 = vector.load %arg8[%get3A_45, %get3A_46] : memref<8x256xf32, #tpu.memory_space<vmem>>, vector<8x256xf32>
    %dot_general3A = arith.constant dense<0.000000e+00> : vector<4096x256xf32>
    %dot_general3A_48 = tpu.matmul %select_n3A_44, %get3A_47, %dot_general3A {dimension_numbers = #tpu.dot_dimension_numbers<[1], [0], [0], [1], [0, 0, 1, 1], [], []>, transpose_lhs_hint = false} : vector<4096x8xf32>, vector<8x256xf32>, vector<4096x256xf32> -> vector<4096x256xf32>
    %get3A_49 = arith.constant 0 : index
    %get3A_50 = arith.constant 0 : index
    %get3A_51 = vector.load %arg5[%get3A_49, %get3A_50] : memref<128x256xf32, #tpu.memory_space<vmem>>, vector<128x256xf32>
    %broadcast_in_dim3A_52 = vector.shape_cast %get3A_51 : vector<128x256xf32> to vector<128x1x256xf32>
    %broadcast_in_dim3A_53 = vector.shape_cast %broadcast_in_dim3A_52 : vector<128x1x256xf32> to vector<128x1x256xf32>
    %broadcast_in_dim3A_54 = vector.broadcast %broadcast_in_dim3A_53 : vector<128x1x256xf32> to vector<128x32x256xf32>
    %reshape3A_55 = vector.shape_cast %broadcast_in_dim3A_54 : vector<128x32x256xf32> to vector<4096x256xf32>
    %get3A_56 = arith.constant 0 : index
    %get3A_57 = arith.constant 0 : index
    %get3A_58 = vector.load %arg1[%get3A_56, %get3A_57] : memref<4096x256xf32, #tpu.memory_space<vmem>>, vector<4096x256xf32>
    %add3A_59 = arith.addf %get3A_58, %reshape3A_55 : vector<4096x256xf32>
    %add3A_60 = arith.addf %add3A_59, %dot_general3A_48 : vector<4096x256xf32>
    %max3A = arith.constant 0.000000e+00 : f32
    %max3A_61 = vector.broadcast %max3A : f32 to vector<4096x256xf32>
    %max3A_62 = arith.maximumf %add3A_60, %max3A_61 : vector<4096x256xf32>
    %reshape3A_63 = vector.shape_cast %max3A_62 : vector<4096x256xf32> to vector<128x32x256xf32>
    %reduce_sum3A_64 = arith.constant dense<0.000000e+00> : vector<128x256xf32>
    %reduce_sum3A_65 = vector.multi_reduction <add>, %reshape3A_63, %reduce_sum3A_64 [1] : vector<128x32x256xf32> to vector<128x256xf32>
    %get3A_66 = arith.constant 0 : index
    %get3A_67 = arith.constant 0 : index
    %get3A_68 = vector.load %arg6[%get3A_66, %get3A_67] : memref<128x256xf32, #tpu.memory_space<vmem>>, vector<128x256xf32>
    %add3A_69 = arith.addf %get3A_68, %reduce_sum3A_65 : vector<128x256xf32>
    %max3A_70 = arith.constant 0.000000e+00 : f32
    %max3A_71 = vector.broadcast %max3A_70 : f32 to vector<128x256xf32>
    %max3A_72 = arith.maximumf %add3A_69, %max3A_71 : vector<128x256xf32>
    %swap3A = arith.constant 0 : index
    %swap3A_73 = arith.constant 0 : index
    %swap3A_74 = vector.load %arg9[%swap3A, %swap3A_73] : memref<128x256xf32, #tpu.memory_space<vmem>>, vector<128x256xf32>
    tpu.vector_store %arg9[%swap3A, %swap3A_73], %max3A_72 {strides = array<i32>} : memref<128x256xf32, #tpu.memory_space<vmem>>, vector<128x256xf32>,
    return
  }
  func.func @transform_0(%arg0: i32) -> (i32, i32) {
    %c0_i32 = arith.constant 0 : i32
    %c0_i32_0 = arith.constant 0 : i32
    return %arg0, %c0_i32 : i32, i32
  }
  func.func @transform_1(%arg0: i32) -> (i32, i32) {
    %c0_i32 = arith.constant 0 : i32
    %c0_i32_0 = arith.constant 0 : i32
    return %arg0, %c0_i32 : i32, i32
  }
  func.func @transform_2(%arg0: i32) -> (i32, i32) {
    %c0_i32 = arith.constant 0 : i32
    %c0_i32_0 = arith.constant 0 : i32
    return %arg0, %c0_i32 : i32, i32
  }
  func.func @transform_3(%arg0: i32) -> (i32, i32) {
    %c0_i32 = arith.constant 0 : i32
    %c0_i32_0 = arith.constant 0 : i32
    return %arg0, %c0_i32 : i32, i32
  }
  func.func @transform_4(%arg0: i32) -> (i32, i32) {
    %c0_i32 = arith.constant 0 : i32
    %c0_i32_0 = arith.constant 0 : i32
    return %arg0, %c0_i32 : i32, i32
  }
  func.func @transform_5(%arg0: i32) -> (i32, i32) {
    %c0_i32 = arith.constant 0 : i32
    %c0_i32_0 = arith.constant 0 : i32
    return %arg0, %c0_i32 : i32, i32
  }
  func.func @transform_6(%arg0: i32) -> (i32, i32) {
    %c0_i32 = arith.constant 0 : i32
    %c0_i32_0 = arith.constant 0 : i32
    return %arg0, %c0_i32 : i32, i32
  }
  func.func @transform_7(%arg0: i32) -> (i32, i32) {
    %c0_i32 = arith.constant 0 : i32
    %c0_i32_0 = arith.constant 0 : i32
    %c0_i32_1 = arith.constant 0 : i32
    return %c0_i32, %c0_i32_0 : i32, i32
  }
  func.func @transform_8(%arg0: i32) -> (i32, i32) {
    %c0_i32 = arith.constant 0 : i32
    %c0_i32_0 = arith.constant 0 : i32
    return %arg0, %c0_i32 : i32, i32
  }
}

module attributes {stable_mosaic.version = 14 : i64} {
  func.func @_head_body(%arg0: memref<8192x256xf32, #tpu.memory_space<vmem>>, %arg1: memref<1x8192xi32, #tpu.memory_space<vmem>>, %arg2: memref<256x512xf32, #tpu.memory_space<vmem>>, %arg3: memref<1x512xf32, #tpu.memory_space<vmem>>, %arg4: memref<512x256xf32, #tpu.memory_space<vmem>>, %arg5: memref<1x256xf32, #tpu.memory_space<vmem>>, %arg6: memref<256x10xf32, #tpu.memory_space<vmem>>, %arg7: memref<1x10xf32, #tpu.memory_space<vmem>>, %arg8: memref<16x10xf32, #tpu.memory_space<vmem>>) attributes {dimension_semantics = [], scalar_prefetch = 0 : i64, scratch_operands = 0 : i64, tpu.core_type = #tpu.core_type<tc>} {
    %get3A = arith.constant 0 : index
    %get3A_0 = arith.constant 0 : index
    %get3A_1 = vector.load %arg0[%get3A, %get3A_0] : memref<8192x256xf32, #tpu.memory_space<vmem>>, vector<8192x256xf32>
    %iota3A = tpu.iota {dimensions = array<i32: 0>} : vector<16x8192xi32>
    %get3A_2 = arith.constant 0 : index
    %get3A_3 = arith.constant 0 : index
    %get3A_4 = vector.load %arg1[%get3A_2, %get3A_3] : memref<1x8192xi32, #tpu.memory_space<vmem>>, vector<1x8192xi32>
    %eq3A = vector.broadcast %get3A_4 : vector<1x8192xi32> to vector<16x8192xi32>
    %eq3A_5 = arith.cmpi eq, %iota3A, %eq3A : vector<16x8192xi32>
    %jit3A = arith.constant 1.000000e+00 : f32
    %jit3A_6 = arith.constant 0.000000e+00 : f32
    %broadcast_in_dim3A = vector.broadcast %jit3A : f32 to vector<16x8192xf32>
    %broadcast_in_dim3A_7 = vector.broadcast %jit3A_6 : f32 to vector<16x8192xf32>
    %select_n3A = arith.select %eq3A_5, %broadcast_in_dim3A, %broadcast_in_dim3A_7 : vector<16x8192xi1>, vector<16x8192xf32>
    %dot_general3A = arith.constant dense<0.000000e+00> : vector<16x256xf32>
    %dot_general3A_8 = tpu.matmul %select_n3A, %get3A_1, %dot_general3A {dimension_numbers = #tpu.dot_dimension_numbers<[1], [0], [0], [1], [0, 0, 1, 1], [], []>, transpose_lhs_hint = false} : vector<16x8192xf32>, vector<8192x256xf32>, vector<16x256xf32> -> vector<16x256xf32>
    %reduce_sum3A = arith.constant dense<0.000000e+00> : vector<16xf32>
    %reduce_sum3A_9 = vector.multi_reduction <add>, %select_n3A, %reduce_sum3A [1] : vector<16x8192xf32> to vector<16xf32>
    %broadcast_in_dim3A_10 = vector.shape_cast %reduce_sum3A_9 : vector<16xf32> to vector<16x1xf32>
    %max3A = arith.constant 1.000000e+00 : f32
    %max3A_11 = vector.broadcast %max3A : f32 to vector<16x1xf32>
    %max3A_12 = arith.maximumf %broadcast_in_dim3A_10, %max3A_11 : vector<16x1xf32>
    %div3A = vector.broadcast %max3A_12 : vector<16x1xf32> to vector<16x256xf32>
    %div3A_13 = arith.divf %dot_general3A_8, %div3A : vector<16x256xf32>
    %get3A_14 = arith.constant 0 : index
    %get3A_15 = arith.constant 0 : index
    %get3A_16 = vector.load %arg2[%get3A_14, %get3A_15] : memref<256x512xf32, #tpu.memory_space<vmem>>, vector<256x512xf32>
    %dot_general3A_17 = arith.constant dense<0.000000e+00> : vector<16x512xf32>
    %dot_general3A_18 = tpu.matmul %div3A_13, %get3A_16, %dot_general3A_17 {dimension_numbers = #tpu.dot_dimension_numbers<[1], [0], [0], [1], [0, 0, 1, 1], [], []>, transpose_lhs_hint = false} : vector<16x256xf32>, vector<256x512xf32>, vector<16x512xf32> -> vector<16x512xf32>
    %get3A_19 = arith.constant 0 : index
    %get3A_20 = arith.constant 0 : index
    %get3A_21 = vector.load %arg3[%get3A_19, %get3A_20] : memref<1x512xf32, #tpu.memory_space<vmem>>, vector<1x512xf32>
    %add3A = vector.broadcast %get3A_21 : vector<1x512xf32> to vector<16x512xf32>
    %add3A_22 = arith.addf %dot_general3A_18, %add3A : vector<16x512xf32>
    %max3A_23 = arith.constant 0.000000e+00 : f32
    %max3A_24 = vector.broadcast %max3A_23 : f32 to vector<16x512xf32>
    %max3A_25 = arith.maximumf %add3A_22, %max3A_24 : vector<16x512xf32>
    %get3A_26 = arith.constant 0 : index
    %get3A_27 = arith.constant 0 : index
    %get3A_28 = vector.load %arg4[%get3A_26, %get3A_27] : memref<512x256xf32, #tpu.memory_space<vmem>>, vector<512x256xf32>
    %dot_general3A_29 = arith.constant dense<0.000000e+00> : vector<16x256xf32>
    %dot_general3A_30 = tpu.matmul %max3A_25, %get3A_28, %dot_general3A_29 {dimension_numbers = #tpu.dot_dimension_numbers<[1], [0], [0], [1], [0, 0, 1, 1], [], []>, transpose_lhs_hint = false} : vector<16x512xf32>, vector<512x256xf32>, vector<16x256xf32> -> vector<16x256xf32>
    %get3A_31 = arith.constant 0 : index
    %get3A_32 = arith.constant 0 : index
    %get3A_33 = vector.load %arg5[%get3A_31, %get3A_32] : memref<1x256xf32, #tpu.memory_space<vmem>>, vector<1x256xf32>
    %add3A_34 = vector.broadcast %get3A_33 : vector<1x256xf32> to vector<16x256xf32>
    %add3A_35 = arith.addf %dot_general3A_30, %add3A_34 : vector<16x256xf32>
    %max3A_36 = arith.constant 0.000000e+00 : f32
    %max3A_37 = vector.broadcast %max3A_36 : f32 to vector<16x256xf32>
    %max3A_38 = arith.maximumf %add3A_35, %max3A_37 : vector<16x256xf32>
    %get3A_39 = arith.constant 0 : index
    %get3A_40 = arith.constant 0 : index
    %get3A_41 = vector.load %arg6[%get3A_39, %get3A_40] : memref<256x10xf32, #tpu.memory_space<vmem>>, vector<256x10xf32>
    %dot_general3A_42 = arith.constant dense<0.000000e+00> : vector<16x10xf32>
    %dot_general3A_43 = tpu.matmul %max3A_38, %get3A_41, %dot_general3A_42 {dimension_numbers = #tpu.dot_dimension_numbers<[1], [0], [0], [1], [0, 0, 1, 1], [], []>, transpose_lhs_hint = false} : vector<16x256xf32>, vector<256x10xf32>, vector<16x10xf32> -> vector<16x10xf32>
    %get3A_44 = arith.constant 0 : index
    %get3A_45 = arith.constant 0 : index
    %get3A_46 = vector.load %arg7[%get3A_44, %get3A_45] : memref<1x10xf32, #tpu.memory_space<vmem>>, vector<1x10xf32>
    %add3A_47 = vector.broadcast %get3A_46 : vector<1x10xf32> to vector<16x10xf32>
    %add3A_48 = arith.addf %dot_general3A_43, %add3A_47 : vector<16x10xf32>
    %swap3A = arith.constant 0 : index
    %swap3A_49 = arith.constant 0 : index
    %swap3A_50 = vector.load %arg8[%swap3A, %swap3A_49] : memref<16x10xf32, #tpu.memory_space<vmem>>, vector<16x10xf32>
    tpu.vector_store %arg8[%swap3A, %swap3A_49], %add3A_48 {strides = array<i32>} : memref<16x10xf32, #tpu.memory_space<vmem>>, vector<16x10xf32>,
    return
  }
}

</mosaic_0001>

<sc_bundles>
// kernel: kernel.7.cloned.1.call-start
scs
__scs_entry_jumppad:
0x0: {  	(pc) =	sbr.rel $0x88, $3  }
0x1: {  	(tag) =	ssettag $0x0;
	lr =	simm.s32 $0x1  }
0x2: {  	[smem:$0x3F96] =	sst lr;
	_ =	strace $0xD0000000  }
0x3: {  	_ = 	snop  }
0x4: {  	_ = 	snop  }
0x5: {  	_ = 	snop  }
0x6: {  	_ = 	snop  }
0x7: {  	_ = 	snop  }
__scs_overlays_trampoline_lowered:
0x8: {  	[smem:$0x3FA5] =	sst s0  }
0x9: {  	[smem:$0x3FA6] =	sst s1  }
0xa: {  	[smem:$0x3FA7] =	sst s2  }
0xb: {  	[smem:$0x3FA8] =	sst s3  }
0xc: {  	[smem:$0x3FA9] =	sst s4  }
0xd: {  	[smem:$0x3FAA] =	sst s5  }
0xe: {  	[smem:$0x3FAB] =	sst s6  }
0xf: {  	[smem:$0x3FAC] =	sst s7  }
0x10: {  	[smem:$0x3FAD] =	sst s8  }
0x11: {  	[smem:$0x3FAE] =	sst s9;
	s0 =	simm.s32 @!p0 $0x0  }
0x12: {  	s1 =	sld [smem:$0x3F94];
	s0 =	simm.s32 @p0 $0x1  }
0x13: {  	[smem:$0x3FAF] =	sst s0;
	s0 =	simm.s32 @!p1 $0x0  }
0x14: {  	s2 =	sld [smem:$0x3F93];
	s0 =	simm.s32 @p1 $0x1  }
0x15: {  	[smem:$0x3FB0] =	sst s0;
	s0 =	simm.s32 @!p2 $0x0  }
0x16: {  	s3 =	sld [smem:$0x3FDB];
	s0 =	simm.s32 @p2 $0x1  }
0x17: {  	s4 =	simm.s32 $0x1BF5;
	[smem:$0x3FB2] =	sst s0  }
0x18: {  	s0 =	sld [smem:$0x3F95];
	_ =	swait.ge [sflag:s4], $0x0  }
0x19: {  	s7 =	sld [smem:$0x3F96]  }
0x1a: {  	s8 =	sadd.s32 $0xFFFFE003, lr  }
0x1b: {  	s9 =	sadd.s32 $0xFFFFFEF7, lr;
	s5 =	simm.s32 $0xFFFFFFFF;
	p2 =	slt.u32 s8, $0xFFFFF086  }
0x1c: {  	p1 =	slt.u32 s9, $0xF7A;
	s5 =	simm.s32 @!p2 $0x0  }
0x1d: {  	s5 =	simm.s32 @p1 $0x1;
	p0 =	seq.s32 s7, s2  }
0x1e: {  	s7 =	smul.u32 @!p0 $0xF7A, s2;
	p2 =	seq.s32 @!p0 s5, $0x0  }
0x1f: {  	s9 =	smul.u32 $0xF7A, s1;
	s8 =	simm.s32 @!p0 $0x1BF5;
	p2 =	por !p2, p0  }
0x20: {  	[sflag:s8] =	ssyncset.s32 @!p0 $0xFFFFF086;
	s6 =	sadd.s32 @!p0 s3, s7;
	s7 =	simm.s32 @!p0 $0x108  }
0x21: {  	s3 =	sadd.s32 s3, s9;
	s6 =	sadd.s32 @!p0 $0x88, s6;
	s7 =	simm.s32 @p2 $0x1082  }
0x22: {  	[simem:s7], [sflag:s8] =	dma.local @!p0 [hbm:s6], $0xF7A  }
0x23: {  	s9 =	sor.u32 $0xD0000000, s2;
	s6 =	simm.s32 $0x108;
	_ =	swait.ge @!p0 [sflag:s8], $0x0  }
0x24: {  	s3 =	sadd.s32 $0x88, s3;
	s6 =	simm.s32 @!p1 $0x1082;
	[sflag:s4] =	ssyncset.s32 $0xFFFFF086  }
0x25: {  	[simem:s6], [sflag:s4] =	dma.local [hbm:s3], $0xF7A  }
0x26: {  	[smem:$0x3F96] =	sst s1;
	(tag) =	ssettag s2;
	_ =	strace s9  }
0x27: {  	s1 =	sld [smem:$0x3FA6]  }
0x28: {  	s2 =	sld [smem:$0x3FA7]  }
0x29: {  	s4 =	sld [smem:$0x3FA9]  }
0x2a: {  	p0 =	seq.s32 s5, $0x0;
	s5 =	sld [smem:$0x3FAA]  }
0x2b: {  	s6 =	sld [smem:$0x3FAB]  }
0x2c: {  	s7 =	sld [smem:$0x3FAC]  }
0x2d: {  	s3 =	simm.s32 $0x108;
	s8 =	sld [smem:$0x3FAD]  }
0x2e: {  	s3 =	simm.s32 @!p0 $0x1082;
	s9 =	sld [smem:$0x3FAE]  }
0x2f: {  	lr =	sadd.s32 s0, s3;
	s0 =	sld [smem:$0x3FA5]  }
0x30: {  	s3 =	sld [smem:$0x3FA8]  }
0x31: {  	[smem:$0x3FB1] =	sst s10  }
0x32: {  	s10 =	sld [smem:$0x3FAF];
	_ =	sdelay $0x3  }
0x33: {  	p0 =	seq.s32 s10, $0x1;
	s10 =	sld [smem:$0x3FB1];
	_ =	sdelay $0x3  }
0x34: {  	[smem:$0x3FB1] =	sst s10  }
0x35: {  	s10 =	sld [smem:$0x3FB0];
	_ =	sdelay $0x3  }
0x36: {  	p1 =	seq.s32 s10, $0x1;
	s10 =	sld [smem:$0x3FB1];
	_ =	sdelay $0x3  }
0x37: {  	[smem:$0x3FB1] =	sst s10  }
0x38: {  	s10 =	sld [smem:$0x3FB2]  }
0x39: {  	_ = 	snop;
	(pc) =	sbr.ind lr, $3  }
0x3a: {  	_ = 	snop  }
0x3b: {  	_ = 	snop  }
0x3c: {  	p2 =	seq.s32 s10, $0x1;
	s10 =	sld [smem:$0x3FB1]  }
0x3d: {  	_ =	shalt  }
0x3e: {  	_ =	shalt  }
0x3f: {  	_ =	shalt  }
0x40: {  	_ =	shalt  }
0x41: {  	_ =	shalt  }
0x42: {  	_ =	shalt  }
0x43: {  	_ =	shalt  }
0x44: {  	_ =	shalt  }
0x45: {  	_ =	shalt  }
0x46: {  	_ =	shalt  }
0x47: {  	_ =	shalt  }
0x48: {  	_ =	shalt  }
0x49: {  	_ =	shalt  }
0x4a: {  	_ =	shalt  }
0x4b: {  	_ =	shalt  }
0x4c: {  	_ =	shalt  }
0x4d: {  	_ =	shalt  }
0x4e: {  	_ =	shalt  }
0x4f: {  	_ =	shalt  }
0x50: {  	_ =	shalt  }
0x51: {  	_ =	shalt  }
0x52: {  	_ =	shalt  }
0x53: {  	_ =	shalt  }
0x54: {  	_ =	shalt  }
0x55: {  	_ =	shalt  }
0x56: {  	_ =	shalt  }
0x57: {  	_ =	shalt  }
0x58: {  	_ =	shalt  }
0x59: {  	_ =	shalt  }
0x5a: {  	_ =	shalt  }
0x5b: {  	_ =	shalt  }
0x5c: {  	_ =	shalt  }
0x5d: {  	_ =	shalt  }
0x5e: {  	_ =	shalt  }
0x5f: {  	_ =	shalt  }
0x60: {  	_ =	shalt  }
0x61: {  	_ =	shalt  }
0x62: {  	_ =	shalt  }
0x63: {  	_ =	shalt  }
0x64: {  	_ =	shalt  }
0x65: {  	_ =	shalt  }
0x66: {  	_ =	shalt  }
0x67: {  	_ =	shalt  }
0x68: {  	_ =	shalt  }
0x69: {  	_ =	shalt  }
0x6a: {  	_ =	shalt  }
0x6b: {  	_ =	shalt  }
0x6c: {  	_ =	shalt  }
0x6d: {  	_ =	shalt  }
0x6e: {  	_ =	shalt  }
0x6f: {  	_ =	shalt  }
0x70: {  	_ =	shalt  }
0x71: {  	_ =	shalt  }
0x72: {  	_ =	shalt  }
0x73: {  	_ =	shalt  }
0x74: {  	_ =	shalt  }
0x75: {  	_ =	shalt  }
0x76: {  	_ =	shalt  }
0x77: {  	_ =	shalt  }
0x78: {  	_ =	shalt  }
0x79: {  	_ =	shalt  }
0x7a: {  	_ =	shalt  }
0x7b: {  	_ =	shalt  }
0x7c: {  	_ =	shalt  }
0x7d: {  	_ =	shalt  }
0x7e: {  	_ =	shalt  }
0x7f: {  	_ =	shalt  }
0x80: {  	_ =	shalt  }
0x81: {  	_ =	shalt  }
0x82: {  	_ =	shalt  }
0x83: {  	_ =	shalt  }
0x84: {  	_ =	shalt  }
0x85: {  	_ =	shalt  }
0x86: {  	_ =	shalt  }
0x87: {  	_ =	shalt  }
.Lfunc_end0:
.L_simem_size_0:
called_computation_lowered:
.L_overlay_start_0:
0x88: {  	s2 =	sld [smem:$0x3FD9]  }
0x89: {  	s3 =	sld [smem:$0x3FFE];
	_ =	sdelay $0x1  }
0x8a: {  	s1 =	srdreg.scid  }
0x8b: {  	s0 =	sand.u32 $0x1, s1  }
0x8c: {  	s16 =	sshll.u32 s0, $0xA;
	s2 =	sadd.s32 s3, s2  }
0x8d: {  	s2 =	sadd.s32 s2, s16  }
0x8e: {  	[smem:$0x3FBD] =	sst s2  }
0x8f: {  	_ = 	snop  }
0x90: {  	(tm) =	ssettm $0x1  }
0x91: {  	s17 =	sld [smem:$0x3FFB];
	_ =	sdelay $0x3  }
0x92: {  	_ =	strace s17  }
0x93: {  	s2 =	sld [smem:$0x3FFC];
	_ =	sdelay $0x3  }
0x94: {  	_ =	strace s2  }
0x95: {  	s2 =	sld [smem:$0x3FFD];
	_ =	sdelay $0x3  }
0x96: {  	_ =	strace s2  }
0x97: {  	_ =	strace $0x8FFFFFFF  }
0x98: {  	s18 =	sld [smem:$0x3FDB];
	_ =	sdelay $0x1  }
0x99: {  	s19 =	simm.s32 $_scs_section_size  }
0x9a: {  	s4 =	simm.s32 $_size__tile_overlayer_lowered;
	s5 =	simm.s32 $_tile_overlayer_lowered  }
0x9b: {  	s22 =	simm.s32 $0x1BFF;
	s21 =	sshll.u32 s5, $0x1;
	s2 =	sadd.s32 s19, s18  }
0x9c: {  	s6 =	simm.s32 $0x0;
	s20 =	sshll.u32 s4, $0x1;
	s4 =	sadd.s32 s21, s2  }
0x9d: {  	[timem:s6], [sflag:s22] =	dma.local [hbm:s4], s20  }
0x9e: {  	_ =	swait.ge [sflag:s22], s20  }
0x9f: {  	s3 =	ssub.s32 $0x0, s20;
	[sflag:s22] =	ssyncset.done $0x0  }
0xa0: {  	[sflag:s22] =	ssyncadd.s32 s3;
	_ =	sdelay $0x1  }
0xa1: {  	s23 =	simm.s32 $0x1B8B  }
0xa2: {  	_ =	swait.ge [sflag:s23], $0x1  }
0xa3: {  	[sflag:s23] =	ssyncset.done $0x0  }
0xa4: {  	s25 =	simm.s32 $0x1B8E;
	s24 =	sld [smem:$0x3FFE];
	[sflag:s23] =	ssyncadd.s32 $0xFFFFFFFF  }
0xa5: {  	s26 =	simm.s32 $execute0_lowered;
	[smem:$0x3FD2] =	sst s25  }
0xa6: {  	s4 =	sshll.u32 s26, $0x1;
	_ =	strace $0x80000046;
	[dreg:$0x1] =	wrdreg $0xFFFFFFFF  }
0xa7: {  	s28 =	simm.s32 $_size_execute0_lowered;
	s2 =	sadd.s32 s2, s4;
	[dreg:$0x0] =	wrdreg $0x0  }
0xa8: {  	s4 =	sshll.u32 s28, $0x1;
	[dreg:$0x2] =	wrdreg s2  }
0xa9: {  	[dreg:$0x3] =	wrdreg s4  }
0xaa: {  	[dreg:$0x4] =	wrdreg $0xC0  }
0xab: {  	_ =	task [dreg:s6], $0x5FFFF  }
0xac: {  	[dreg:$0x1] =	wrdreg $0xFFFFFFFF  }
0xad: {  	[dreg:$0x0] =	wrdreg $0x60  }
0xae: {  	[dreg:$0x2] =	wrdreg s24  }
0xaf: {  	[dreg:$0x3] =	wrdreg $0x9  }
0xb0: {  	_ =	task.clear_ibuf [dreg:s6], $0x4FFFF;
	_ =	strace $0x90000046  }
0xb1: {  	s29 =	simm.s32 $0x9;
	_ =	strace $0x80000048  }
0xb2: {  	_ =	swait.ge [sflag:s29], $0x1  }
0xb3: {  	[sflag:s29] =	ssyncadd.s32 $0xFFFFFFFF  }
0xb4: {  	_ =	strace $0x90000048  }
0xb5: {  	_ =	sfence  }
0xb6: {  	s30 =	sld [smem:$0x0];
	_ =	sdelay $0x2  }
0xb7: {  	s31 =	sshll.u32 s1, $0xD;
	s1 =	sshrl.u32 s1, $0x2  }
0xb8: {  	s3 =	sand.u32 $0x4000, s31;
	s1 =	sadd.s32 s1, s30  }
0xb9: {  	s0 =	sor.u32 s3, s0;
	s1 =	sshll.u32 s1, $0x11  }
0xba: {  	s0 =	sor.u32 s1, s0  }
0xbb: {  	s0 =	sadd.s32 $0x8F2B, s0  }
0xbc: {  	[sflag:s0] =	ssyncadd.remote.s32 $0x1  }
0xbd: {  	_ =	sfence.sel $0xFFFF  }
0xbe: {  	[dreg:$0x0] =	wrdreg $0xFFFFFFFF;
	(pc) =	sbr.abs _section_cstart, $3  }
0xbf: {  	[dreg:$0x1] =	wrdreg $0xFFFFFFFF  }
0xc0: {  	_ =	task.clear_ibuf [dreg:s6], $0x2FFFF;
	_ =	strace $0x9FFFFFFF  }
0xc1: {  	(tm) =	ssettm $0x7FFFFFFF  }
tec
execute0_lowered:
.L_overlay_start_1:
0x0: {  	(tag) =	ssettag $0x1  }
0x1: {  	s4 =	rddreg [dreg:$0x0];
	s2 =	simm.s32 $0x0;
	s3 =	srdreg.scid  }
0x2: {  	s0 =	stileid.u32;
	s30 =	simm.s32 $0x880;
	s31 =	simm.s32 $0x1080  }
0x3: {  	s10 =	simm.s32 $0x2880;
	s11 =	simm.s32 $0x3080;
	s12 =	simm.s32 $0x3880  }
0x4: {  	s13 =	simm.s32 $0x4080;
	s14 =	simm.s32 $0x4880;
	s15 =	simm.s32 $0x5080  }
0x5: {  	s16 =	simm.s32 $0x5880;
	s17 =	simm.s32 $0x6080;
	s18 =	simm.s32 $0x6880  }
0x6: {  	s19 =	simm.s32 $0x7080;
	s28 =	simm.s32 $0x1;
	s29 =	simm.s32 $0x0  }
0x7: {  	[smem:$0x7FF] =	sst s2;
	s5 =	sand.u32 $0x1, s3;
	s20 =	sadd.s32 $0x4C00, s4  }
0x8: {  	s21 =	sadd.s32 $0x4800, s4;
	_ =	strace $0x80000047;
	[dreg:$0x2] =	wrdreg s20  }
0x9: {  	s6 =	sshll.u32 s0, $0xE;
	s22 =	sadd.s32 $0x4400, s4;
	[dreg:$0x3] =	wrdreg s21  }
0xa: {  	s3 =	sadd.s32 $0x85000, s4;
	s23 =	sshll.u32 s0, $0x13;
	[dreg:$0x4] =	wrdreg s22  }
0xb: {  	s7 =	sshll.u32 s5, $0xD;
	s8 =	ssub.s32 $0x2, s5;
	[dreg:$0x9] =	wrdreg s30  }
0xc: {  	s5 =	sshll.u32 s5, $0x12;
	[dreg:$0xa] =	wrdreg s31;
	s20 =	simm.s32 $0x7880  }
0xd: {  	s21 =	simm.s32 $0x8080;
	s22 =	simm.s32 $0x8100;
	s6 =	sor.u32 s7, s6  }
0xe: {  	s7 =	sadd.s32 s23, s4;
	s24 =	sshrl.u32 s8, $0x1;
	s6 =	sshrl.u32 s6, $0x3  }
0xf: {  	s23 =	simm.s32 $0x8180;
	s5 =	sadd.s32 s5, s7;
	s6 =	sadd.s32 s6, s4  }
0x10: {  	s7 =	simm.s32 $0x80;
	s4 =	ssub.s32 s8, s24;
	s9 =	sadd.s32 $0xDD400, s6  }
0x11: {  	s5 =	sadd.s32 $0xE5400, s5;
	s25 =	sadd.s32 $0xD5400, s6;
	[dreg:$0x5] =	wrdreg s9  }
0x12: {  	s8 =	simm.s32 $0x1880;
	s26 =	sadd.s32 $0xCD400, s6;
	[dreg:$0x6] =	wrdreg s25  }
0x13: {  	v2 =	vlaneseq.u32;
	s24 =	simm.s32 $0x2;
	s6 =	sadd.s32 $0xC5400, s6;
	[dreg:$0x7] =	wrdreg s26  }
0x14: {  	vm0 =	vmmov $0xffff;
	v1 =	vshrl.u32 v2, $0x3;
	s4 =	smax.u32 s4, $0x1;
	[dreg:$0x8] =	wrdreg s6;
	s6 =	simm.s32 $0x5  }
0x15: {  	v0 =	vand.u32 $0x7, v2;
	v2 =	vor.u32 $0x8, v2;
	v1 =	vmul.u32 $0x8, v1;
	s9 =	simm.s32 $0x2080;
	s25 =	simm.s32 $0x3;
	s26 =	simm.s32 $0x4  }
.LBB2_1:
0x16: {  	s30 =	smov.u32 s5;
	s31 =	simm.s32 $0x0  }
.LBB2_2:
0x17: {  	s0 =	rddreg [dreg:$0x8]  }
0x18: {  	s0 =	sadd.s32 s31, s0  }
0x19: {  	[tilespmem:s2], [sflag:$0x5] =	stream.linear.gather [hbm4b:s0+s2], $0x80, $0x38;
	[tilespmem:$0x8200] =	vst v63  }
0x1a: {  	_ =	swait.ge [sflag:s6], $0x80  }
0x1b: {  	[sflag:s6] =	ssyncset.done $0x0  }
0x1c: {  	[sflag:s6] =	ssyncadd.s32 $0xFFFFFF80  }
0x1d: {  	v3 =	vld [tilespmem:$0x0];
	_ =	sdelay $0x4  }
0x1e: {  	v4 =	vshll.u32 v3, $0x1  }
0x1f: {  	v3 =	vand.u32 $0x7, v3;
	v4 =	vand.u32 $0xFFFFFFF0, v4  }
0x20: {  	v3 =	vor.u32 v3, v4  }
0x21: {  	v4 =	vperm.xlane v3, v0;
	_ =	sdelay $0x1  }
0x22: {  	v3 =	vperm.xlane v3, v2;
	v4 =	vadd.s32 v1, v4;
	_ =	sdelay $0x1  }
0x23: {  	v3 =	vadd.s32 v1, v3;
	_ =	sdelay $0x2  }
0x24: {  	[tilespmem:s7], [sflag:$0x1] =	stream.indirect_vreg.gather [hbm4b:s3+s2], $0x80, v4, vm0, $0xb8;
	[tilespmem:$0x8200] =	vst v63  }
0x25: {  	s1 =	rddreg [dreg:$0x9]  }
0x26: {  	[tilespmem:s1], [sflag:$0x1] =	stream.indirect_vreg.gather [hbm4b:s3+s2], $0x80, v3, vm0, $0xb8;
	[tilespmem:$0x8200] =	vst v63  }
0x27: {  	v3 =	vld [tilespmem:$0x10];
	_ =	sdelay $0x4  }
0x28: {  	v57 =	vshll.u32 v3, $0x1  }
0x29: {  	v3 =	vand.u32 $0x7, v3;
	v4 =	vand.u32 $0xFFFFFFF0, v57  }
0x2a: {  	v3 =	vor.u32 v3, v4  }
0x2b: {  	v4 =	vperm.xlane v3, v0;
	_ =	sdelay $0x1  }
0x2c: {  	v3 =	vperm.xlane v3, v2;
	v4 =	vadd.s32 v1, v4;
	_ =	sdelay $0x1  }
0x2d: {  	v3 =	vadd.s32 v1, v3;
	_ =	sdelay $0x1  }
0x2e: {  	s1 =	rddreg [dreg:$0xa]  }
0x2f: {  	[tilespmem:s1], [sflag:$0x1] =	stream.indirect_vreg.gather [hbm4b:s3+s2], $0x80, v4, vm0, $0xb8;
	[tilespmem:$0x8200] =	vst v63  }
0x30: {  	_ = 	snop  }
0x31: {  	[tilespmem:s8], [sflag:$0x1] =	stream.indirect_vreg.gather [hbm4b:s3+s2], $0x80, v3, vm0, $0xb8;
	[tilespmem:$0x8200] =	vst v63  }
0x32: {  	v3 =	vld [tilespmem:$0x20];
	_ =	sdelay $0x4  }
0x33: {  	v58 =	vshll.u32 v3, $0x1  }
0x34: {  	v3 =	vand.u32 $0x7, v3;
	v4 =	vand.u32 $0xFFFFFFF0, v58  }
0x35: {  	v3 =	vor.u32 v3, v4  }
0x36: {  	v4 =	vperm.xlane v3, v0;
	_ =	sdelay $0x1  }
0x37: {  	v3 =	vperm.xlane v3, v2;
	v4 =	vadd.s32 v1, v4;
	_ =	sdelay $0x1  }
0x38: {  	v3 =	vadd.s32 v1, v3;
	_ =	sdelay $0x2  }
0x39: {  	[tilespmem:s9], [sflag:$0x1] =	stream.indirect_vreg.gather [hbm4b:s3+s2], $0x80, v4, vm0, $0xb8;
	[tilespmem:$0x8200] =	vst v63  }
0x3a: {  	_ = 	snop  }
0x3b: {  	[tilespmem:s10], [sflag:$0x1] =	stream.indirect_vreg.gather [hbm4b:s3+s2], $0x80, v3, vm0, $0xb8;
	[tilespmem:$0x8200] =	vst v63  }
0x3c: {  	v3 =	vld [tilespmem:$0x30];
	_ =	sdelay $0x4  }
0x3d: {  	v59 =	vshll.u32 v3, $0x1  }
0x3e: {  	v3 =	vand.u32 $0x7, v3;
	v4 =	vand.u32 $0xFFFFFFF0, v59  }
0x3f: {  	v3 =	vor.u32 v3, v4  }
0x40: {  	v4 =	vperm.xlane v3, v0;
	_ =	sdelay $0x1  }
0x41: {  	v3 =	vperm.xlane v3, v2;
	v4 =	vadd.s32 v1, v4;
	_ =	sdelay $0x1  }
0x42: {  	v3 =	vadd.s32 v1, v3;
	_ =	sdelay $0x2  }
0x43: {  	[tilespmem:s11], [sflag:$0x1] =	stream.indirect_vreg.gather [hbm4b:s3+s2], $0x80, v4, vm0, $0xb8;
	[tilespmem:$0x8200] =	vst v63  }
0x44: {  	_ = 	snop  }
0x45: {  	[tilespmem:s12], [sflag:$0x1] =	stream.indirect_vreg.gather [hbm4b:s3+s2], $0x80, v3, vm0, $0xb8;
	[tilespmem:$0x8200] =	vst v63  }
0x46: {  	v3 =	vld [tilespmem:$0x40];
	_ =	sdelay $0x4  }
0x47: {  	v60 =	vshll.u32 v3, $0x1  }
0x48: {  	v3 =	vand.u32 $0x7, v3;
	v4 =	vand.u32 $0xFFFFFFF0, v60  }
0x49: {  	v3 =	vor.u32 v3, v4  }
0x4a: {  	v4 =	vperm.xlane v3, v0;
	_ =	sdelay $0x1  }
0x4b: {  	v3 =	vperm.xlane v3, v2;
	v4 =	vadd.s32 v1, v4;
	_ =	sdelay $0x1  }
0x4c: {  	v3 =	vadd.s32 v1, v3;
	_ =	sdelay $0x2  }
0x4d: {  	[tilespmem:s13], [sflag:$0x1] =	stream.indirect_vreg.gather [hbm4b:s3+s2], $0x80, v4, vm0, $0xb8;
	[tilespmem:$0x8200] =	vst v63  }
0x4e: {  	_ = 	snop  }
0x4f: {  	[tilespmem:s14], [sflag:$0x1] =	stream.indirect_vreg.gather [hbm4b:s3+s2], $0x80, v3, vm0, $0xb8;
	[tilespmem:$0x8200] =	vst v63  }
0x50: {  	v3 =	vld [tilespmem:$0x50];
	_ =	sdelay $0x4  }
0x51: {  	v61 =	vshll.u32 v3, $0x1  }
0x52: {  	v3 =	vand.u32 $0x7, v3;
	v4 =	vand.u32 $0xFFFFFFF0, v61  }
0x53: {  	v3 =	vor.u32 v3, v4  }
0x54: {  	v4 =	vperm.xlane v3, v0;
	_ =	sdelay $0x1  }
0x55: {  	v3 =	vperm.xlane v3, v2;
	v4 =	vadd.s32 v1, v4;
	_ =	sdelay $0x1  }
0x56: {  	v3 =	vadd.s32 v1, v3;
	_ =	sdelay $0x2  }
0x57: {  	[tilespmem:s15], [sflag:$0x1] =	stream.indirect_vreg.gather [hbm4b:s3+s2], $0x80, v4, vm0, $0xb8;
	[tilespmem:$0x8200] =	vst v63  }
0x58: {  	_ = 	snop  }
0x59: {  	[tilespmem:s16], [sflag:$0x1] =	stream.indirect_vreg.gather [hbm4b:s3+s2], $0x80, v3, vm0, $0xb8;
	[tilespmem:$0x8200] =	vst v63  }
0x5a: {  	v3 =	vld [tilespmem:$0x60];
	_ =	sdelay $0x4  }
0x5b: {  	v62 =	vshll.u32 v3, $0x1  }
0x5c: {  	v3 =	vand.u32 $0x7, v3;
	v4 =	vand.u32 $0xFFFFFFF0, v62  }
0x5d: {  	v3 =	vor.u32 v3, v4  }
0x5e: {  	v4 =	vperm.xlane v3, v0;
	_ =	sdelay $0x1  }
0x5f: {  	v3 =	vperm.xlane v3, v2;
	v4 =	vadd.s32 v1, v4;
	_ =	sdelay $0x1  }
0x60: {  	v3 =	vadd.s32 v1, v3;
	_ =	sdelay $0x2  }
0x61: {  	[tilespmem:s17], [sflag:$0x1] =	stream.indirect_vreg.gather [hbm4b:s3+s2], $0x80, v4, vm0, $0xb8;
	[tilespmem:$0x8200] =	vst v63  }
0x62: {  	_ = 	snop  }
0x63: {  	[tilespmem:s18], [sflag:$0x1] =	stream.indirect_vreg.gather [hbm4b:s3+s2], $0x80, v3, vm0, $0xb8;
	[tilespmem:$0x8200] =	vst v63  }
0x64: {  	v3 =	vld [tilespmem:$0x70];
	_ =	sdelay $0x4  }
0x65: {  	v63 =	vshll.u32 v3, $0x1  }
0x66: {  	v3 =	vand.u32 $0x7, v3;
	v4 =	vand.u32 $0xFFFFFFF0, v63  }
0x67: {  	v3 =	vor.u32 v3, v4  }
0x68: {  	v4 =	vperm.xlane v3, v0;
	_ =	sdelay $0x1  }
0x69: {  	v3 =	vperm.xlane v3, v2;
	v4 =	vadd.s32 v1, v4;
	_ =	sdelay $0x1  }
0x6a: {  	v3 =	vadd.s32 v1, v3;
	_ =	sdelay $0x2  }
0x6b: {  	[tilespmem:s19], [sflag:$0x1] =	stream.indirect_vreg.gather [hbm4b:s3+s2], $0x80, v4, vm0, $0xb8;
	[tilespmem:$0x8200] =	vst v63  }
0x6c: {  	_ = 	snop  }
0x6d: {  	[tilespmem:s20], [sflag:$0x1] =	stream.indirect_vreg.gather [hbm4b:s3+s2], $0x80, v3, vm0, $0xb8;
	[tilespmem:$0x8200] =	vst v63  }
0x6e: {  	s0 =	rddreg [dreg:$0x2]  }
0x6f: {  	[tilespmem:s21], [sflag:$0x2] =	stream.indirect.gather [hbm4b:s0+s7], $0x1, s2, s7, $0xb8;
	[tilespmem:$0x8200] =	vst v63  }
0x70: {  	s1 =	rddreg [dreg:$0x3]  }
0x71: {  	[tilespmem:s22], [sflag:$0x3] =	stream.indirect.gather [hbm4b:s1+s7], $0x1, s2, s7, $0xb8;
	[tilespmem:$0x8200] =	vst v63  }
0x72: {  	s0 =	rddreg [dreg:$0x4]  }
0x73: {  	[tilespmem:s23], [sflag:$0x4] =	stream.indirect.gather [hbm4b:s0+s7], $0x1, s2, s7, $0xb8;
	[tilespmem:$0x8200] =	vst v63  }
0x74: {  	_ =	swait.ge [sflag:s24], $0x80  }
0x75: {  	s1 =	rddreg [dreg:$0x7];
	[sflag:s24] =	ssyncset.done $0x0  }
0x76: {  	[sflag:s24] =	ssyncadd.s32 $0xFFFFFF80;
	s0 =	sadd.s32 s31, s1  }
0x77: {  	[hbm4b:s0+s2] =	stream.linear.scatter [tilespmem:s21], [sflag:$0x5], $0x80, $0x38;
	[tilespmem:$0x8200] =	vst v63  }
0x78: {  	_ =	swait.ge [sflag:s6], $0x80  }
0x79: {  	[sflag:s6] =	ssyncset.done $0x0  }
0x7a: {  	[sflag:s6] =	ssyncadd.s32 $0xFFFFFF80  }
0x7b: {  	_ =	swait.ge [sflag:s25], $0x80  }
0x7c: {  	s1 =	rddreg [dreg:$0x6];
	[sflag:s25] =	ssyncset.done $0x0  }
0x7d: {  	[sflag:s25] =	ssyncadd.s32 $0xFFFFFF80;
	s0 =	sadd.s32 s31, s1  }
0x7e: {  	[hbm4b:s0+s2] =	stream.linear.scatter [tilespmem:s22], [sflag:$0x5], $0x80, $0x38;
	[tilespmem:$0x8200] =	vst v63  }
0x7f: {  	_ =	swait.ge [sflag:s6], $0x80  }
0x80: {  	[sflag:s6] =	ssyncset.done $0x0  }
0x81: {  	[sflag:s6] =	ssyncadd.s32 $0xFFFFFF80  }
0x82: {  	_ =	swait.ge [sflag:s26], $0x80  }
0x83: {  	s1 =	rddreg [dreg:$0x5];
	[sflag:s26] =	ssyncset.done $0x0  }
0x84: {  	[sflag:s26] =	ssyncadd.s32 $0xFFFFFF80;
	s0 =	sadd.s32 s31, s1  }
0x85: {  	[hbm4b:s0+s2] =	stream.linear.scatter [tilespmem:s23], [sflag:$0x5], $0x80, $0x38;
	[tilespmem:$0x8200] =	vst v63  }
0x86: {  	_ =	swait.ge [sflag:s6], $0x80  }
0x87: {  	[sflag:s6] =	ssyncset.done $0x0  }
0x88: {  	[sflag:s6] =	ssyncadd.s32 $0xFFFFFF80  }
0x89: {  	_ =	swait.ge [sflag:s28], $0x8000  }
0x8a: {  	p0 =	sne.s32 s31, $0x3F0;
	[sflag:s28] =	ssyncset.done $0x0  }
.Ltmp0:
0x8b: {  	[sflag:s28] =	ssyncadd.s32 $0xFFFF8000;
	(pc) =	sbr.rel @p0 .LBB2_2-.Ltmp0, $4  }
0x8c: {  	[hbm4b:s30+s2] =	stream.linear.scatter [tilespmem:s7], [sflag:$0x5], $0x8000, $0x38;
	[tilespmem:$0x8200] =	vst v63  }
0x8d: {  	_ =	swait.ge [sflag:s6], $0x8000  }
0x8e: {  	[sflag:s6] =	ssyncset.done $0x0  }
0x8f: {  	s31 =	sadd.s32 $0x10, s31;
	s30 =	sadd.s32 $0x1000, s30;
	[sflag:s6] =	ssyncadd.s32 $0xFFFF8000  }
0x90: {  	s29 =	sadd.s32 $0x1, s29  }
0x91: {  	p0 =	sne.s32 s29, s4  }
.Ltmp1:
0x92: {  	_ = 	snop;
	(pc) =	sbr.rel @p0 .LBB2_1-.Ltmp1, $1  }
0x93: {  	_ =	sdelay $0x3  }
0x94: {  	_ =	sfence.sel $0x180000  }
0x95: {  	[bflag:$0x0] =	sbarrier.arrive $0xFFFF  }
0x96: {  	_ =	strace $0x90000047  }
0x97: {  	s0 =	stileid.u32;
	[bflag:$0x2] =	sbarrier.arrive $0xFFFF  }
0x98: {  	p0 =	sne.s32 s0, $0x0;
	s0 =	rddreg [dreg:$0x1]  }
0x99: {  	s0 =	sadd.s32 @!p0 $0x100000, s0  }
0x9a: {  	[sflag:s0] =	ssyncadd.tile.s32 @!p0 $0x1;
	_ =	shalt  }
.Lfunc_end2:
_tile_overlayer_lowered:
.L_overlay_start_2:
0x9b: {  	(tag) =	ssettag $0x2  }
0x9c: {  	s0 =	rddreg [dreg:$0x0];
	s2 =	stileid.u32  }
0x9d: {  	s1 =	rddreg [dreg:$0x1];
	p0 =	sne.s32 s2, $0x0  }
0x9e: {  	s3 =	rddreg [dreg:$0x2];
	[bflag:$0x3] =	sbarrier.arrive $0xFFFF;
	s2 =	simm.s32 @!p0 $0x1C05  }
0x9f: {  	[timem:s3], [sflag:s2] =	dma.local @!p0 [hbm:s0], s1  }
0xa0: {  	s0 =	simm.s32 @!p0 $0x5  }
0xa1: {  	_ =	swait.ge @!p0 [sflag:s0], s1  }
0xa2: {  	s1 =	ssub.s32 @!p0 $0x0, s1;
	[sflag:s0] =	ssyncset.done @!p0 $0x0  }
0xa3: {  	[sflag:s0] =	ssyncadd.s32 @!p0 s1  }
0xa4: {  	[bflag:$0x3] =	sbarrier.arrive $0xFFFF  }
0xa5: {  	_ =	shalt  }

</sc_bundles>
